<compile_context>
chip_gen: v7x
topology: tpu7x:2x2x1
jax: 0.10.2.dev20260603
libtpu: 0.0.44.dev20260713+nightly
codegen_flags: <defaults>
</compile_context>

<pallas_src>
import dataclasses
import functools

import jax
import jax.numpy as jnp
import numpy as np
from jax import lax
from jax.experimental import pallas as pl
from jax.experimental.pallas import tpu as pltpu
from jax.experimental.pallas import tpu_sc as plsc

N_NODES = 10000
NP = 10112
F1 = 16
NC, NS = 2, 16
NW = NC * NS
CB = 128
STRIPE = NP // NS


def _sc_compiler_params():
    cp = pltpu.CompilerParams()
    fields = pltpu.CompilerParams.__dataclass_fields__
    if "needs_layout_passes" in fields:
        cp = dataclasses.replace(cp, needs_layout_passes=False)
    if "use_tc_tiling_on_sc" in fields:
        cp = dataclasses.replace(cp, use_tc_tiling_on_sc=False)
    return cp


def _split_edges(ei):
    e = ei.shape[1]
    assert e % CB == 0
    rows = e // CB
    rt = -(-rows // (NW * 8)) * 8
    padr = rt * NW - rows
    pad1 = (N_NODES + (np.arange(max(padr, 1) * CB) % (NP - N_NODES)))
    pad3 = jnp.asarray(
        np.broadcast_to(pad1.reshape(1, -1, CB), (2, max(padr, 1), CB)),
        dtype=jnp.int32)
    return ei.reshape(2, rows, CB), pad3, rows, rt


def _stage_indices(ei_hbm, pad_hbm, wid, esrc, edst, rows, rt,
                   sem, do_wait):
    full = rows // rt
    rem = rows % rt

    def emit(src, dst):
        if do_wait:
            pltpu.make_async_copy(src, dst, sem).wait()
        else:
            pltpu.async_copy(src, dst, sem)

    if full > 0:
        @pl.when(wid < full)
        def _():
            emit(ei_hbm.at[0, pl.ds(wid * rt, rt)], esrc)
            emit(ei_hbm.at[1, pl.ds(wid * rt, rt)], edst)

    if rem > 0:
        @pl.when(wid == full)
        def _():
            emit(ei_hbm.at[0, pl.ds(full * rt, rem)],
                 esrc.at[pl.ds(0, rem)])
            emit(ei_hbm.at[1, pl.ds(full * rt, rem)],
                 edst.at[pl.ds(0, rem)])
            emit(pad_hbm.at[0, pl.ds(0, rt - rem)],
                 esrc.at[pl.ds(rem, rt - rem)])
            emit(pad_hbm.at[1, pl.ds(0, rt - rem)],
                 edst.at[pl.ds(rem, rt - rem)])

    first_all_pad = full + (1 if rem else 0)
    if first_all_pad < NW:
        @pl.when(wid >= first_all_pad)
        def _():
            base = wid * rt - rows
            emit(pad_hbm.at[0, pl.ds(base, rt)], esrc)
            emit(pad_hbm.at[1, pl.ds(base, rt)], edst)


def _sc_degree(ei3, pad3, rows, rt):
    mesh = plsc.VectorSubcoreMesh(core_axis_name="c", subcore_axis_name="s")

    @functools.partial(
        pl.kernel,
        out_type=jax.ShapeDtypeStruct((NW, NP), jnp.float32),
        mesh=mesh,
        scratch_types=[
            pltpu.VMEM((NP,), jnp.float32),
            pltpu.VMEM((rt, CB), jnp.int32),
            pltpu.VMEM((rt, CB), jnp.int32),
            pltpu.SemaphoreType.DMA,
        ],
        compiler_params=_sc_compiler_params(),
    )
    def deg_kernel(ei_hbm, pad_hbm, out_hbm, hist, esrc, edst, ssem):
        cid = lax.axis_index("c")
        sid = lax.axis_index("s")
        wid = cid * NS + sid

        _stage_indices(ei_hbm, pad_hbm, wid, esrc, edst, rows, rt,
                       ssem, False)

        @pl.loop(0, NP // 16)
        def _(i):
            hist[pl.ds(i * 16, 16)] = jnp.zeros((16,), jnp.float32)

        _stage_indices(ei_hbm, pad_hbm, wid, esrc, edst, rows, rt,
                       ssem, True)

        ones = jnp.ones((16,), jnp.float32)

        @pl.loop(0, rt)
        def _(j):
            for buf in (esrc, edst):
                for k in range(CB // 16):
                    idx = buf[j, pl.ds(k * 16, 16)]
                    plsc.addupdate_scatter(hist, [idx], ones)

        pltpu.sync_copy(hist, out_hbm.at[wid])

    return deg_kernel(ei3, pad3)


def _sc_aggregate(y, ei3, pad3, rows, rt):
    mesh = plsc.VectorSubcoreMesh(core_axis_name="c", subcore_axis_name="s")

    @functools.partial(
        pl.kernel,
        out_type=jax.ShapeDtypeStruct((NC, NP, F1), jnp.float32),
        mesh=mesh,
        scratch_types=[
            pltpu.VMEM_SHARED((NP, F1), jnp.float32),
            pltpu.VMEM((rt, CB), jnp.int32),
            pltpu.VMEM((rt, CB), jnp.int32),
            *([pltpu.VMEM((CB, F1), jnp.float32)] * 8),
            pltpu.VMEM((STRIPE, F1), jnp.float32),
            *([pltpu.SemaphoreType.DMA] * 9),
        ],
        compiler_params=_sc_compiler_params(),
    )
    def agg_kernel(y_hbm, ei_hbm, pad_hbm, out_hbm, acc, esrc, edst,
                   *rest):
        cid = lax.axis_index("c")
        sid = lax.axis_index("s")
        wid = cid * NS + sid

        bufs = rest[:8]
        zbuf = rest[8]
        sems = rest[9:]
        nbuf = 4
        slots = tuple((bufs[2 * b], bufs[2 * b + 1],
                       sems[2 * b], sems[2 * b + 1])
                      for b in range(nbuf))

        ssem = sems[8]
        _stage_indices(ei_hbm, pad_hbm, wid, esrc, edst, rows, rt,
                       ssem, False)

        @pl.loop(0, STRIPE)
        def _(i):
            zbuf[i, :] = jnp.zeros((16,), jnp.float32)

        pltpu.sync_copy(zbuf, acc.at[pl.ds(sid * STRIPE, STRIPE)])
        plsc.subcore_barrier()

        _stage_indices(ei_hbm, pad_hbm, wid, esrc, edst, rows, rt,
                       ssem, True)

        for b in range(nbuf):
            ra, rb, sa, sb = slots[b]
            pltpu.async_copy(y_hbm.at[esrc.at[b]], ra, sa)
            pltpu.async_copy(y_hbm.at[edst.at[b]], rb, sb)

        @pl.loop(0, rt, step=nbuf)
        def _(j):
            for b in range(nbuf):
                ra, rb, sa, sb = slots[b]
                jc = j + b
                pltpu.make_async_copy(y_hbm.at[esrc.at[jc]], ra, sa).wait()
                pltpu.sync_copy(ra, acc.at[edst.at[jc]], add=True)
                pltpu.make_async_copy(y_hbm.at[edst.at[jc]], rb, sb).wait()
                pltpu.sync_copy(rb, acc.at[esrc.at[jc]], add=True)

                @pl.when(jc + nbuf < rt)
                def _():
                    pltpu.async_copy(y_hbm.at[esrc.at[jc + nbuf]], ra, sa)
                    pltpu.async_copy(y_hbm.at[edst.at[jc + nbuf]], rb, sb)

        plsc.subcore_barrier()
        pltpu.sync_copy(acc.at[pl.ds(sid * STRIPE, STRIPE)],
                        out_hbm.at[cid, pl.ds(sid * STRIPE, STRIPE)])

    return agg_kernel(y, ei3, pad3)


def _tc_project(x, w):
    n, kdim = x.shape
    f = w.shape[1]
    nb = 5
    bs = n // nb

    def body(x_ref, w_ref, o_ref):
        o_ref[...] = jnp.dot(x_ref[...], w_ref[...],
                             preferred_element_type=jnp.float32,
                             precision=lax.Precision.HIGHEST)

    return pl.pallas_call(
        body,
        grid=(nb,),
        in_specs=[pl.BlockSpec((bs, kdim), lambda i: (i, 0)),
                  pl.BlockSpec((kdim, f), lambda i: (0, 0))],
        out_specs=pl.BlockSpec((bs, f), lambda i: (i, 0)),
        out_shape=jax.ShapeDtypeStruct((n, f), jnp.float32),
    )(x, w)


def _tc_norm_scale(partials, u):
    def body(p_ref, u_ref, y_ref, n_ref):
        ones = jnp.ones((NW, 1), jnp.float32)
        deg = lax.dot_general(p_ref[...], ones, (((0,), (0,)), ((), ())),
                              preferred_element_type=jnp.float32)
        nc = lax.rsqrt(jnp.maximum(deg, 1.0))
        n_ref[...] = nc
        y_ref[pl.ds(0, N_NODES), :] = u_ref[...] * nc[:N_NODES, :]
        y_ref[pl.ds(N_NODES, NP - N_NODES), :] = jnp.zeros(
            (NP - N_NODES, F1), jnp.float32)

    return pl.pallas_call(
        body,
        out_shape=(jax.ShapeDtypeStruct((NP, F1), jnp.float32),
                   jax.ShapeDtypeStruct((NP, 1), jnp.float32)),
    )(partials, u)


def _tc_mid(parts, norm_col, b1):
    def body(p_ref, n_ref, b_ref, o_ref):
        agg = p_ref[0] + p_ref[1]
        nrm = n_ref[...]
        t = agg * nrm + b_ref[...]
        h = jnp.where(t > 0, t, jnp.exp(t) - 1.0)
        o_ref[...] = h * nrm

    return pl.pallas_call(
        body, out_shape=jax.ShapeDtypeStruct((NP, F1), jnp.float32),
    )(parts, norm_col, b1)


def _tc_final(parts, norm_col, w2, b2):
    f2 = w2.shape[1]

    def body(q_ref, n_ref, w_ref, b_ref, o_ref):
        agg = q_ref[0, pl.ds(0, N_NODES), :] + q_ref[1, pl.ds(0, N_NODES), :]
        agg = agg * n_ref[pl.ds(0, N_NODES), :]
        o_ref[...] = jnp.dot(agg, w_ref[...],
                             preferred_element_type=jnp.float32,
                             precision=lax.Precision.HIGHEST) + b_ref[...]

    return pl.pallas_call(
        body, out_shape=jax.ShapeDtypeStruct((N_NODES, f2), jnp.float32),
    )(parts, norm_col, w2, b2)


def kernel(x, edge_index, W1, b1, W2, b2):
    ei3, pad3, rows, rt = _split_edges(edge_index.astype(jnp.int32))
    partials = _sc_degree(ei3, pad3, rows, rt)
    u1 = _tc_project(x, W1)
    y, norm_col = _tc_norm_scale(partials, u1)
    p1 = _sc_aggregate(y, ei3, pad3, rows, rt)
    z = _tc_mid(p1, norm_col, jnp.reshape(b1, (1, F1)))
    p2 = _sc_aggregate(z, ei3, pad3, rows, rt)
    return _tc_final(p2, norm_col, W2, jnp.reshape(b2, (1, -1)))

# --- scband reference (transcript-rebuilt; emitter-appended) ---
"""Pipeline reference for scband-gcn-88261577932901 (READ-ONLY COPY).

The authoritative reference and input builder live on the scoring server;
editing this copy changes nothing except your own understanding.
"""

import jax, jax.numpy as jnp
import numpy as np

N_NODES = 10000


def _graph_conv(x, W, b, src, dst, n_nodes):
    # DGL GraphConv with norm='both':
    # out = D_in^{-1/2} * A * D_out^{-1/2} * X * W + b, degrees clamped to min 1.
    ones = jnp.ones(src.shape[0], dtype=x.dtype)
    deg_out = jnp.zeros(n_nodes, dtype=x.dtype).at[src].add(ones)
    deg_in = jnp.zeros(n_nodes, dtype=x.dtype).at[dst].add(ones)
    norm_out = jax.lax.rsqrt(jnp.clip(deg_out, 1.0, None))
    norm_in = jax.lax.rsqrt(jnp.clip(deg_in, 1.0, None))
    h = x * norm_out[:, None]
    msgs = jnp.take(h, src, axis=0)
    agg = jnp.zeros((n_nodes, x.shape[1]), dtype=x.dtype).at[dst].add(msgs)
    agg = agg * norm_in[:, None]
    return agg @ W + b


def setup_inputs(seed: int = 0) -> dict:
    key = jax.random.key(seed)
    k1, k2, k3, k4 = jax.random.split(key, 4)
    x = jax.random.normal(k1, (N_NODES, 256), dtype=jnp.float32)
    edge_index = jax.random.randint(k2, (2, 160000), 0, N_NODES, dtype=jnp.int64)
    # GraphConv weights (glorot-ish scaling)
    W1 = jax.random.normal(k3, (256, 16), dtype=jnp.float32) * (1.0 / np.sqrt(256.0))
    b1 = jnp.zeros((16,), dtype=jnp.float32)
    W2 = jax.random.normal(k4, (16, 64), dtype=jnp.float32) * (1.0 / np.sqrt(16.0))
    b2 = jnp.zeros((64,), dtype=jnp.float32)
    return {"x": x, "edge_index": edge_index, "W1": W1, "b1": b1, "W2": W2, "b2": b2}


def reference(x, edge_index, W1, b1, W2, b2):
    # g = dgl.add_reverse_edges(g)
    src0 = edge_index[0]
    dst0 = edge_index[1]
    src = jnp.concatenate([src0, dst0])
    dst = jnp.concatenate([dst0, src0])
    h = _graph_conv(x, W1, b1, src, dst, N_NODES)
    h = jax.nn.elu(h)
    h = _graph_conv(h, W2, b2, src, dst, N_NODES)
    return h

if __name__ == "__main__":
    import jax
    _d = setup_inputs()
    print(jax.jit(kernel)(*tuple(_d.values())))

</pallas_src>

<mosaic_0001>
#map = affine_map<(d0, d1) -> (0, 0)>
#map1 = affine_map<(d0, d1) -> (0, 0, 0)>
module attributes {stable_mosaic.version = 14 : i64} {
  func.func @agg_kernel(%arg0: i32, %arg1: i32, %arg2: memref<10112x16xf32, #tpu.memory_space<hbm>>, %arg3: memref<2x1250x128xi32, #tpu.memory_space<hbm>>, %arg4: memref<2x30x128xi32, #tpu.memory_space<hbm>>, %arg5: memref<2x10112x16xf32, #tpu.memory_space<hbm>>, %arg6: memref<10112x16xf32, #tpu.memory_space<vmem_shared>>, %arg7: memref<40x128xi32, #tpu.memory_space<vmem>>, %arg8: memref<40x128xi32, #tpu.memory_space<vmem>>, %arg9: memref<128x16xf32, #tpu.memory_space<vmem>>, %arg10: memref<128x16xf32, #tpu.memory_space<vmem>>, %arg11: memref<128x16xf32, #tpu.memory_space<vmem>>, %arg12: memref<128x16xf32, #tpu.memory_space<vmem>>, %arg13: memref<128x16xf32, #tpu.memory_space<vmem>>, %arg14: memref<128x16xf32, #tpu.memory_space<vmem>>, %arg15: memref<128x16xf32, #tpu.memory_space<vmem>>, %arg16: memref<128x16xf32, #tpu.memory_space<vmem>>, %arg17: memref<632x16xf32, #tpu.memory_space<vmem>>, %arg18: memref<!tpu.dma_semaphore, #tpu.memory_space<semaphore_mem>>, %arg19: memref<!tpu.dma_semaphore, #tpu.memory_space<semaphore_mem>>, %arg20: memref<!tpu.dma_semaphore, #tpu.memory_space<semaphore_mem>>, %arg21: memref<!tpu.dma_semaphore, #tpu.memory_space<semaphore_mem>>, %arg22: memref<!tpu.dma_semaphore, #tpu.memory_space<semaphore_mem>>, %arg23: memref<!tpu.dma_semaphore, #tpu.memory_space<semaphore_mem>>, %arg24: memref<!tpu.dma_semaphore, #tpu.memory_space<semaphore_mem>>, %arg25: memref<!tpu.dma_semaphore, #tpu.memory_space<semaphore_mem>>, %arg26: memref<!tpu.dma_semaphore, #tpu.memory_space<semaphore_mem>>) attributes {dimension_semantics = [#tpu.dimension_semantics<core_parallel>, #tpu.dimension_semantics<subcore_parallel>], iteration_bounds = array<i64: 2, 16>, scalar_prefetch = 0 : i64, scratch_operands = 21 : i64, tpu.core_type = #tpu.core_type<sc_vector_subcore>, window_params = [{transform_indices = #map}, {transform_indices = #map1}, {transform_indices = #map1}, {transform_indices = #map1}]} {
    %mul3A = arith.constant 16 : i32
    %mul3A_0 = arith.muli %arg0, %mul3A : i32
    %add3A = arith.addi %mul3A_0, %arg1 : i32
    %lt3A = arith.constant 31 : i32
    %lt3A_1 = arith.cmpi slt, %add3A, %lt3A : i32
    %convert_element_type3A = arith.extui %lt3A_1 : i1 to i32
    %cond3A = arith.constant 0 : i32
    %cond3A_2 = arith.cmpi ne, %convert_element_type3A, %cond3A : i32
    scf.if %cond3A_2 {
      %mul3A_88 = arith.constant 40 : i32
      %mul3A_89 = arith.muli %add3A, %mul3A_88 : i32
      %dma_start3A_90 = arith.constant 0 : i32
      %dma_start3A_91 = arith.constant 0 : i32
      %dma_start3A_92 = tpu.memref_slice %arg3[%dma_start3A_90, %mul3A_89, %dma_start3A_91] : memref<2x1250x128xi32, #tpu.memory_space<hbm>> -> memref<1x40x128xi32, #tpu.memory_space<hbm>>
      %dma_start3A_93 = tpu.memref_squeeze %dma_start3A_92 : memref<1x40x128xi32, #tpu.memory_space<hbm>> -> memref<40x128xi32, #tpu.memory_space<hbm>>
      %dma_start3A_94 = arith.constant 0 : i32
      %dma_start3A_95 = tpu.memref_slice %arg3[%dma_start3A_90, %mul3A_89, %dma_start3A_94] : memref<2x1250x128xi32, #tpu.memory_space<hbm>> -> memref<1x40x128xi32, #tpu.memory_space<hbm>>
      %dma_start3A_96 = tpu.memref_squeeze %dma_start3A_95 : memref<1x40x128xi32, #tpu.memory_space<hbm>> -> memref<40x128xi32, #tpu.memory_space<hbm>>
      tpu.enqueue_dma source(%dma_start3A_96 : memref<40x128xi32, #tpu.memory_space<hbm>>) target(%arg7 : memref<40x128xi32, #tpu.memory_space<vmem>>) target_semaphore(%arg26 : memref<!tpu.dma_semaphore, #tpu.memory_space<semaphore_mem>>)
      %mul3A_97 = arith.constant 40 : i32
      %mul3A_98 = arith.muli %add3A, %mul3A_97 : i32
      %dma_start3A_99 = arith.constant 1 : i32
      %dma_start3A_100 = arith.constant 0 : i32
      %dma_start3A_101 = tpu.memref_slice %arg3[%dma_start3A_99, %mul3A_98, %dma_start3A_100] : memref<2x1250x128xi32, #tpu.memory_space<hbm>> -> memref<1x40x128xi32, #tpu.memory_space<hbm>>
      %dma_start3A_102 = tpu.memref_squeeze %dma_start3A_101 : memref<1x40x128xi32, #tpu.memory_space<hbm>> -> memref<40x128xi32, #tpu.memory_space<hbm>>
      %dma_start3A_103 = arith.constant 0 : i32
      %dma_start3A_104 = tpu.memref_slice %arg3[%dma_start3A_99, %mul3A_98, %dma_start3A_103] : memref<2x1250x128xi32, #tpu.memory_space<hbm>> -> memref<1x40x128xi32, #tpu.memory_space<hbm>>
      %dma_start3A_105 = tpu.memref_squeeze %dma_start3A_104 : memref<1x40x128xi32, #tpu.memory_space<hbm>> -> memref<40x128xi32, #tpu.memory_space<hbm>>
      tpu.enqueue_dma source(%dma_start3A_105 : memref<40x128xi32, #tpu.memory_space<hbm>>) target(%arg8 : memref<40x128xi32, #tpu.memory_space<vmem>>) target_semaphore(%arg26 : memref<!tpu.dma_semaphore, #tpu.memory_space<semaphore_mem>>)
    } else {
    }
    %eq3A = arith.constant 31 : i32
    %eq3A_3 = arith.cmpi eq, %add3A, %eq3A : i32
    %convert_element_type3A_4 = arith.extui %eq3A_3 : i1 to i32
    %cond3A_5 = arith.constant 0 : i32
    %cond3A_6 = arith.cmpi ne, %convert_element_type3A_4, %cond3A_5 : i32
    scf.if %cond3A_6 {
      %dma_start3A_88 = arith.constant 0 : i32
      %dma_start3A_89 = arith.constant 0 : i32
      %dma_start3A_90 = arith.constant 0 : i32
      %dma_start3A_91 = tpu.memref_slice %arg7[%dma_start3A_89, %dma_start3A_90] : memref<40x128xi32, #tpu.memory_space<vmem>> -> memref<10x128xi32, #tpu.memory_space<vmem>>
      %dma_start3A_92 = arith.constant 1240 : i32
      %dma_start3A_93 = arith.constant 0 : i32
      %dma_start3A_94 = tpu.memref_slice %arg3[%dma_start3A_88, %dma_start3A_92, %dma_start3A_93] : memref<2x1250x128xi32, #tpu.memory_space<hbm>> -> memref<1x10x128xi32, #tpu.memory_space<hbm>>
      %dma_start3A_95 = tpu.memref_squeeze %dma_start3A_94 : memref<1x10x128xi32, #tpu.memory_space<hbm>> -> memref<10x128xi32, #tpu.memory_space<hbm>>
      %dma_start3A_96 = arith.constant 0 : i32
      %dma_start3A_97 = arith.constant 0 : i32
      %dma_start3A_98 = tpu.memref_slice %arg7[%dma_start3A_96, %dma_start3A_97] : memref<40x128xi32, #tpu.memory_space<vmem>> -> memref<10x128xi32, #tpu.memory_space<vmem>>
      %dma_start3A_99 = arith.constant 1240 : i32
      %dma_start3A_100 = arith.constant 0 : i32
      %dma_start3A_101 = tpu.memref_slice %arg3[%dma_start3A_88, %dma_start3A_99, %dma_start3A_100] : memref<2x1250x128xi32, #tpu.memory_space<hbm>> -> memref<1x10x128xi32, #tpu.memory_space<hbm>>
      %dma_start3A_102 = tpu.memref_squeeze %dma_start3A_101 : memref<1x10x128xi32, #tpu.memory_space<hbm>> -> memref<10x128xi32, #tpu.memory_space<hbm>>
      tpu.enqueue_dma source(%dma_start3A_102 : memref<10x128xi32, #tpu.memory_space<hbm>>) target(%dma_start3A_98 : memref<10x128xi32, #tpu.memory_space<vmem>>) target_semaphore(%arg26 : memref<!tpu.dma_semaphore, #tpu.memory_space<semaphore_mem>>)
      %dma_start3A_103 = arith.constant 1 : i32
      %dma_start3A_104 = arith.constant 0 : i32
      %dma_start3A_105 = arith.constant 0 : i32
      %dma_start3A_106 = tpu.memref_slice %arg8[%dma_start3A_104, %dma_start3A_105] : memref<40x128xi32, #tpu.memory_space<vmem>> -> memref<10x128xi32, #tpu.memory_space<vmem>>
      %dma_start3A_107 = arith.constant 1240 : i32
      %dma_start3A_108 = arith.constant 0 : i32
      %dma_start3A_109 = tpu.memref_slice %arg3[%dma_start3A_103, %dma_start3A_107, %dma_start3A_108] : memref<2x1250x128xi32, #tpu.memory_space<hbm>> -> memref<1x10x128xi32, #tpu.memory_space<hbm>>
      %dma_start3A_110 = tpu.memref_squeeze %dma_start3A_109 : memref<1x10x128xi32, #tpu.memory_space<hbm>> -> memref<10x128xi32, #tpu.memory_space<hbm>>
      %dma_start3A_111 = arith.constant 0 : i32
      %dma_start3A_112 = arith.constant 0 : i32
      %dma_start3A_113 = tpu.memref_slice %arg8[%dma_start3A_111, %dma_start3A_112] : memref<40x128xi32, #tpu.memory_space<vmem>> -> memref<10x128xi32, #tpu.memory_space<vmem>>
      %dma_start3A_114 = arith.constant 1240 : i32
      %dma_start3A_115 = arith.constant 0 : i32
      %dma_start3A_116 = tpu.memref_slice %arg3[%dma_start3A_103, %dma_start3A_114, %dma_start3A_115] : memref<2x1250x128xi32, #tpu.memory_space<hbm>> -> memref<1x10x128xi32, #tpu.memory_space<hbm>>
      %dma_start3A_117 = tpu.memref_squeeze %dma_start3A_116 : memref<1x10x128xi32, #tpu.memory_space<hbm>> -> memref<10x128xi32, #tpu.memory_space<hbm>>
      tpu.enqueue_dma source(%dma_start3A_117 : memref<10x128xi32, #tpu.memory_space<hbm>>) target(%dma_start3A_113 : memref<10x128xi32, #tpu.memory_space<vmem>>) target_semaphore(%arg26 : memref<!tpu.dma_semaphore, #tpu.memory_space<semaphore_mem>>)
      %dma_start3A_118 = arith.constant 0 : i32
      %dma_start3A_119 = arith.constant 10 : i32
      %dma_start3A_120 = arith.constant 0 : i32
      %dma_start3A_121 = tpu.memref_slice %arg7[%dma_start3A_119, %dma_start3A_120] : memref<40x128xi32, #tpu.memory_space<vmem>> -> memref<30x128xi32, #tpu.memory_space<vmem>>
      %dma_start3A_122 = arith.constant 0 : i32
      %dma_start3A_123 = arith.constant 0 : i32
      %dma_start3A_124 = tpu.memref_slice %arg4[%dma_start3A_118, %dma_start3A_122, %dma_start3A_123] : memref<2x30x128xi32, #tpu.memory_space<hbm>> -> memref<1x30x128xi32, #tpu.memory_space<hbm>>
      %dma_start3A_125 = tpu.memref_squeeze %dma_start3A_124 : memref<1x30x128xi32, #tpu.memory_space<hbm>> -> memref<30x128xi32, #tpu.memory_space<hbm>>
      %dma_start3A_126 = arith.constant 10 : i32
      %dma_start3A_127 = arith.constant 0 : i32
      %dma_start3A_128 = tpu.memref_slice %arg7[%dma_start3A_126, %dma_start3A_127] : memref<40x128xi32, #tpu.memory_space<vmem>> -> memref<30x128xi32, #tpu.memory_space<vmem>>
      %dma_start3A_129 = arith.constant 0 : i32
      %dma_start3A_130 = arith.constant 0 : i32
      %dma_start3A_131 = tpu.memref_slice %arg4[%dma_start3A_118, %dma_start3A_129, %dma_start3A_130] : memref<2x30x128xi32, #tpu.memory_space<hbm>> -> memref<1x30x128xi32, #tpu.memory_space<hbm>>
      %dma_start3A_132 = tpu.memref_squeeze %dma_start3A_131 : memref<1x30x128xi32, #tpu.memory_space<hbm>> -> memref<30x128xi32, #tpu.memory_space<hbm>>
      tpu.enqueue_dma source(%dma_start3A_132 : memref<30x128xi32, #tpu.memory_space<hbm>>) target(%dma_start3A_128 : memref<30x128xi32, #tpu.memory_space<vmem>>) target_semaphore(%arg26 : memref<!tpu.dma_semaphore, #tpu.memory_space<semaphore_mem>>)
      %dma_start3A_133 = arith.constant 1 : i32
      %dma_start3A_134 = arith.constant 10 : i32
      %dma_start3A_135 = arith.constant 0 : i32
      %dma_start3A_136 = tpu.memref_slice %arg8[%dma_start3A_134, %dma_start3A_135] : memref<40x128xi32, #tpu.memory_space<vmem>> -> memref<30x128xi32, #tpu.memory_space<vmem>>
      %dma_start3A_137 = arith.constant 0 : i32
      %dma_start3A_138 = arith.constant 0 : i32
      %dma_start3A_139 = tpu.memref_slice %arg4[%dma_start3A_133, %dma_start3A_137, %dma_start3A_138] : memref<2x30x128xi32, #tpu.memory_space<hbm>> -> memref<1x30x128xi32, #tpu.memory_space<hbm>>
      %dma_start3A_140 = tpu.memref_squeeze %dma_start3A_139 : memref<1x30x128xi32, #tpu.memory_space<hbm>> -> memref<30x128xi32, #tpu.memory_space<hbm>>
      %dma_start3A_141 = arith.constant 10 : i32
      %dma_start3A_142 = arith.constant 0 : i32
      %dma_start3A_143 = tpu.memref_slice %arg8[%dma_start3A_141, %dma_start3A_142] : memref<40x128xi32, #tpu.memory_space<vmem>> -> memref<30x128xi32, #tpu.memory_space<vmem>>
      %dma_start3A_144 = arith.constant 0 : i32
      %dma_start3A_145 = arith.constant 0 : i32
      %dma_start3A_146 = tpu.memref_slice %arg4[%dma_start3A_133, %dma_start3A_144, %dma_start3A_145] : memref<2x30x128xi32, #tpu.memory_space<hbm>> -> memref<1x30x128xi32, #tpu.memory_space<hbm>>
      %dma_start3A_147 = tpu.memref_squeeze %dma_start3A_146 : memref<1x30x128xi32, #tpu.memory_space<hbm>> -> memref<30x128xi32, #tpu.memory_space<hbm>>
      tpu.enqueue_dma source(%dma_start3A_147 : memref<30x128xi32, #tpu.memory_space<hbm>>) target(%dma_start3A_143 : memref<30x128xi32, #tpu.memory_space<vmem>>) target_semaphore(%arg26 : memref<!tpu.dma_semaphore, #tpu.memory_space<semaphore_mem>>)
    } else {
    }
    %scan3A = arith.constant 0 : i32
    %scan3A_7 = arith.constant 632 : i32
    %scan3A_8 = arith.addi %scan3A, %scan3A_7 : i32
    %scan3A_9 = arith.constant 1 : i32
    scf.for %scan3A_88 = %scan3A to %scan3A_8 step %scan3A_9  : i32 {
      %mul3A_89 = arith.constant 1 : i32
      %mul3A_90 = arith.muli %scan3A_88, %mul3A_89 : i32
      %add3A_91 = arith.constant 0 : i32
      %add3A_92 = arith.addi %add3A_91, %mul3A_90 : i32
      %broadcast_in_dim3A = arith.constant 0.000000e+00 : f32
      %broadcast_in_dim3A_93 = vector.broadcast %broadcast_in_dim3A : f32 to vector<16xf32>
      %swap3A = arith.index_cast %add3A_92 : i32 to index
      %swap3A_94 = arith.constant 0 : index
      %swap3A_95 = tpu.vector_load %arg17[%swap3A, %swap3A_94] {strides = array<i32>} : memref<632x16xf32, #tpu.memory_space<vmem>>, vector<16xf32>,
      tpu.vector_store %arg17[%swap3A, %swap3A_94], %broadcast_in_dim3A_93 {strides = array<i32>} : memref<632x16xf32, #tpu.memory_space<vmem>>, vector<16xf32>,
    }
    %scan3A_10 = arith.constant 632 : i32
    %mul3A_11 = arith.constant 632 : i32
    %mul3A_12 = arith.muli %arg1, %mul3A_11 : i32
    "tpu.region"() ({
      %run_scoped3A = tpu.sem_alloc : memref<!tpu.dma_semaphore, #tpu.memory_space<semaphore_mem>>
      %dma_start3A_88 = arith.constant 0 : i32
      %dma_start3A_89 = tpu.memref_slice %arg6[%mul3A_12, %dma_start3A_88] : memref<10112x16xf32, #tpu.memory_space<vmem_shared>> -> memref<632x16xf32, #tpu.memory_space<vmem_shared>>
      %dma_start3A_90 = arith.constant 0 : i32
      %dma_start3A_91 = tpu.memref_slice %arg6[%mul3A_12, %dma_start3A_90] : memref<10112x16xf32, #tpu.memory_space<vmem_shared>> -> memref<632x16xf32, #tpu.memory_space<vmem_shared>>
      tpu.enqueue_dma source(%arg17 : memref<632x16xf32, #tpu.memory_space<vmem>>) target(%dma_start3A_91 : memref<632x16xf32, #tpu.memory_space<vmem_shared>>) target_semaphore(%run_scoped3A : memref<!tpu.dma_semaphore, #tpu.memory_space<semaphore_mem>>)
      %dma_wait3A = arith.constant 0 : i32
      %dma_wait3A_92 = tpu.memref_slice %arg6[%mul3A_12, %dma_wait3A] : memref<10112x16xf32, #tpu.memory_space<vmem_shared>> -> memref<632x16xf32, #tpu.memory_space<vmem_shared>>
      %dma_wait3A_93 = arith.constant 0 : i32
      %dma_wait3A_94 = tpu.memref_slice %arg6[%mul3A_12, %dma_wait3A_93] : memref<10112x16xf32, #tpu.memory_space<vmem_shared>> -> memref<632x16xf32, #tpu.memory_space<vmem_shared>>
      tpu.wait_dma2 semaphore(%run_scoped3A : memref<!tpu.dma_semaphore, #tpu.memory_space<semaphore_mem>>) src(%arg17 : memref<632x16xf32, #tpu.memory_space<vmem>>) dst(%dma_wait3A_94 : memref<632x16xf32, #tpu.memory_space<vmem_shared>>)
      tpu.yield
    }) : () -> ()
    %barrier3A = arith.constant 0 : index
    tpu.barrier barrier_id(%barrier3A)
    %lt3A_13 = arith.constant 31 : i32
    %lt3A_14 = arith.cmpi slt, %add3A, %lt3A_13 : i32
    %convert_element_type3A_15 = arith.extui %lt3A_14 : i1 to i32
    %cond3A_16 = arith.constant 0 : i32
    %cond3A_17 = arith.cmpi ne, %convert_element_type3A_15, %cond3A_16 : i32
    scf.if %cond3A_17 {
      %mul3A_88 = arith.constant 40 : i32
      %mul3A_89 = arith.muli %add3A, %mul3A_88 : i32
      %dma_wait3A = arith.constant 0 : i32
      %dma_wait3A_90 = arith.constant 0 : i32
      %dma_wait3A_91 = tpu.memref_slice %arg3[%dma_wait3A, %mul3A_89, %dma_wait3A_90] : memref<2x1250x128xi32, #tpu.memory_space<hbm>> -> memref<1x40x128xi32, #tpu.memory_space<hbm>>
      %dma_wait3A_92 = tpu.memref_squeeze %dma_wait3A_91 : memref<1x40x128xi32, #tpu.memory_space<hbm>> -> memref<40x128xi32, #tpu.memory_space<hbm>>
      %dma_wait3A_93 = arith.constant 0 : i32
      %dma_wait3A_94 = tpu.memref_slice %arg3[%dma_wait3A, %mul3A_89, %dma_wait3A_93] : memref<2x1250x128xi32, #tpu.memory_space<hbm>> -> memref<1x40x128xi32, #tpu.memory_space<hbm>>
      %dma_wait3A_95 = tpu.memref_squeeze %dma_wait3A_94 : memref<1x40x128xi32, #tpu.memory_space<hbm>> -> memref<40x128xi32, #tpu.memory_space<hbm>>
      tpu.wait_dma2 semaphore(%arg26 : memref<!tpu.dma_semaphore, #tpu.memory_space<semaphore_mem>>) src(%dma_wait3A_95 : memref<40x128xi32, #tpu.memory_space<hbm>>) dst(%arg7 : memref<40x128xi32, #tpu.memory_space<vmem>>)
      %mul3A_96 = arith.constant 40 : i32
      %mul3A_97 = arith.muli %add3A, %mul3A_96 : i32
      %dma_wait3A_98 = arith.constant 1 : i32
      %dma_wait3A_99 = arith.constant 0 : i32
      %dma_wait3A_100 = tpu.memref_slice %arg3[%dma_wait3A_98, %mul3A_97, %dma_wait3A_99] : memref<2x1250x128xi32, #tpu.memory_space<hbm>> -> memref<1x40x128xi32, #tpu.memory_space<hbm>>
      %dma_wait3A_101 = tpu.memref_squeeze %dma_wait3A_100 : memref<1x40x128xi32, #tpu.memory_space<hbm>> -> memref<40x128xi32, #tpu.memory_space<hbm>>
      %dma_wait3A_102 = arith.constant 0 : i32
      %dma_wait3A_103 = tpu.memref_slice %arg3[%dma_wait3A_98, %mul3A_97, %dma_wait3A_102] : memref<2x1250x128xi32, #tpu.memory_space<hbm>> -> memref<1x40x128xi32, #tpu.memory_space<hbm>>
      %dma_wait3A_104 = tpu.memref_squeeze %dma_wait3A_103 : memref<1x40x128xi32, #tpu.memory_space<hbm>> -> memref<40x128xi32, #tpu.memory_space<hbm>>
      tpu.wait_dma2 semaphore(%arg26 : memref<!tpu.dma_semaphore, #tpu.memory_space<semaphore_mem>>) src(%dma_wait3A_104 : memref<40x128xi32, #tpu.memory_space<hbm>>) dst(%arg8 : memref<40x128xi32, #tpu.memory_space<vmem>>)
    } else {
    }
    %eq3A_18 = arith.constant 31 : i32
    %eq3A_19 = arith.cmpi eq, %add3A, %eq3A_18 : i32
    %convert_element_type3A_20 = arith.extui %eq3A_19 : i1 to i32
    %cond3A_21 = arith.constant 0 : i32
    %cond3A_22 = arith.cmpi ne, %convert_element_type3A_20, %cond3A_21 : i32
    scf.if %cond3A_22 {
      %dma_wait3A = arith.constant 0 : i32
      %dma_wait3A_88 = arith.constant 0 : i32
      %dma_wait3A_89 = arith.constant 0 : i32
      %dma_wait3A_90 = tpu.memref_slice %arg7[%dma_wait3A_88, %dma_wait3A_89] : memref<40x128xi32, #tpu.memory_space<vmem>> -> memref<10x128xi32, #tpu.memory_space<vmem>>
      %dma_wait3A_91 = arith.constant 1240 : i32
      %dma_wait3A_92 = arith.constant 0 : i32
      %dma_wait3A_93 = tpu.memref_slice %arg3[%dma_wait3A, %dma_wait3A_91, %dma_wait3A_92] : memref<2x1250x128xi32, #tpu.memory_space<hbm>> -> memref<1x10x128xi32, #tpu.memory_space<hbm>>
      %dma_wait3A_94 = tpu.memref_squeeze %dma_wait3A_93 : memref<1x10x128xi32, #tpu.memory_space<hbm>> -> memref<10x128xi32, #tpu.memory_space<hbm>>
      %dma_wait3A_95 = arith.constant 0 : i32
      %dma_wait3A_96 = arith.constant 0 : i32
      %dma_wait3A_97 = tpu.memref_slice %arg7[%dma_wait3A_95, %dma_wait3A_96] : memref<40x128xi32, #tpu.memory_space<vmem>> -> memref<10x128xi32, #tpu.memory_space<vmem>>
      %dma_wait3A_98 = arith.constant 1240 : i32
      %dma_wait3A_99 = arith.constant 0 : i32
      %dma_wait3A_100 = tpu.memref_slice %arg3[%dma_wait3A, %dma_wait3A_98, %dma_wait3A_99] : memref<2x1250x128xi32, #tpu.memory_space<hbm>> -> memref<1x10x128xi32, #tpu.memory_space<hbm>>
      %dma_wait3A_101 = tpu.memref_squeeze %dma_wait3A_100 : memref<1x10x128xi32, #tpu.memory_space<hbm>> -> memref<10x128xi32, #tpu.memory_space<hbm>>
      tpu.wait_dma2 semaphore(%arg26 : memref<!tpu.dma_semaphore, #tpu.memory_space<semaphore_mem>>) src(%dma_wait3A_101 : memref<10x128xi32, #tpu.memory_space<hbm>>) dst(%dma_wait3A_97 : memref<10x128xi32, #tpu.memory_space<vmem>>)
      %dma_wait3A_102 = arith.constant 1 : i32
      %dma_wait3A_103 = arith.constant 0 : i32
      %dma_wait3A_104 = arith.constant 0 : i32
      %dma_wait3A_105 = tpu.memref_slice %arg8[%dma_wait3A_103, %dma_wait3A_104] : memref<40x128xi32, #tpu.memory_space<vmem>> -> memref<10x128xi32, #tpu.memory_space<vmem>>
      %dma_wait3A_106 = arith.constant 1240 : i32
      %dma_wait3A_107 = arith.constant 0 : i32
      %dma_wait3A_108 = tpu.memref_slice %arg3[%dma_wait3A_102, %dma_wait3A_106, %dma_wait3A_107] : memref<2x1250x128xi32, #tpu.memory_space<hbm>> -> memref<1x10x128xi32, #tpu.memory_space<hbm>>
      %dma_wait3A_109 = tpu.memref_squeeze %dma_wait3A_108 : memref<1x10x128xi32, #tpu.memory_space<hbm>> -> memref<10x128xi32, #tpu.memory_space<hbm>>
      %dma_wait3A_110 = arith.constant 0 : i32
      %dma_wait3A_111 = arith.constant 0 : i32
      %dma_wait3A_112 = tpu.memref_slice %arg8[%dma_wait3A_110, %dma_wait3A_111] : memref<40x128xi32, #tpu.memory_space<vmem>> -> memref<10x128xi32, #tpu.memory_space<vmem>>
      %dma_wait3A_113 = arith.constant 1240 : i32
      %dma_wait3A_114 = arith.constant 0 : i32
      %dma_wait3A_115 = tpu.memref_slice %arg3[%dma_wait3A_102, %dma_wait3A_113, %dma_wait3A_114] : memref<2x1250x128xi32, #tpu.memory_space<hbm>> -> memref<1x10x128xi32, #tpu.memory_space<hbm>>
      %dma_wait3A_116 = tpu.memref_squeeze %dma_wait3A_115 : memref<1x10x128xi32, #tpu.memory_space<hbm>> -> memref<10x128xi32, #tpu.memory_space<hbm>>
      tpu.wait_dma2 semaphore(%arg26 : memref<!tpu.dma_semaphore, #tpu.memory_space<semaphore_mem>>) src(%dma_wait3A_116 : memref<10x128xi32, #tpu.memory_space<hbm>>) dst(%dma_wait3A_112 : memref<10x128xi32, #tpu.memory_space<vmem>>)
      %dma_wait3A_117 = arith.constant 0 : i32
      %dma_wait3A_118 = arith.constant 10 : i32
      %dma_wait3A_119 = arith.constant 0 : i32
      %dma_wait3A_120 = tpu.memref_slice %arg7[%dma_wait3A_118, %dma_wait3A_119] : memref<40x128xi32, #tpu.memory_space<vmem>> -> memref<30x128xi32, #tpu.memory_space<vmem>>
      %dma_wait3A_121 = arith.constant 0 : i32
      %dma_wait3A_122 = arith.constant 0 : i32
      %dma_wait3A_123 = tpu.memref_slice %arg4[%dma_wait3A_117, %dma_wait3A_121, %dma_wait3A_122] : memref<2x30x128xi32, #tpu.memory_space<hbm>> -> memref<1x30x128xi32, #tpu.memory_space<hbm>>
      %dma_wait3A_124 = tpu.memref_squeeze %dma_wait3A_123 : memref<1x30x128xi32, #tpu.memory_space<hbm>> -> memref<30x128xi32, #tpu.memory_space<hbm>>
      %dma_wait3A_125 = arith.constant 10 : i32
      %dma_wait3A_126 = arith.constant 0 : i32
      %dma_wait3A_127 = tpu.memref_slice %arg7[%dma_wait3A_125, %dma_wait3A_126] : memref<40x128xi32, #tpu.memory_space<vmem>> -> memref<30x128xi32, #tpu.memory_space<vmem>>
      %dma_wait3A_128 = arith.constant 0 : i32
      %dma_wait3A_129 = arith.constant 0 : i32
      %dma_wait3A_130 = tpu.memref_slice %arg4[%dma_wait3A_117, %dma_wait3A_128, %dma_wait3A_129] : memref<2x30x128xi32, #tpu.memory_space<hbm>> -> memref<1x30x128xi32, #tpu.memory_space<hbm>>
      %dma_wait3A_131 = tpu.memref_squeeze %dma_wait3A_130 : memref<1x30x128xi32, #tpu.memory_space<hbm>> -> memref<30x128xi32, #tpu.memory_space<hbm>>
      tpu.wait_dma2 semaphore(%arg26 : memref<!tpu.dma_semaphore, #tpu.memory_space<semaphore_mem>>) src(%dma_wait3A_131 : memref<30x128xi32, #tpu.memory_space<hbm>>) dst(%dma_wait3A_127 : memref<30x128xi32, #tpu.memory_space<vmem>>)
      %dma_wait3A_132 = arith.constant 1 : i32
      %dma_wait3A_133 = arith.constant 10 : i32
      %dma_wait3A_134 = arith.constant 0 : i32
      %dma_wait3A_135 = tpu.memref_slice %arg8[%dma_wait3A_133, %dma_wait3A_134] : memref<40x128xi32, #tpu.memory_space<vmem>> -> memref<30x128xi32, #tpu.memory_space<vmem>>
      %dma_wait3A_136 = arith.constant 0 : i32
      %dma_wait3A_137 = arith.constant 0 : i32
      %dma_wait3A_138 = tpu.memref_slice %arg4[%dma_wait3A_132, %dma_wait3A_136, %dma_wait3A_137] : memref<2x30x128xi32, #tpu.memory_space<hbm>> -> memref<1x30x128xi32, #tpu.memory_space<hbm>>
      %dma_wait3A_139 = tpu.memref_squeeze %dma_wait3A_138 : memref<1x30x128xi32, #tpu.memory_space<hbm>> -> memref<30x128xi32, #tpu.memory_space<hbm>>
      %dma_wait3A_140 = arith.constant 10 : i32
      %dma_wait3A_141 = arith.constant 0 : i32
      %dma_wait3A_142 = tpu.memref_slice %arg8[%dma_wait3A_140, %dma_wait3A_141] : memref<40x128xi32, #tpu.memory_space<vmem>> -> memref<30x128xi32, #tpu.memory_space<vmem>>
      %dma_wait3A_143 = arith.constant 0 : i32
      %dma_wait3A_144 = arith.constant 0 : i32
      %dma_wait3A_145 = tpu.memref_slice %arg4[%dma_wait3A_132, %dma_wait3A_143, %dma_wait3A_144] : memref<2x30x128xi32, #tpu.memory_space<hbm>> -> memref<1x30x128xi32, #tpu.memory_space<hbm>>
      %dma_wait3A_146 = tpu.memref_squeeze %dma_wait3A_145 : memref<1x30x128xi32, #tpu.memory_space<hbm>> -> memref<30x128xi32, #tpu.memory_space<hbm>>
      tpu.wait_dma2 semaphore(%arg26 : memref<!tpu.dma_semaphore, #tpu.memory_space<semaphore_mem>>) src(%dma_wait3A_146 : memref<30x128xi32, #tpu.memory_space<hbm>>) dst(%dma_wait3A_142 : memref<30x128xi32, #tpu.memory_space<vmem>>)
    } else {
    }
    %dma_start3A = arith.constant 0 : i32
    %dma_start3A_23 = arith.constant 0 : i32
    %dma_start3A_24 = tpu.memref_slice %arg7[%dma_start3A, %dma_start3A_23] : memref<40x128xi32, #tpu.memory_space<vmem>> -> memref<1x128xi32, #tpu.memory_space<vmem>>
    %dma_start3A_25 = tpu.memref_squeeze %dma_start3A_24 : memref<1x128xi32, #tpu.memory_space<vmem>> -> memref<128xi32, #tpu.memory_space<vmem>>
    %dma_start3A_26 = arith.constant 0 : i32
    %dma_start3A_27 = arith.constant 0 : i32
    %dma_start3A_28 = tpu.memref_slice %arg2[%dma_start3A_26, %dma_start3A_27] : memref<10112x16xf32, #tpu.memory_space<hbm>> -> memref<10112x16xf32, #tpu.memory_space<hbm>>
    tpu.enqueue_indirect_dma source(%dma_start3A_28 : memref<10112x16xf32, #tpu.memory_space<hbm>>) target(%arg9 : memref<128x16xf32, #tpu.memory_space<vmem>>) offsets(%dma_start3A_25 : memref<128xi32, #tpu.memory_space<vmem>>) semaphore(%arg18 : memref<!tpu.dma_semaphore, #tpu.memory_space<semaphore_mem>>)
    %dma_start3A_29 = arith.constant 0 : i32
    %dma_start3A_30 = arith.constant 0 : i32
    %dma_start3A_31 = tpu.memref_slice %arg8[%dma_start3A_29, %dma_start3A_30] : memref<40x128xi32, #tpu.memory_space<vmem>> -> memref<1x128xi32, #tpu.memory_space<vmem>>
    %dma_start3A_32 = tpu.memref_squeeze %dma_start3A_31 : memref<1x128xi32, #tpu.memory_space<vmem>> -> memref<128xi32, #tpu.memory_space<vmem>>
    %dma_start3A_33 = arith.constant 0 : i32
    %dma_start3A_34 = arith.constant 0 : i32
    %dma_start3A_35 = tpu.memref_slice %arg2[%dma_start3A_33, %dma_start3A_34] : memref<10112x16xf32, #tpu.memory_space<hbm>> -> memref<10112x16xf32, #tpu.memory_space<hbm>>
    tpu.enqueue_indirect_dma source(%dma_start3A_35 : memref<10112x16xf32, #tpu.memory_space<hbm>>) target(%arg10 : memref<128x16xf32, #tpu.memory_space<vmem>>) offsets(%dma_start3A_32 : memref<128xi32, #tpu.memory_space<vmem>>) semaphore(%arg19 : memref<!tpu.dma_semaphore, #tpu.memory_space<semaphore_mem>>)
    %dma_start3A_36 = arith.constant 1 : i32
    %dma_start3A_37 = arith.constant 0 : i32
    %dma_start3A_38 = tpu.memref_slice %arg7[%dma_start3A_36, %dma_start3A_37] : memref<40x128xi32, #tpu.memory_space<vmem>> -> memref<1x128xi32, #tpu.memory_space<vmem>>
    %dma_start3A_39 = tpu.memref_squeeze %dma_start3A_38 : memref<1x128xi32, #tpu.memory_space<vmem>> -> memref<128xi32, #tpu.memory_space<vmem>>
    %dma_start3A_40 = arith.constant 0 : i32
    %dma_start3A_41 = arith.constant 0 : i32
    %dma_start3A_42 = tpu.memref_slice %arg2[%dma_start3A_40, %dma_start3A_41] : memref<10112x16xf32, #tpu.memory_space<hbm>> -> memref<10112x16xf32, #tpu.memory_space<hbm>>
    tpu.enqueue_indirect_dma source(%dma_start3A_42 : memref<10112x16xf32, #tpu.memory_space<hbm>>) target(%arg11 : memref<128x16xf32, #tpu.memory_space<vmem>>) offsets(%dma_start3A_39 : memref<128xi32, #tpu.memory_space<vmem>>) semaphore(%arg20 : memref<!tpu.dma_semaphore, #tpu.memory_space<semaphore_mem>>)
    %dma_start3A_43 = arith.constant 1 : i32
    %dma_start3A_44 = arith.constant 0 : i32
    %dma_start3A_45 = tpu.memref_slice %arg8[%dma_start3A_43, %dma_start3A_44] : memref<40x128xi32, #tpu.memory_space<vmem>> -> memref<1x128xi32, #tpu.memory_space<vmem>>
    %dma_start3A_46 = tpu.memref_squeeze %dma_start3A_45 : memref<1x128xi32, #tpu.memory_space<vmem>> -> memref<128xi32, #tpu.memory_space<vmem>>
    %dma_start3A_47 = arith.constant 0 : i32
    %dma_start3A_48 = arith.constant 0 : i32
    %dma_start3A_49 = tpu.memref_slice %arg2[%dma_start3A_47, %dma_start3A_48] : memref<10112x16xf32, #tpu.memory_space<hbm>> -> memref<10112x16xf32, #tpu.memory_space<hbm>>
    tpu.enqueue_indirect_dma source(%dma_start3A_49 : memref<10112x16xf32, #tpu.memory_space<hbm>>) target(%arg12 : memref<128x16xf32, #tpu.memory_space<vmem>>) offsets(%dma_start3A_46 : memref<128xi32, #tpu.memory_space<vmem>>) semaphore(%arg21 : memref<!tpu.dma_semaphore, #tpu.memory_space<semaphore_mem>>)
    %dma_start3A_50 = arith.constant 2 : i32
    %dma_start3A_51 = arith.constant 0 : i32
    %dma_start3A_52 = tpu.memref_slice %arg7[%dma_start3A_50, %dma_start3A_51] : memref<40x128xi32, #tpu.memory_space<vmem>> -> memref<1x128xi32, #tpu.memory_space<vmem>>
    %dma_start3A_53 = tpu.memref_squeeze %dma_start3A_52 : memref<1x128xi32, #tpu.memory_space<vmem>> -> memref<128xi32, #tpu.memory_space<vmem>>
    %dma_start3A_54 = arith.constant 0 : i32
    %dma_start3A_55 = arith.constant 0 : i32
    %dma_start3A_56 = tpu.memref_slice %arg2[%dma_start3A_54, %dma_start3A_55] : memref<10112x16xf32, #tpu.memory_space<hbm>> -> memref<10112x16xf32, #tpu.memory_space<hbm>>
    tpu.enqueue_indirect_dma source(%dma_start3A_56 : memref<10112x16xf32, #tpu.memory_space<hbm>>) target(%arg13 : memref<128x16xf32, #tpu.memory_space<vmem>>) offsets(%dma_start3A_53 : memref<128xi32, #tpu.memory_space<vmem>>) semaphore(%arg22 : memref<!tpu.dma_semaphore, #tpu.memory_space<semaphore_mem>>)
    %dma_start3A_57 = arith.constant 2 : i32
    %dma_start3A_58 = arith.constant 0 : i32
    %dma_start3A_59 = tpu.memref_slice %arg8[%dma_start3A_57, %dma_start3A_58] : memref<40x128xi32, #tpu.memory_space<vmem>> -> memref<1x128xi32, #tpu.memory_space<vmem>>
    %dma_start3A_60 = tpu.memref_squeeze %dma_start3A_59 : memref<1x128xi32, #tpu.memory_space<vmem>> -> memref<128xi32, #tpu.memory_space<vmem>>
    %dma_start3A_61 = arith.constant 0 : i32
    %dma_start3A_62 = arith.constant 0 : i32
    %dma_start3A_63 = tpu.memref_slice %arg2[%dma_start3A_61, %dma_start3A_62] : memref<10112x16xf32, #tpu.memory_space<hbm>> -> memref<10112x16xf32, #tpu.memory_space<hbm>>
    tpu.enqueue_indirect_dma source(%dma_start3A_63 : memref<10112x16xf32, #tpu.memory_space<hbm>>) target(%arg14 : memref<128x16xf32, #tpu.memory_space<vmem>>) offsets(%dma_start3A_60 : memref<128xi32, #tpu.memory_space<vmem>>) semaphore(%arg23 : memref<!tpu.dma_semaphore, #tpu.memory_space<semaphore_mem>>)
    %dma_start3A_64 = arith.constant 3 : i32
    %dma_start3A_65 = arith.constant 0 : i32
    %dma_start3A_66 = tpu.memref_slice %arg7[%dma_start3A_64, %dma_start3A_65] : memref<40x128xi32, #tpu.memory_space<vmem>> -> memref<1x128xi32, #tpu.memory_space<vmem>>
    %dma_start3A_67 = tpu.memref_squeeze %dma_start3A_66 : memref<1x128xi32, #tpu.memory_space<vmem>> -> memref<128xi32, #tpu.memory_space<vmem>>
    %dma_start3A_68 = arith.constant 0 : i32
    %dma_start3A_69 = arith.constant 0 : i32
    %dma_start3A_70 = tpu.memref_slice %arg2[%dma_start3A_68, %dma_start3A_69] : memref<10112x16xf32, #tpu.memory_space<hbm>> -> memref<10112x16xf32, #tpu.memory_space<hbm>>
    tpu.enqueue_indirect_dma source(%dma_start3A_70 : memref<10112x16xf32, #tpu.memory_space<hbm>>) target(%arg15 : memref<128x16xf32, #tpu.memory_space<vmem>>) offsets(%dma_start3A_67 : memref<128xi32, #tpu.memory_space<vmem>>) semaphore(%arg24 : memref<!tpu.dma_semaphore, #tpu.memory_space<semaphore_mem>>)
    %dma_start3A_71 = arith.constant 3 : i32
    %dma_start3A_72 = arith.constant 0 : i32
    %dma_start3A_73 = tpu.memref_slice %arg8[%dma_start3A_71, %dma_start3A_72] : memref<40x128xi32, #tpu.memory_space<vmem>> -> memref<1x128xi32, #tpu.memory_space<vmem>>
    %dma_start3A_74 = tpu.memref_squeeze %dma_start3A_73 : memref<1x128xi32, #tpu.memory_space<vmem>> -> memref<128xi32, #tpu.memory_space<vmem>>
    %dma_start3A_75 = arith.constant 0 : i32
    %dma_start3A_76 = arith.constant 0 : i32
    %dma_start3A_77 = tpu.memref_slice %arg2[%dma_start3A_75, %dma_start3A_76] : memref<10112x16xf32, #tpu.memory_space<hbm>> -> memref<10112x16xf32, #tpu.memory_space<hbm>>
    tpu.enqueue_indirect_dma source(%dma_start3A_77 : memref<10112x16xf32, #tpu.memory_space<hbm>>) target(%arg16 : memref<128x16xf32, #tpu.memory_space<vmem>>) offsets(%dma_start3A_74 : memref<128xi32, #tpu.memory_space<vmem>>) semaphore(%arg25 : memref<!tpu.dma_semaphore, #tpu.memory_space<semaphore_mem>>)
    %scan3A_78 = arith.constant 0 : i32
    %scan3A_79 = arith.constant 10 : i32
    %scan3A_80 = arith.addi %scan3A_78, %scan3A_79 : i32
    %scan3A_81 = arith.constant 1 : i32
    scf.for %scan3A_88 = %scan3A_78 to %scan3A_80 step %scan3A_81  : i32 {
      %mul3A_89 = arith.constant 4 : i32
      %mul3A_90 = arith.muli %scan3A_88, %mul3A_89 : i32
      %add3A_91 = arith.constant 0 : i32
      %add3A_92 = arith.addi %add3A_91, %mul3A_90 : i32
      %add3A_93 = arith.constant 0 : i32
      %add3A_94 = arith.addi %add3A_92, %add3A_93 : i32
      %dma_wait3A = arith.constant 0 : i32
      %dma_wait3A_95 = tpu.memref_slice %arg7[%add3A_94, %dma_wait3A] : memref<40x128xi32, #tpu.memory_space<vmem>> -> memref<1x128xi32, #tpu.memory_space<vmem>>
      %dma_wait3A_96 = tpu.memref_squeeze %dma_wait3A_95 : memref<1x128xi32, #tpu.memory_space<vmem>> -> memref<128xi32, #tpu.memory_space<vmem>>
      %dma_wait3A_97 = arith.constant 0 : i32
      %dma_wait3A_98 = arith.constant 0 : i32
      %dma_wait3A_99 = tpu.memref_slice %arg2[%dma_wait3A_97, %dma_wait3A_98] : memref<10112x16xf32, #tpu.memory_space<hbm>> -> memref<10112x16xf32, #tpu.memory_space<hbm>>
      tpu.wait_indirect_dma semaphore(%arg18 : memref<!tpu.dma_semaphore, #tpu.memory_space<semaphore_mem>>) src(%dma_wait3A_99 : memref<10112x16xf32, #tpu.memory_space<hbm>>) dst(%arg9 : memref<128x16xf32, #tpu.memory_space<vmem>>)
      "tpu.region"() ({
        %run_scoped3A = tpu.sem_alloc : memref<!tpu.dma_semaphore, #tpu.memory_space<semaphore_mem>>
        %dma_start3A_176 = arith.constant 0 : i32
        %dma_start3A_177 = tpu.memref_slice %arg8[%add3A_94, %dma_start3A_176] : memref<40x128xi32, #tpu.memory_space<vmem>> -> memref<1x128xi32, #tpu.memory_space<vmem>>
        %dma_start3A_178 = tpu.memref_squeeze %dma_start3A_177 : memref<1x128xi32, #tpu.memory_space<vmem>> -> memref<128xi32, #tpu.memory_space<vmem>>
        %dma_start3A_179 = arith.constant 0 : i32
        %dma_start3A_180 = arith.constant 0 : i32
        %dma_start3A_181 = tpu.memref_slice %arg6[%dma_start3A_179, %dma_start3A_180] : memref<10112x16xf32, #tpu.memory_space<vmem_shared>> -> memref<10112x16xf32, #tpu.memory_space<vmem_shared>>
        tpu.enqueue_indirect_dma source(%arg9 : memref<128x16xf32, #tpu.memory_space<vmem>>) target(%dma_start3A_181 : memref<10112x16xf32, #tpu.memory_space<vmem_shared>>) offsets(%dma_start3A_178 : memref<128xi32, #tpu.memory_space<vmem>>) semaphore(%run_scoped3A : memref<!tpu.dma_semaphore, #tpu.memory_space<semaphore_mem>>) {add = true}
        %dma_wait3A_182 = arith.constant 0 : i32
        %dma_wait3A_183 = tpu.memref_slice %arg8[%add3A_94, %dma_wait3A_182] : memref<40x128xi32, #tpu.memory_space<vmem>> -> memref<1x128xi32, #tpu.memory_space<vmem>>
        %dma_wait3A_184 = tpu.memref_squeeze %dma_wait3A_183 : memref<1x128xi32, #tpu.memory_space<vmem>> -> memref<128xi32, #tpu.memory_space<vmem>>
        %dma_wait3A_185 = arith.constant 0 : i32
        %dma_wait3A_186 = arith.constant 0 : i32
        %dma_wait3A_187 = tpu.memref_slice %arg6[%dma_wait3A_185, %dma_wait3A_186] : memref<10112x16xf32, #tpu.memory_space<vmem_shared>> -> memref<10112x16xf32, #tpu.memory_space<vmem_shared>>
        tpu.wait_indirect_dma semaphore(%run_scoped3A : memref<!tpu.dma_semaphore, #tpu.memory_space<semaphore_mem>>) src(%arg9 : memref<128x16xf32, #tpu.memory_space<vmem>>) dst(%dma_wait3A_187 : memref<10112x16xf32, #tpu.memory_space<vmem_shared>>)
        tpu.yield
      }) : () -> ()
      %dma_wait3A_100 = arith.constant 0 : i32
      %dma_wait3A_101 = tpu.memref_slice %arg8[%add3A_94, %dma_wait3A_100] : memref<40x128xi32, #tpu.memory_space<vmem>> -> memref<1x128xi32, #tpu.memory_space<vmem>>
      %dma_wait3A_102 = tpu.memref_squeeze %dma_wait3A_101 : memref<1x128xi32, #tpu.memory_space<vmem>> -> memref<128xi32, #tpu.memory_space<vmem>>
      %dma_wait3A_103 = arith.constant 0 : i32
      %dma_wait3A_104 = arith.constant 0 : i32
      %dma_wait3A_105 = tpu.memref_slice %arg2[%dma_wait3A_103, %dma_wait3A_104] : memref<10112x16xf32, #tpu.memory_space<hbm>> -> memref<10112x16xf32, #tpu.memory_space<hbm>>
      tpu.wait_indirect_dma semaphore(%arg19 : memref<!tpu.dma_semaphore, #tpu.memory_space<semaphore_mem>>) src(%dma_wait3A_105 : memref<10112x16xf32, #tpu.memory_space<hbm>>) dst(%arg10 : memref<128x16xf32, #tpu.memory_space<vmem>>)
      "tpu.region"() ({
        %run_scoped3A = tpu.sem_alloc : memref<!tpu.dma_semaphore, #tpu.memory_space<semaphore_mem>>
        %dma_start3A_176 = arith.constant 0 : i32
        %dma_start3A_177 = tpu.memref_slice %arg7[%add3A_94, %dma_start3A_176] : memref<40x128xi32, #tpu.memory_space<vmem>> -> memref<1x128xi32, #tpu.memory_space<vmem>>
        %dma_start3A_178 = tpu.memref_squeeze %dma_start3A_177 : memref<1x128xi32, #tpu.memory_space<vmem>> -> memref<128xi32, #tpu.memory_space<vmem>>
        %dma_start3A_179 = arith.constant 0 : i32
        %dma_start3A_180 = arith.constant 0 : i32
        %dma_start3A_181 = tpu.memref_slice %arg6[%dma_start3A_179, %dma_start3A_180] : memref<10112x16xf32, #tpu.memory_space<vmem_shared>> -> memref<10112x16xf32, #tpu.memory_space<vmem_shared>>
        tpu.enqueue_indirect_dma source(%arg10 : memref<128x16xf32, #tpu.memory_space<vmem>>) target(%dma_start3A_181 : memref<10112x16xf32, #tpu.memory_space<vmem_shared>>) offsets(%dma_start3A_178 : memref<128xi32, #tpu.memory_space<vmem>>) semaphore(%run_scoped3A : memref<!tpu.dma_semaphore, #tpu.memory_space<semaphore_mem>>) {add = true}
        %dma_wait3A_182 = arith.constant 0 : i32
        %dma_wait3A_183 = tpu.memref_slice %arg7[%add3A_94, %dma_wait3A_182] : memref<40x128xi32, #tpu.memory_space<vmem>> -> memref<1x128xi32, #tpu.memory_space<vmem>>
        %dma_wait3A_184 = tpu.memref_squeeze %dma_wait3A_183 : memref<1x128xi32, #tpu.memory_space<vmem>> -> memref<128xi32, #tpu.memory_space<vmem>>
        %dma_wait3A_185 = arith.constant 0 : i32
        %dma_wait3A_186 = arith.constant 0 : i32
        %dma_wait3A_187 = tpu.memref_slice %arg6[%dma_wait3A_185, %dma_wait3A_186] : memref<10112x16xf32, #tpu.memory_space<vmem_shared>> -> memref<10112x16xf32, #tpu.memory_space<vmem_shared>>
        tpu.wait_indirect_dma semaphore(%run_scoped3A : memref<!tpu.dma_semaphore, #tpu.memory_space<semaphore_mem>>) src(%arg10 : memref<128x16xf32, #tpu.memory_space<vmem>>) dst(%dma_wait3A_187 : memref<10112x16xf32, #tpu.memory_space<vmem_shared>>)
        tpu.yield
      }) : () -> ()
      %add3A_106 = arith.constant 4 : i32
      %add3A_107 = arith.addi %add3A_94, %add3A_106 : i32
      %lt3A_108 = arith.constant 40 : i32
      %lt3A_109 = arith.cmpi slt, %add3A_107, %lt3A_108 : i32
      %convert_element_type3A_110 = arith.extui %lt3A_109 : i1 to i32
      %cond3A_111 = arith.constant 0 : i32
      %cond3A_112 = arith.cmpi ne, %convert_element_type3A_110, %cond3A_111 : i32
      scf.if %cond3A_112 {
        %add3A_176 = arith.constant 4 : i32
        %add3A_177 = arith.addi %add3A_94, %add3A_176 : i32
        %dma_start3A_178 = arith.constant 0 : i32
        %dma_start3A_179 = tpu.memref_slice %arg7[%add3A_177, %dma_start3A_178] : memref<40x128xi32, #tpu.memory_space<vmem>> -> memref<1x128xi32, #tpu.memory_space<vmem>>
        %dma_start3A_180 = tpu.memref_squeeze %dma_start3A_179 : memref<1x128xi32, #tpu.memory_space<vmem>> -> memref<128xi32, #tpu.memory_space<vmem>>
        %dma_start3A_181 = arith.constant 0 : i32
        %dma_start3A_182 = arith.constant 0 : i32
        %dma_start3A_183 = tpu.memref_slice %arg2[%dma_start3A_181, %dma_start3A_182] : memref<10112x16xf32, #tpu.memory_space<hbm>> -> memref<10112x16xf32, #tpu.memory_space<hbm>>
        tpu.enqueue_indirect_dma source(%dma_start3A_183 : memref<10112x16xf32, #tpu.memory_space<hbm>>) target(%arg9 : memref<128x16xf32, #tpu.memory_space<vmem>>) offsets(%dma_start3A_180 : memref<128xi32, #tpu.memory_space<vmem>>) semaphore(%arg18 : memref<!tpu.dma_semaphore, #tpu.memory_space<semaphore_mem>>)
        %add3A_184 = arith.constant 4 : i32
        %add3A_185 = arith.addi %add3A_94, %add3A_184 : i32
        %dma_start3A_186 = arith.constant 0 : i32
        %dma_start3A_187 = tpu.memref_slice %arg8[%add3A_185, %dma_start3A_186] : memref<40x128xi32, #tpu.memory_space<vmem>> -> memref<1x128xi32, #tpu.memory_space<vmem>>
        %dma_start3A_188 = tpu.memref_squeeze %dma_start3A_187 : memref<1x128xi32, #tpu.memory_space<vmem>> -> memref<128xi32, #tpu.memory_space<vmem>>
        %dma_start3A_189 = arith.constant 0 : i32
        %dma_start3A_190 = arith.constant 0 : i32
        %dma_start3A_191 = tpu.memref_slice %arg2[%dma_start3A_189, %dma_start3A_190] : memref<10112x16xf32, #tpu.memory_space<hbm>> -> memref<10112x16xf32, #tpu.memory_space<hbm>>
        tpu.enqueue_indirect_dma source(%dma_start3A_191 : memref<10112x16xf32, #tpu.memory_space<hbm>>) target(%arg10 : memref<128x16xf32, #tpu.memory_space<vmem>>) offsets(%dma_start3A_188 : memref<128xi32, #tpu.memory_space<vmem>>) semaphore(%arg19 : memref<!tpu.dma_semaphore, #tpu.memory_space<semaphore_mem>>)
      } else {
      }
      %add3A_113 = arith.constant 1 : i32
      %add3A_114 = arith.addi %add3A_92, %add3A_113 : i32
      %dma_wait3A_115 = arith.constant 0 : i32
      %dma_wait3A_116 = tpu.memref_slice %arg7[%add3A_114, %dma_wait3A_115] : memref<40x128xi32, #tpu.memory_space<vmem>> -> memref<1x128xi32, #tpu.memory_space<vmem>>
      %dma_wait3A_117 = tpu.memref_squeeze %dma_wait3A_116 : memref<1x128xi32, #tpu.memory_space<vmem>> -> memref<128xi32, #tpu.memory_space<vmem>>
      %dma_wait3A_118 = arith.constant 0 : i32
      %dma_wait3A_119 = arith.constant 0 : i32
      %dma_wait3A_120 = tpu.memref_slice %arg2[%dma_wait3A_118, %dma_wait3A_119] : memref<10112x16xf32, #tpu.memory_space<hbm>> -> memref<10112x16xf32, #tpu.memory_space<hbm>>
      tpu.wait_indirect_dma semaphore(%arg20 : memref<!tpu.dma_semaphore, #tpu.memory_space<semaphore_mem>>) src(%dma_wait3A_120 : memref<10112x16xf32, #tpu.memory_space<hbm>>) dst(%arg11 : memref<128x16xf32, #tpu.memory_space<vmem>>)
      "tpu.region"() ({
        %run_scoped3A = tpu.sem_alloc : memref<!tpu.dma_semaphore, #tpu.memory_space<semaphore_mem>>
        %dma_start3A_176 = arith.constant 0 : i32
        %dma_start3A_177 = tpu.memref_slice %arg8[%add3A_114, %dma_start3A_176] : memref<40x128xi32, #tpu.memory_space<vmem>> -> memref<1x128xi32, #tpu.memory_space<vmem>>
        %dma_start3A_178 = tpu.memref_squeeze %dma_start3A_177 : memref<1x128xi32, #tpu.memory_space<vmem>> -> memref<128xi32, #tpu.memory_space<vmem>>
        %dma_start3A_179 = arith.constant 0 : i32
        %dma_start3A_180 = arith.constant 0 : i32
        %dma_start3A_181 = tpu.memref_slice %arg6[%dma_start3A_179, %dma_start3A_180] : memref<10112x16xf32, #tpu.memory_space<vmem_shared>> -> memref<10112x16xf32, #tpu.memory_space<vmem_shared>>
        tpu.enqueue_indirect_dma source(%arg11 : memref<128x16xf32, #tpu.memory_space<vmem>>) target(%dma_start3A_181 : memref<10112x16xf32, #tpu.memory_space<vmem_shared>>) offsets(%dma_start3A_178 : memref<128xi32, #tpu.memory_space<vmem>>) semaphore(%run_scoped3A : memref<!tpu.dma_semaphore, #tpu.memory_space<semaphore_mem>>) {add = true}
        %dma_wait3A_182 = arith.constant 0 : i32
        %dma_wait3A_183 = tpu.memref_slice %arg8[%add3A_114, %dma_wait3A_182] : memref<40x128xi32, #tpu.memory_space<vmem>> -> memref<1x128xi32, #tpu.memory_space<vmem>>
        %dma_wait3A_184 = tpu.memref_squeeze %dma_wait3A_183 : memref<1x128xi32, #tpu.memory_space<vmem>> -> memref<128xi32, #tpu.memory_space<vmem>>
        %dma_wait3A_185 = arith.constant 0 : i32
        %dma_wait3A_186 = arith.constant 0 : i32
        %dma_wait3A_187 = tpu.memref_slice %arg6[%dma_wait3A_185, %dma_wait3A_186] : memref<10112x16xf32, #tpu.memory_space<vmem_shared>> -> memref<10112x16xf32, #tpu.memory_space<vmem_shared>>
        tpu.wait_indirect_dma semaphore(%run_scoped3A : memref<!tpu.dma_semaphore, #tpu.memory_space<semaphore_mem>>) src(%arg11 : memref<128x16xf32, #tpu.memory_space<vmem>>) dst(%dma_wait3A_187 : memref<10112x16xf32, #tpu.memory_space<vmem_shared>>)
        tpu.yield
      }) : () -> ()
      %dma_wait3A_121 = arith.constant 0 : i32
      %dma_wait3A_122 = tpu.memref_slice %arg8[%add3A_114, %dma_wait3A_121] : memref<40x128xi32, #tpu.memory_space<vmem>> -> memref<1x128xi32, #tpu.memory_space<vmem>>
      %dma_wait3A_123 = tpu.memref_squeeze %dma_wait3A_122 : memref<1x128xi32, #tpu.memory_space<vmem>> -> memref<128xi32, #tpu.memory_space<vmem>>
      %dma_wait3A_124 = arith.constant 0 : i32
      %dma_wait3A_125 = arith.constant 0 : i32
      %dma_wait3A_126 = tpu.memref_slice %arg2[%dma_wait3A_124, %dma_wait3A_125] : memref<10112x16xf32, #tpu.memory_space<hbm>> -> memref<10112x16xf32, #tpu.memory_space<hbm>>
      tpu.wait_indirect_dma semaphore(%arg21 : memref<!tpu.dma_semaphore, #tpu.memory_space<semaphore_mem>>) src(%dma_wait3A_126 : memref<10112x16xf32, #tpu.memory_space<hbm>>) dst(%arg12 : memref<128x16xf32, #tpu.memory_space<vmem>>)
      "tpu.region"() ({
        %run_scoped3A = tpu.sem_alloc : memref<!tpu.dma_semaphore, #tpu.memory_space<semaphore_mem>>
        %dma_start3A_176 = arith.constant 0 : i32
        %dma_start3A_177 = tpu.memref_slice %arg7[%add3A_114, %dma_start3A_176] : memref<40x128xi32, #tpu.memory_space<vmem>> -> memref<1x128xi32, #tpu.memory_space<vmem>>
        %dma_start3A_178 = tpu.memref_squeeze %dma_start3A_177 : memref<1x128xi32, #tpu.memory_space<vmem>> -> memref<128xi32, #tpu.memory_space<vmem>>
        %dma_start3A_179 = arith.constant 0 : i32
        %dma_start3A_180 = arith.constant 0 : i32
        %dma_start3A_181 = tpu.memref_slice %arg6[%dma_start3A_179, %dma_start3A_180] : memref<10112x16xf32, #tpu.memory_space<vmem_shared>> -> memref<10112x16xf32, #tpu.memory_space<vmem_shared>>
        tpu.enqueue_indirect_dma source(%arg12 : memref<128x16xf32, #tpu.memory_space<vmem>>) target(%dma_start3A_181 : memref<10112x16xf32, #tpu.memory_space<vmem_shared>>) offsets(%dma_start3A_178 : memref<128xi32, #tpu.memory_space<vmem>>) semaphore(%run_scoped3A : memref<!tpu.dma_semaphore, #tpu.memory_space<semaphore_mem>>) {add = true}
        %dma_wait3A_182 = arith.constant 0 : i32
        %dma_wait3A_183 = tpu.memref_slice %arg7[%add3A_114, %dma_wait3A_182] : memref<40x128xi32, #tpu.memory_space<vmem>> -> memref<1x128xi32, #tpu.memory_space<vmem>>
        %dma_wait3A_184 = tpu.memref_squeeze %dma_wait3A_183 : memref<1x128xi32, #tpu.memory_space<vmem>> -> memref<128xi32, #tpu.memory_space<vmem>>
        %dma_wait3A_185 = arith.constant 0 : i32
        %dma_wait3A_186 = arith.constant 0 : i32
        %dma_wait3A_187 = tpu.memref_slice %arg6[%dma_wait3A_185, %dma_wait3A_186] : memref<10112x16xf32, #tpu.memory_space<vmem_shared>> -> memref<10112x16xf32, #tpu.memory_space<vmem_shared>>
        tpu.wait_indirect_dma semaphore(%run_scoped3A : memref<!tpu.dma_semaphore, #tpu.memory_space<semaphore_mem>>) src(%arg12 : memref<128x16xf32, #tpu.memory_space<vmem>>) dst(%dma_wait3A_187 : memref<10112x16xf32, #tpu.memory_space<vmem_shared>>)
        tpu.yield
      }) : () -> ()
      %add3A_127 = arith.constant 4 : i32
      %add3A_128 = arith.addi %add3A_114, %add3A_127 : i32
      %lt3A_129 = arith.constant 40 : i32
      %lt3A_130 = arith.cmpi slt, %add3A_128, %lt3A_129 : i32
      %convert_element_type3A_131 = arith.extui %lt3A_130 : i1 to i32
      %cond3A_132 = arith.constant 0 : i32
      %cond3A_133 = arith.cmpi ne, %convert_element_type3A_131, %cond3A_132 : i32
      scf.if %cond3A_133 {
        %add3A_176 = arith.constant 4 : i32
        %add3A_177 = arith.addi %add3A_114, %add3A_176 : i32
        %dma_start3A_178 = arith.constant 0 : i32
        %dma_start3A_179 = tpu.memref_slice %arg7[%add3A_177, %dma_start3A_178] : memref<40x128xi32, #tpu.memory_space<vmem>> -> memref<1x128xi32, #tpu.memory_space<vmem>>
        %dma_start3A_180 = tpu.memref_squeeze %dma_start3A_179 : memref<1x128xi32, #tpu.memory_space<vmem>> -> memref<128xi32, #tpu.memory_space<vmem>>
        %dma_start3A_181 = arith.constant 0 : i32
        %dma_start3A_182 = arith.constant 0 : i32
        %dma_start3A_183 = tpu.memref_slice %arg2[%dma_start3A_181, %dma_start3A_182] : memref<10112x16xf32, #tpu.memory_space<hbm>> -> memref<10112x16xf32, #tpu.memory_space<hbm>>
        tpu.enqueue_indirect_dma source(%dma_start3A_183 : memref<10112x16xf32, #tpu.memory_space<hbm>>) target(%arg11 : memref<128x16xf32, #tpu.memory_space<vmem>>) offsets(%dma_start3A_180 : memref<128xi32, #tpu.memory_space<vmem>>) semaphore(%arg20 : memref<!tpu.dma_semaphore, #tpu.memory_space<semaphore_mem>>)
        %add3A_184 = arith.constant 4 : i32
        %add3A_185 = arith.addi %add3A_114, %add3A_184 : i32
        %dma_start3A_186 = arith.constant 0 : i32
        %dma_start3A_187 = tpu.memref_slice %arg8[%add3A_185, %dma_start3A_186] : memref<40x128xi32, #tpu.memory_space<vmem>> -> memref<1x128xi32, #tpu.memory_space<vmem>>
        %dma_start3A_188 = tpu.memref_squeeze %dma_start3A_187 : memref<1x128xi32, #tpu.memory_space<vmem>> -> memref<128xi32, #tpu.memory_space<vmem>>
        %dma_start3A_189 = arith.constant 0 : i32
        %dma_start3A_190 = arith.constant 0 : i32
        %dma_start3A_191 = tpu.memref_slice %arg2[%dma_start3A_189, %dma_start3A_190] : memref<10112x16xf32, #tpu.memory_space<hbm>> -> memref<10112x16xf32, #tpu.memory_space<hbm>>
        tpu.enqueue_indirect_dma source(%dma_start3A_191 : memref<10112x16xf32, #tpu.memory_space<hbm>>) target(%arg12 : memref<128x16xf32, #tpu.memory_space<vmem>>) offsets(%dma_start3A_188 : memref<128xi32, #tpu.memory_space<vmem>>) semaphore(%arg21 : memref<!tpu.dma_semaphore, #tpu.memory_space<semaphore_mem>>)
      } else {
      }
      %add3A_134 = arith.constant 2 : i32
      %add3A_135 = arith.addi %add3A_92, %add3A_134 : i32
      %dma_wait3A_136 = arith.constant 0 : i32
      %dma_wait3A_137 = tpu.memref_slice %arg7[%add3A_135, %dma_wait3A_136] : memref<40x128xi32, #tpu.memory_space<vmem>> -> memref<1x128xi32, #tpu.memory_space<vmem>>
      %dma_wait3A_138 = tpu.memref_squeeze %dma_wait3A_137 : memref<1x128xi32, #tpu.memory_space<vmem>> -> memref<128xi32, #tpu.memory_space<vmem>>
      %dma_wait3A_139 = arith.constant 0 : i32
      %dma_wait3A_140 = arith.constant 0 : i32
      %dma_wait3A_141 = tpu.memref_slice %arg2[%dma_wait3A_139, %dma_wait3A_140] : memref<10112x16xf32, #tpu.memory_space<hbm>> -> memref<10112x16xf32, #tpu.memory_space<hbm>>
      tpu.wait_indirect_dma semaphore(%arg22 : memref<!tpu.dma_semaphore, #tpu.memory_space<semaphore_mem>>) src(%dma_wait3A_141 : memref<10112x16xf32, #tpu.memory_space<hbm>>) dst(%arg13 : memref<128x16xf32, #tpu.memory_space<vmem>>)
      "tpu.region"() ({
        %run_scoped3A = tpu.sem_alloc : memref<!tpu.dma_semaphore, #tpu.memory_space<semaphore_mem>>
        %dma_start3A_176 = arith.constant 0 : i32
        %dma_start3A_177 = tpu.memref_slice %arg8[%add3A_135, %dma_start3A_176] : memref<40x128xi32, #tpu.memory_space<vmem>> -> memref<1x128xi32, #tpu.memory_space<vmem>>
        %dma_start3A_178 = tpu.memref_squeeze %dma_start3A_177 : memref<1x128xi32, #tpu.memory_space<vmem>> -> memref<128xi32, #tpu.memory_space<vmem>>
        %dma_start3A_179 = arith.constant 0 : i32
        %dma_start3A_180 = arith.constant 0 : i32
        %dma_start3A_181 = tpu.memref_slice %arg6[%dma_start3A_179, %dma_start3A_180] : memref<10112x16xf32, #tpu.memory_space<vmem_shared>> -> memref<10112x16xf32, #tpu.memory_space<vmem_shared>>
        tpu.enqueue_indirect_dma source(%arg13 : memref<128x16xf32, #tpu.memory_space<vmem>>) target(%dma_start3A_181 : memref<10112x16xf32, #tpu.memory_space<vmem_shared>>) offsets(%dma_start3A_178 : memref<128xi32, #tpu.memory_space<vmem>>) semaphore(%run_scoped3A : memref<!tpu.dma_semaphore, #tpu.memory_space<semaphore_mem>>) {add = true}
        %dma_wait3A_182 = arith.constant 0 : i32
        %dma_wait3A_183 = tpu.memref_slice %arg8[%add3A_135, %dma_wait3A_182] : memref<40x128xi32, #tpu.memory_space<vmem>> -> memref<1x128xi32, #tpu.memory_space<vmem>>
        %dma_wait3A_184 = tpu.memref_squeeze %dma_wait3A_183 : memref<1x128xi32, #tpu.memory_space<vmem>> -> memref<128xi32, #tpu.memory_space<vmem>>
        %dma_wait3A_185 = arith.constant 0 : i32
        %dma_wait3A_186 = arith.constant 0 : i32
        %dma_wait3A_187 = tpu.memref_slice %arg6[%dma_wait3A_185, %dma_wait3A_186] : memref<10112x16xf32, #tpu.memory_space<vmem_shared>> -> memref<10112x16xf32, #tpu.memory_space<vmem_shared>>
        tpu.wait_indirect_dma semaphore(%run_scoped3A : memref<!tpu.dma_semaphore, #tpu.memory_space<semaphore_mem>>) src(%arg13 : memref<128x16xf32, #tpu.memory_space<vmem>>) dst(%dma_wait3A_187 : memref<10112x16xf32, #tpu.memory_space<vmem_shared>>)
        tpu.yield
      }) : () -> ()
      %dma_wait3A_142 = arith.constant 0 : i32
      %dma_wait3A_143 = tpu.memref_slice %arg8[%add3A_135, %dma_wait3A_142] : memref<40x128xi32, #tpu.memory_space<vmem>> -> memref<1x128xi32, #tpu.memory_space<vmem>>
      %dma_wait3A_144 = tpu.memref_squeeze %dma_wait3A_143 : memref<1x128xi32, #tpu.memory_space<vmem>> -> memref<128xi32, #tpu.memory_space<vmem>>
      %dma_wait3A_145 = arith.constant 0 : i32
      %dma_wait3A_146 = arith.constant 0 : i32
      %dma_wait3A_147 = tpu.memref_slice %arg2[%dma_wait3A_145, %dma_wait3A_146] : memref<10112x16xf32, #tpu.memory_space<hbm>> -> memref<10112x16xf32, #tpu.memory_space<hbm>>
      tpu.wait_indirect_dma semaphore(%arg23 : memref<!tpu.dma_semaphore, #tpu.memory_space<semaphore_mem>>) src(%dma_wait3A_147 : memref<10112x16xf32, #tpu.memory_space<hbm>>) dst(%arg14 : memref<128x16xf32, #tpu.memory_space<vmem>>)
      "tpu.region"() ({
        %run_scoped3A = tpu.sem_alloc : memref<!tpu.dma_semaphore, #tpu.memory_space<semaphore_mem>>
        %dma_start3A_176 = arith.constant 0 : i32
        %dma_start3A_177 = tpu.memref_slice %arg7[%add3A_135, %dma_start3A_176] : memref<40x128xi32, #tpu.memory_space<vmem>> -> memref<1x128xi32, #tpu.memory_space<vmem>>
        %dma_start3A_178 = tpu.memref_squeeze %dma_start3A_177 : memref<1x128xi32, #tpu.memory_space<vmem>> -> memref<128xi32, #tpu.memory_space<vmem>>
        %dma_start3A_179 = arith.constant 0 : i32
        %dma_start3A_180 = arith.constant 0 : i32
        %dma_start3A_181 = tpu.memref_slice %arg6[%dma_start3A_179, %dma_start3A_180] : memref<10112x16xf32, #tpu.memory_space<vmem_shared>> -> memref<10112x16xf32, #tpu.memory_space<vmem_shared>>
        tpu.enqueue_indirect_dma source(%arg14 : memref<128x16xf32, #tpu.memory_space<vmem>>) target(%dma_start3A_181 : memref<10112x16xf32, #tpu.memory_space<vmem_shared>>) offsets(%dma_start3A_178 : memref<128xi32, #tpu.memory_space<vmem>>) semaphore(%run_scoped3A : memref<!tpu.dma_semaphore, #tpu.memory_space<semaphore_mem>>) {add = true}
        %dma_wait3A_182 = arith.constant 0 : i32
        %dma_wait3A_183 = tpu.memref_slice %arg7[%add3A_135, %dma_wait3A_182] : memref<40x128xi32, #tpu.memory_space<vmem>> -> memref<1x128xi32, #tpu.memory_space<vmem>>
        %dma_wait3A_184 = tpu.memref_squeeze %dma_wait3A_183 : memref<1x128xi32, #tpu.memory_space<vmem>> -> memref<128xi32, #tpu.memory_space<vmem>>
        %dma_wait3A_185 = arith.constant 0 : i32
        %dma_wait3A_186 = arith.constant 0 : i32
        %dma_wait3A_187 = tpu.memref_slice %arg6[%dma_wait3A_185, %dma_wait3A_186] : memref<10112x16xf32, #tpu.memory_space<vmem_shared>> -> memref<10112x16xf32, #tpu.memory_space<vmem_shared>>
        tpu.wait_indirect_dma semaphore(%run_scoped3A : memref<!tpu.dma_semaphore, #tpu.memory_space<semaphore_mem>>) src(%arg14 : memref<128x16xf32, #tpu.memory_space<vmem>>) dst(%dma_wait3A_187 : memref<10112x16xf32, #tpu.memory_space<vmem_shared>>)
        tpu.yield
      }) : () -> ()
      %add3A_148 = arith.constant 4 : i32
      %add3A_149 = arith.addi %add3A_135, %add3A_148 : i32
      %lt3A_150 = arith.constant 40 : i32
      %lt3A_151 = arith.cmpi slt, %add3A_149, %lt3A_150 : i32
      %convert_element_type3A_152 = arith.extui %lt3A_151 : i1 to i32
      %cond3A_153 = arith.constant 0 : i32
      %cond3A_154 = arith.cmpi ne, %convert_element_type3A_152, %cond3A_153 : i32
      scf.if %cond3A_154 {
        %add3A_176 = arith.constant 4 : i32
        %add3A_177 = arith.addi %add3A_135, %add3A_176 : i32
        %dma_start3A_178 = arith.constant 0 : i32
        %dma_start3A_179 = tpu.memref_slice %arg7[%add3A_177, %dma_start3A_178] : memref<40x128xi32, #tpu.memory_space<vmem>> -> memref<1x128xi32, #tpu.memory_space<vmem>>
        %dma_start3A_180 = tpu.memref_squeeze %dma_start3A_179 : memref<1x128xi32, #tpu.memory_space<vmem>> -> memref<128xi32, #tpu.memory_space<vmem>>
        %dma_start3A_181 = arith.constant 0 : i32
        %dma_start3A_182 = arith.constant 0 : i32
        %dma_start3A_183 = tpu.memref_slice %arg2[%dma_start3A_181, %dma_start3A_182] : memref<10112x16xf32, #tpu.memory_space<hbm>> -> memref<10112x16xf32, #tpu.memory_space<hbm>>
        tpu.enqueue_indirect_dma source(%dma_start3A_183 : memref<10112x16xf32, #tpu.memory_space<hbm>>) target(%arg13 : memref<128x16xf32, #tpu.memory_space<vmem>>) offsets(%dma_start3A_180 : memref<128xi32, #tpu.memory_space<vmem>>) semaphore(%arg22 : memref<!tpu.dma_semaphore, #tpu.memory_space<semaphore_mem>>)
        %add3A_184 = arith.constant 4 : i32
        %add3A_185 = arith.addi %add3A_135, %add3A_184 : i32
        %dma_start3A_186 = arith.constant 0 : i32
        %dma_start3A_187 = tpu.memref_slice %arg8[%add3A_185, %dma_start3A_186] : memref<40x128xi32, #tpu.memory_space<vmem>> -> memref<1x128xi32, #tpu.memory_space<vmem>>
        %dma_start3A_188 = tpu.memref_squeeze %dma_start3A_187 : memref<1x128xi32, #tpu.memory_space<vmem>> -> memref<128xi32, #tpu.memory_space<vmem>>
        %dma_start3A_189 = arith.constant 0 : i32
        %dma_start3A_190 = arith.constant 0 : i32
        %dma_start3A_191 = tpu.memref_slice %arg2[%dma_start3A_189, %dma_start3A_190] : memref<10112x16xf32, #tpu.memory_space<hbm>> -> memref<10112x16xf32, #tpu.memory_space<hbm>>
        tpu.enqueue_indirect_dma source(%dma_start3A_191 : memref<10112x16xf32, #tpu.memory_space<hbm>>) target(%arg14 : memref<128x16xf32, #tpu.memory_space<vmem>>) offsets(%dma_start3A_188 : memref<128xi32, #tpu.memory_space<vmem>>) semaphore(%arg23 : memref<!tpu.dma_semaphore, #tpu.memory_space<semaphore_mem>>)
      } else {
      }
      %add3A_155 = arith.constant 3 : i32
      %add3A_156 = arith.addi %add3A_92, %add3A_155 : i32
      %dma_wait3A_157 = arith.constant 0 : i32
      %dma_wait3A_158 = tpu.memref_slice %arg7[%add3A_156, %dma_wait3A_157] : memref<40x128xi32, #tpu.memory_space<vmem>> -> memref<1x128xi32, #tpu.memory_space<vmem>>
      %dma_wait3A_159 = tpu.memref_squeeze %dma_wait3A_158 : memref<1x128xi32, #tpu.memory_space<vmem>> -> memref<128xi32, #tpu.memory_space<vmem>>
      %dma_wait3A_160 = arith.constant 0 : i32
      %dma_wait3A_161 = arith.constant 0 : i32
      %dma_wait3A_162 = tpu.memref_slice %arg2[%dma_wait3A_160, %dma_wait3A_161] : memref<10112x16xf32, #tpu.memory_space<hbm>> -> memref<10112x16xf32, #tpu.memory_space<hbm>>
      tpu.wait_indirect_dma semaphore(%arg24 : memref<!tpu.dma_semaphore, #tpu.memory_space<semaphore_mem>>) src(%dma_wait3A_162 : memref<10112x16xf32, #tpu.memory_space<hbm>>) dst(%arg15 : memref<128x16xf32, #tpu.memory_space<vmem>>)
      "tpu.region"() ({
        %run_scoped3A = tpu.sem_alloc : memref<!tpu.dma_semaphore, #tpu.memory_space<semaphore_mem>>
        %dma_start3A_176 = arith.constant 0 : i32
        %dma_start3A_177 = tpu.memref_slice %arg8[%add3A_156, %dma_start3A_176] : memref<40x128xi32, #tpu.memory_space<vmem>> -> memref<1x128xi32, #tpu.memory_space<vmem>>
        %dma_start3A_178 = tpu.memref_squeeze %dma_start3A_177 : memref<1x128xi32, #tpu.memory_space<vmem>> -> memref<128xi32, #tpu.memory_space<vmem>>
        %dma_start3A_179 = arith.constant 0 : i32
        %dma_start3A_180 = arith.constant 0 : i32
        %dma_start3A_181 = tpu.memref_slice %arg6[%dma_start3A_179, %dma_start3A_180] : memref<10112x16xf32, #tpu.memory_space<vmem_shared>> -> memref<10112x16xf32, #tpu.memory_space<vmem_shared>>
        tpu.enqueue_indirect_dma source(%arg15 : memref<128x16xf32, #tpu.memory_space<vmem>>) target(%dma_start3A_181 : memref<10112x16xf32, #tpu.memory_space<vmem_shared>>) offsets(%dma_start3A_178 : memref<128xi32, #tpu.memory_space<vmem>>) semaphore(%run_scoped3A : memref<!tpu.dma_semaphore, #tpu.memory_space<semaphore_mem>>) {add = true}
        %dma_wait3A_182 = arith.constant 0 : i32
        %dma_wait3A_183 = tpu.memref_slice %arg8[%add3A_156, %dma_wait3A_182] : memref<40x128xi32, #tpu.memory_space<vmem>> -> memref<1x128xi32, #tpu.memory_space<vmem>>
        %dma_wait3A_184 = tpu.memref_squeeze %dma_wait3A_183 : memref<1x128xi32, #tpu.memory_space<vmem>> -> memref<128xi32, #tpu.memory_space<vmem>>
        %dma_wait3A_185 = arith.constant 0 : i32
        %dma_wait3A_186 = arith.constant 0 : i32
        %dma_wait3A_187 = tpu.memref_slice %arg6[%dma_wait3A_185, %dma_wait3A_186] : memref<10112x16xf32, #tpu.memory_space<vmem_shared>> -> memref<10112x16xf32, #tpu.memory_space<vmem_shared>>
        tpu.wait_indirect_dma semaphore(%run_scoped3A : memref<!tpu.dma_semaphore, #tpu.memory_space<semaphore_mem>>) src(%arg15 : memref<128x16xf32, #tpu.memory_space<vmem>>) dst(%dma_wait3A_187 : memref<10112x16xf32, #tpu.memory_space<vmem_shared>>)
        tpu.yield
      }) : () -> ()
      %dma_wait3A_163 = arith.constant 0 : i32
      %dma_wait3A_164 = tpu.memref_slice %arg8[%add3A_156, %dma_wait3A_163] : memref<40x128xi32, #tpu.memory_space<vmem>> -> memref<1x128xi32, #tpu.memory_space<vmem>>
      %dma_wait3A_165 = tpu.memref_squeeze %dma_wait3A_164 : memref<1x128xi32, #tpu.memory_space<vmem>> -> memref<128xi32, #tpu.memory_space<vmem>>
      %dma_wait3A_166 = arith.constant 0 : i32
      %dma_wait3A_167 = arith.constant 0 : i32
      %dma_wait3A_168 = tpu.memref_slice %arg2[%dma_wait3A_166, %dma_wait3A_167] : memref<10112x16xf32, #tpu.memory_space<hbm>> -> memref<10112x16xf32, #tpu.memory_space<hbm>>
      tpu.wait_indirect_dma semaphore(%arg25 : memref<!tpu.dma_semaphore, #tpu.memory_space<semaphore_mem>>) src(%dma_wait3A_168 : memref<10112x16xf32, #tpu.memory_space<hbm>>) dst(%arg16 : memref<128x16xf32, #tpu.memory_space<vmem>>)
      "tpu.region"() ({
        %run_scoped3A = tpu.sem_alloc : memref<!tpu.dma_semaphore, #tpu.memory_space<semaphore_mem>>
        %dma_start3A_176 = arith.constant 0 : i32
        %dma_start3A_177 = tpu.memref_slice %arg7[%add3A_156, %dma_start3A_176] : memref<40x128xi32, #tpu.memory_space<vmem>> -> memref<1x128xi32, #tpu.memory_space<vmem>>
        %dma_start3A_178 = tpu.memref_squeeze %dma_start3A_177 : memref<1x128xi32, #tpu.memory_space<vmem>> -> memref<128xi32, #tpu.memory_space<vmem>>
        %dma_start3A_179 = arith.constant 0 : i32
        %dma_start3A_180 = arith.constant 0 : i32
        %dma_start3A_181 = tpu.memref_slice %arg6[%dma_start3A_179, %dma_start3A_180] : memref<10112x16xf32, #tpu.memory_space<vmem_shared>> -> memref<10112x16xf32, #tpu.memory_space<vmem_shared>>
        tpu.enqueue_indirect_dma source(%arg16 : memref<128x16xf32, #tpu.memory_space<vmem>>) target(%dma_start3A_181 : memref<10112x16xf32, #tpu.memory_space<vmem_shared>>) offsets(%dma_start3A_178 : memref<128xi32, #tpu.memory_space<vmem>>) semaphore(%run_scoped3A : memref<!tpu.dma_semaphore, #tpu.memory_space<semaphore_mem>>) {add = true}
        %dma_wait3A_182 = arith.constant 0 : i32
        %dma_wait3A_183 = tpu.memref_slice %arg7[%add3A_156, %dma_wait3A_182] : memref<40x128xi32, #tpu.memory_space<vmem>> -> memref<1x128xi32, #tpu.memory_space<vmem>>
        %dma_wait3A_184 = tpu.memref_squeeze %dma_wait3A_183 : memref<1x128xi32, #tpu.memory_space<vmem>> -> memref<128xi32, #tpu.memory_space<vmem>>
        %dma_wait3A_185 = arith.constant 0 : i32
        %dma_wait3A_186 = arith.constant 0 : i32
        %dma_wait3A_187 = tpu.memref_slice %arg6[%dma_wait3A_185, %dma_wait3A_186] : memref<10112x16xf32, #tpu.memory_space<vmem_shared>> -> memref<10112x16xf32, #tpu.memory_space<vmem_shared>>
        tpu.wait_indirect_dma semaphore(%run_scoped3A : memref<!tpu.dma_semaphore, #tpu.memory_space<semaphore_mem>>) src(%arg16 : memref<128x16xf32, #tpu.memory_space<vmem>>) dst(%dma_wait3A_187 : memref<10112x16xf32, #tpu.memory_space<vmem_shared>>)
        tpu.yield
      }) : () -> ()
      %add3A_169 = arith.constant 4 : i32
      %add3A_170 = arith.addi %add3A_156, %add3A_169 : i32
      %lt3A_171 = arith.constant 40 : i32
      %lt3A_172 = arith.cmpi slt, %add3A_170, %lt3A_171 : i32
      %convert_element_type3A_173 = arith.extui %lt3A_172 : i1 to i32
      %cond3A_174 = arith.constant 0 : i32
      %cond3A_175 = arith.cmpi ne, %convert_element_type3A_173, %cond3A_174 : i32
      scf.if %cond3A_175 {
        %add3A_176 = arith.constant 4 : i32
        %add3A_177 = arith.addi %add3A_156, %add3A_176 : i32
        %dma_start3A_178 = arith.constant 0 : i32
        %dma_start3A_179 = tpu.memref_slice %arg7[%add3A_177, %dma_start3A_178] : memref<40x128xi32, #tpu.memory_space<vmem>> -> memref<1x128xi32, #tpu.memory_space<vmem>>
        %dma_start3A_180 = tpu.memref_squeeze %dma_start3A_179 : memref<1x128xi32, #tpu.memory_space<vmem>> -> memref<128xi32, #tpu.memory_space<vmem>>
        %dma_start3A_181 = arith.constant 0 : i32
        %dma_start3A_182 = arith.constant 0 : i32
        %dma_start3A_183 = tpu.memref_slice %arg2[%dma_start3A_181, %dma_start3A_182] : memref<10112x16xf32, #tpu.memory_space<hbm>> -> memref<10112x16xf32, #tpu.memory_space<hbm>>
        tpu.enqueue_indirect_dma source(%dma_start3A_183 : memref<10112x16xf32, #tpu.memory_space<hbm>>) target(%arg15 : memref<128x16xf32, #tpu.memory_space<vmem>>) offsets(%dma_start3A_180 : memref<128xi32, #tpu.memory_space<vmem>>) semaphore(%arg24 : memref<!tpu.dma_semaphore, #tpu.memory_space<semaphore_mem>>)
        %add3A_184 = arith.constant 4 : i32
        %add3A_185 = arith.addi %add3A_156, %add3A_184 : i32
        %dma_start3A_186 = arith.constant 0 : i32
        %dma_start3A_187 = tpu.memref_slice %arg8[%add3A_185, %dma_start3A_186] : memref<40x128xi32, #tpu.memory_space<vmem>> -> memref<1x128xi32, #tpu.memory_space<vmem>>
        %dma_start3A_188 = tpu.memref_squeeze %dma_start3A_187 : memref<1x128xi32, #tpu.memory_space<vmem>> -> memref<128xi32, #tpu.memory_space<vmem>>
        %dma_start3A_189 = arith.constant 0 : i32
        %dma_start3A_190 = arith.constant 0 : i32
        %dma_start3A_191 = tpu.memref_slice %arg2[%dma_start3A_189, %dma_start3A_190] : memref<10112x16xf32, #tpu.memory_space<hbm>> -> memref<10112x16xf32, #tpu.memory_space<hbm>>
        tpu.enqueue_indirect_dma source(%dma_start3A_191 : memref<10112x16xf32, #tpu.memory_space<hbm>>) target(%arg16 : memref<128x16xf32, #tpu.memory_space<vmem>>) offsets(%dma_start3A_188 : memref<128xi32, #tpu.memory_space<vmem>>) semaphore(%arg25 : memref<!tpu.dma_semaphore, #tpu.memory_space<semaphore_mem>>)
      } else {
      }
    }
    %scan3A_82 = arith.constant 10 : i32
    %barrier3A_83 = arith.constant 0 : index
    tpu.barrier barrier_id(%barrier3A_83)
    %mul3A_84 = arith.constant 632 : i32
    %mul3A_85 = arith.muli %arg1, %mul3A_84 : i32
    %mul3A_86 = arith.constant 632 : i32
    %mul3A_87 = arith.muli %arg1, %mul3A_86 : i32
    "tpu.region"() ({
      %run_scoped3A = tpu.sem_alloc : memref<!tpu.dma_semaphore, #tpu.memory_space<semaphore_mem>>
      %dma_start3A_88 = arith.constant 0 : i32
      %dma_start3A_89 = tpu.memref_slice %arg5[%arg0, %mul3A_87, %dma_start3A_88] : memref<2x10112x16xf32, #tpu.memory_space<hbm>> -> memref<1x632x16xf32, #tpu.memory_space<hbm>>
      %dma_start3A_90 = tpu.memref_squeeze %dma_start3A_89 : memref<1x632x16xf32, #tpu.memory_space<hbm>> -> memref<632x16xf32, #tpu.memory_space<hbm>>
      %dma_start3A_91 = arith.constant 0 : i32
      %dma_start3A_92 = tpu.memref_slice %arg6[%mul3A_85, %dma_start3A_91] : memref<10112x16xf32, #tpu.memory_space<vmem_shared>> -> memref<632x16xf32, #tpu.memory_space<vmem_shared>>
      tpu.enqueue_dma source(%dma_start3A_92 : memref<632x16xf32, #tpu.memory_space<vmem_shared>>) target(%dma_start3A_90 : memref<632x16xf32, #tpu.memory_space<hbm>>) target_semaphore(%run_scoped3A : memref<!tpu.dma_semaphore, #tpu.memory_space<semaphore_mem>>)
      %dma_wait3A = arith.constant 0 : i32
      %dma_wait3A_93 = tpu.memref_slice %arg5[%arg0, %mul3A_87, %dma_wait3A] : memref<2x10112x16xf32, #tpu.memory_space<hbm>> -> memref<1x632x16xf32, #tpu.memory_space<hbm>>
      %dma_wait3A_94 = tpu.memref_squeeze %dma_wait3A_93 : memref<1x632x16xf32, #tpu.memory_space<hbm>> -> memref<632x16xf32, #tpu.memory_space<hbm>>
      %dma_wait3A_95 = arith.constant 0 : i32
      %dma_wait3A_96 = tpu.memref_slice %arg6[%mul3A_85, %dma_wait3A_95] : memref<10112x16xf32, #tpu.memory_space<vmem_shared>> -> memref<632x16xf32, #tpu.memory_space<vmem_shared>>
      tpu.wait_dma2 semaphore(%run_scoped3A : memref<!tpu.dma_semaphore, #tpu.memory_space<semaphore_mem>>) src(%dma_wait3A_96 : memref<632x16xf32, #tpu.memory_space<vmem_shared>>) dst(%dma_wait3A_94 : memref<632x16xf32, #tpu.memory_space<hbm>>)
      tpu.yield
    }) : () -> ()
    return
  }
}

#map = affine_map<(d0, d1) -> (0, 0, 0)>
#map1 = affine_map<(d0, d1) -> (0, 0)>
module attributes {stable_mosaic.version = 14 : i64} {
  func.func @deg_kernel(%arg0: i32, %arg1: i32, %arg2: memref<2x1250x128xi32, #tpu.memory_space<hbm>>, %arg3: memref<2x30x128xi32, #tpu.memory_space<hbm>>, %arg4: memref<32x10112xf32, #tpu.memory_space<hbm>>, %arg5: memref<10112xf32, #tpu.memory_space<vmem>>, %arg6: memref<40x128xi32, #tpu.memory_space<vmem>>, %arg7: memref<40x128xi32, #tpu.memory_space<vmem>>, %arg8: memref<!tpu.dma_semaphore, #tpu.memory_space<semaphore_mem>>) attributes {dimension_semantics = [#tpu.dimension_semantics<core_parallel>, #tpu.dimension_semantics<subcore_parallel>], iteration_bounds = array<i64: 2, 16>, scalar_prefetch = 0 : i64, scratch_operands = 4 : i64, tpu.core_type = #tpu.core_type<sc_vector_subcore>, window_params = [{transform_indices = #map}, {transform_indices = #map}, {transform_indices = #map1}]} {
    %mul3A = arith.constant 16 : i32
    %mul3A_0 = arith.muli %arg0, %mul3A : i32
    %add3A = arith.addi %mul3A_0, %arg1 : i32
    %lt3A = arith.constant 31 : i32
    %lt3A_1 = arith.cmpi slt, %add3A, %lt3A : i32
    %convert_element_type3A = arith.extui %lt3A_1 : i1 to i32
    %cond3A = arith.constant 0 : i32
    %cond3A_2 = arith.cmpi ne, %convert_element_type3A, %cond3A : i32
    scf.if %cond3A_2 {
      %mul3A_27 = arith.constant 40 : i32
      %mul3A_28 = arith.muli %add3A, %mul3A_27 : i32
      %dma_start3A = arith.constant 0 : i32
      %dma_start3A_29 = arith.constant 0 : i32
      %dma_start3A_30 = tpu.memref_slice %arg2[%dma_start3A, %mul3A_28, %dma_start3A_29] : memref<2x1250x128xi32, #tpu.memory_space<hbm>> -> memref<1x40x128xi32, #tpu.memory_space<hbm>>
      %dma_start3A_31 = tpu.memref_squeeze %dma_start3A_30 : memref<1x40x128xi32, #tpu.memory_space<hbm>> -> memref<40x128xi32, #tpu.memory_space<hbm>>
      %dma_start3A_32 = arith.constant 0 : i32
      %dma_start3A_33 = tpu.memref_slice %arg2[%dma_start3A, %mul3A_28, %dma_start3A_32] : memref<2x1250x128xi32, #tpu.memory_space<hbm>> -> memref<1x40x128xi32, #tpu.memory_space<hbm>>
      %dma_start3A_34 = tpu.memref_squeeze %dma_start3A_33 : memref<1x40x128xi32, #tpu.memory_space<hbm>> -> memref<40x128xi32, #tpu.memory_space<hbm>>
      tpu.enqueue_dma source(%dma_start3A_34 : memref<40x128xi32, #tpu.memory_space<hbm>>) target(%arg6 : memref<40x128xi32, #tpu.memory_space<vmem>>) target_semaphore(%arg8 : memref<!tpu.dma_semaphore, #tpu.memory_space<semaphore_mem>>)
      %mul3A_35 = arith.constant 40 : i32
      %mul3A_36 = arith.muli %add3A, %mul3A_35 : i32
      %dma_start3A_37 = arith.constant 1 : i32
      %dma_start3A_38 = arith.constant 0 : i32
      %dma_start3A_39 = tpu.memref_slice %arg2[%dma_start3A_37, %mul3A_36, %dma_start3A_38] : memref<2x1250x128xi32, #tpu.memory_space<hbm>> -> memref<1x40x128xi32, #tpu.memory_space<hbm>>
      %dma_start3A_40 = tpu.memref_squeeze %dma_start3A_39 : memref<1x40x128xi32, #tpu.memory_space<hbm>> -> memref<40x128xi32, #tpu.memory_space<hbm>>
      %dma_start3A_41 = arith.constant 0 : i32
      %dma_start3A_42 = tpu.memref_slice %arg2[%dma_start3A_37, %mul3A_36, %dma_start3A_41] : memref<2x1250x128xi32, #tpu.memory_space<hbm>> -> memref<1x40x128xi32, #tpu.memory_space<hbm>>
      %dma_start3A_43 = tpu.memref_squeeze %dma_start3A_42 : memref<1x40x128xi32, #tpu.memory_space<hbm>> -> memref<40x128xi32, #tpu.memory_space<hbm>>
      tpu.enqueue_dma source(%dma_start3A_43 : memref<40x128xi32, #tpu.memory_space<hbm>>) target(%arg7 : memref<40x128xi32, #tpu.memory_space<vmem>>) target_semaphore(%arg8 : memref<!tpu.dma_semaphore, #tpu.memory_space<semaphore_mem>>)
    } else {
    }
    %eq3A = arith.constant 31 : i32
    %eq3A_3 = arith.cmpi eq, %add3A, %eq3A : i32
    %convert_element_type3A_4 = arith.extui %eq3A_3 : i1 to i32
    %cond3A_5 = arith.constant 0 : i32
    %cond3A_6 = arith.cmpi ne, %convert_element_type3A_4, %cond3A_5 : i32
    scf.if %cond3A_6 {
      %dma_start3A = arith.constant 0 : i32
      %dma_start3A_27 = arith.constant 0 : i32
      %dma_start3A_28 = arith.constant 0 : i32
      %dma_start3A_29 = tpu.memref_slice %arg6[%dma_start3A_27, %dma_start3A_28] : memref<40x128xi32, #tpu.memory_space<vmem>> -> memref<10x128xi32, #tpu.memory_space<vmem>>
      %dma_start3A_30 = arith.constant 1240 : i32
      %dma_start3A_31 = arith.constant 0 : i32
      %dma_start3A_32 = tpu.memref_slice %arg2[%dma_start3A, %dma_start3A_30, %dma_start3A_31] : memref<2x1250x128xi32, #tpu.memory_space<hbm>> -> memref<1x10x128xi32, #tpu.memory_space<hbm>>
      %dma_start3A_33 = tpu.memref_squeeze %dma_start3A_32 : memref<1x10x128xi32, #tpu.memory_space<hbm>> -> memref<10x128xi32, #tpu.memory_space<hbm>>
      %dma_start3A_34 = arith.constant 0 : i32
      %dma_start3A_35 = arith.constant 0 : i32
      %dma_start3A_36 = tpu.memref_slice %arg6[%dma_start3A_34, %dma_start3A_35] : memref<40x128xi32, #tpu.memory_space<vmem>> -> memref<10x128xi32, #tpu.memory_space<vmem>>
      %dma_start3A_37 = arith.constant 1240 : i32
      %dma_start3A_38 = arith.constant 0 : i32
      %dma_start3A_39 = tpu.memref_slice %arg2[%dma_start3A, %dma_start3A_37, %dma_start3A_38] : memref<2x1250x128xi32, #tpu.memory_space<hbm>> -> memref<1x10x128xi32, #tpu.memory_space<hbm>>
      %dma_start3A_40 = tpu.memref_squeeze %dma_start3A_39 : memref<1x10x128xi32, #tpu.memory_space<hbm>> -> memref<10x128xi32, #tpu.memory_space<hbm>>
      tpu.enqueue_dma source(%dma_start3A_40 : memref<10x128xi32, #tpu.memory_space<hbm>>) target(%dma_start3A_36 : memref<10x128xi32, #tpu.memory_space<vmem>>) target_semaphore(%arg8 : memref<!tpu.dma_semaphore, #tpu.memory_space<semaphore_mem>>)
      %dma_start3A_41 = arith.constant 1 : i32
      %dma_start3A_42 = arith.constant 0 : i32
      %dma_start3A_43 = arith.constant 0 : i32
      %dma_start3A_44 = tpu.memref_slice %arg7[%dma_start3A_42, %dma_start3A_43] : memref<40x128xi32, #tpu.memory_space<vmem>> -> memref<10x128xi32, #tpu.memory_space<vmem>>
      %dma_start3A_45 = arith.constant 1240 : i32
      %dma_start3A_46 = arith.constant 0 : i32
      %dma_start3A_47 = tpu.memref_slice %arg2[%dma_start3A_41, %dma_start3A_45, %dma_start3A_46] : memref<2x1250x128xi32, #tpu.memory_space<hbm>> -> memref<1x10x128xi32, #tpu.memory_space<hbm>>
      %dma_start3A_48 = tpu.memref_squeeze %dma_start3A_47 : memref<1x10x128xi32, #tpu.memory_space<hbm>> -> memref<10x128xi32, #tpu.memory_space<hbm>>
      %dma_start3A_49 = arith.constant 0 : i32
      %dma_start3A_50 = arith.constant 0 : i32
      %dma_start3A_51 = tpu.memref_slice %arg7[%dma_start3A_49, %dma_start3A_50] : memref<40x128xi32, #tpu.memory_space<vmem>> -> memref<10x128xi32, #tpu.memory_space<vmem>>
      %dma_start3A_52 = arith.constant 1240 : i32
      %dma_start3A_53 = arith.constant 0 : i32
      %dma_start3A_54 = tpu.memref_slice %arg2[%dma_start3A_41, %dma_start3A_52, %dma_start3A_53] : memref<2x1250x128xi32, #tpu.memory_space<hbm>> -> memref<1x10x128xi32, #tpu.memory_space<hbm>>
      %dma_start3A_55 = tpu.memref_squeeze %dma_start3A_54 : memref<1x10x128xi32, #tpu.memory_space<hbm>> -> memref<10x128xi32, #tpu.memory_space<hbm>>
      tpu.enqueue_dma source(%dma_start3A_55 : memref<10x128xi32, #tpu.memory_space<hbm>>) target(%dma_start3A_51 : memref<10x128xi32, #tpu.memory_space<vmem>>) target_semaphore(%arg8 : memref<!tpu.dma_semaphore, #tpu.memory_space<semaphore_mem>>)
      %dma_start3A_56 = arith.constant 0 : i32
      %dma_start3A_57 = arith.constant 10 : i32
      %dma_start3A_58 = arith.constant 0 : i32
      %dma_start3A_59 = tpu.memref_slice %arg6[%dma_start3A_57, %dma_start3A_58] : memref<40x128xi32, #tpu.memory_space<vmem>> -> memref<30x128xi32, #tpu.memory_space<vmem>>
      %dma_start3A_60 = arith.constant 0 : i32
      %dma_start3A_61 = arith.constant 0 : i32
      %dma_start3A_62 = tpu.memref_slice %arg3[%dma_start3A_56, %dma_start3A_60, %dma_start3A_61] : memref<2x30x128xi32, #tpu.memory_space<hbm>> -> memref<1x30x128xi32, #tpu.memory_space<hbm>>
      %dma_start3A_63 = tpu.memref_squeeze %dma_start3A_62 : memref<1x30x128xi32, #tpu.memory_space<hbm>> -> memref<30x128xi32, #tpu.memory_space<hbm>>
      %dma_start3A_64 = arith.constant 10 : i32
      %dma_start3A_65 = arith.constant 0 : i32
      %dma_start3A_66 = tpu.memref_slice %arg6[%dma_start3A_64, %dma_start3A_65] : memref<40x128xi32, #tpu.memory_space<vmem>> -> memref<30x128xi32, #tpu.memory_space<vmem>>
      %dma_start3A_67 = arith.constant 0 : i32
      %dma_start3A_68 = arith.constant 0 : i32
      %dma_start3A_69 = tpu.memref_slice %arg3[%dma_start3A_56, %dma_start3A_67, %dma_start3A_68] : memref<2x30x128xi32, #tpu.memory_space<hbm>> -> memref<1x30x128xi32, #tpu.memory_space<hbm>>
      %dma_start3A_70 = tpu.memref_squeeze %dma_start3A_69 : memref<1x30x128xi32, #tpu.memory_space<hbm>> -> memref<30x128xi32, #tpu.memory_space<hbm>>
      tpu.enqueue_dma source(%dma_start3A_70 : memref<30x128xi32, #tpu.memory_space<hbm>>) target(%dma_start3A_66 : memref<30x128xi32, #tpu.memory_space<vmem>>) target_semaphore(%arg8 : memref<!tpu.dma_semaphore, #tpu.memory_space<semaphore_mem>>)
      %dma_start3A_71 = arith.constant 1 : i32
      %dma_start3A_72 = arith.constant 10 : i32
      %dma_start3A_73 = arith.constant 0 : i32
      %dma_start3A_74 = tpu.memref_slice %arg7[%dma_start3A_72, %dma_start3A_73] : memref<40x128xi32, #tpu.memory_space<vmem>> -> memref<30x128xi32, #tpu.memory_space<vmem>>
      %dma_start3A_75 = arith.constant 0 : i32
      %dma_start3A_76 = arith.constant 0 : i32
      %dma_start3A_77 = tpu.memref_slice %arg3[%dma_start3A_71, %dma_start3A_75, %dma_start3A_76] : memref<2x30x128xi32, #tpu.memory_space<hbm>> -> memref<1x30x128xi32, #tpu.memory_space<hbm>>
      %dma_start3A_78 = tpu.memref_squeeze %dma_start3A_77 : memref<1x30x128xi32, #tpu.memory_space<hbm>> -> memref<30x128xi32, #tpu.memory_space<hbm>>
      %dma_start3A_79 = arith.constant 10 : i32
      %dma_start3A_80 = arith.constant 0 : i32
      %dma_start3A_81 = tpu.memref_slice %arg7[%dma_start3A_79, %dma_start3A_80] : memref<40x128xi32, #tpu.memory_space<vmem>> -> memref<30x128xi32, #tpu.memory_space<vmem>>
      %dma_start3A_82 = arith.constant 0 : i32
      %dma_start3A_83 = arith.constant 0 : i32
      %dma_start3A_84 = tpu.memref_slice %arg3[%dma_start3A_71, %dma_start3A_82, %dma_start3A_83] : memref<2x30x128xi32, #tpu.memory_space<hbm>> -> memref<1x30x128xi32, #tpu.memory_space<hbm>>
      %dma_start3A_85 = tpu.memref_squeeze %dma_start3A_84 : memref<1x30x128xi32, #tpu.memory_space<hbm>> -> memref<30x128xi32, #tpu.memory_space<hbm>>
      tpu.enqueue_dma source(%dma_start3A_85 : memref<30x128xi32, #tpu.memory_space<hbm>>) target(%dma_start3A_81 : memref<30x128xi32, #tpu.memory_space<vmem>>) target_semaphore(%arg8 : memref<!tpu.dma_semaphore, #tpu.memory_space<semaphore_mem>>)
    } else {
    }
    %scan3A = arith.constant 0 : i32
    %scan3A_7 = arith.constant 632 : i32
    %scan3A_8 = arith.addi %scan3A, %scan3A_7 : i32
    %scan3A_9 = arith.constant 1 : i32
    scf.for %scan3A_27 = %scan3A to %scan3A_8 step %scan3A_9  : i32 {
      %mul3A_28 = arith.constant 1 : i32
      %mul3A_29 = arith.muli %scan3A_27, %mul3A_28 : i32
      %add3A_30 = arith.constant 0 : i32
      %add3A_31 = arith.addi %add3A_30, %mul3A_29 : i32
      %broadcast_in_dim3A_32 = arith.constant 0.000000e+00 : f32
      %broadcast_in_dim3A_33 = vector.broadcast %broadcast_in_dim3A_32 : f32 to vector<16xf32>
      %mul3A_34 = arith.constant 16 : i32
      %mul3A_35 = arith.muli %add3A_31, %mul3A_34 : i32
      %swap3A = arith.index_cast %mul3A_35 : i32 to index
      %swap3A_36 = tpu.vector_load %arg5[%swap3A] {strides = array<i32>} : memref<10112xf32, #tpu.memory_space<vmem>>, vector<16xf32>,
      tpu.vector_store %arg5[%swap3A], %broadcast_in_dim3A_33 {strides = array<i32>} : memref<10112xf32, #tpu.memory_space<vmem>>, vector<16xf32>,
    }
    %scan3A_10 = arith.constant 632 : i32
    %lt3A_11 = arith.constant 31 : i32
    %lt3A_12 = arith.cmpi slt, %add3A, %lt3A_11 : i32
    %convert_element_type3A_13 = arith.extui %lt3A_12 : i1 to i32
    %cond3A_14 = arith.constant 0 : i32
    %cond3A_15 = arith.cmpi ne, %convert_element_type3A_13, %cond3A_14 : i32
    scf.if %cond3A_15 {
      %mul3A_27 = arith.constant 40 : i32
      %mul3A_28 = arith.muli %add3A, %mul3A_27 : i32
      %dma_wait3A = arith.constant 0 : i32
      %dma_wait3A_29 = arith.constant 0 : i32
      %dma_wait3A_30 = tpu.memref_slice %arg2[%dma_wait3A, %mul3A_28, %dma_wait3A_29] : memref<2x1250x128xi32, #tpu.memory_space<hbm>> -> memref<1x40x128xi32, #tpu.memory_space<hbm>>
      %dma_wait3A_31 = tpu.memref_squeeze %dma_wait3A_30 : memref<1x40x128xi32, #tpu.memory_space<hbm>> -> memref<40x128xi32, #tpu.memory_space<hbm>>
      %dma_wait3A_32 = arith.constant 0 : i32
      %dma_wait3A_33 = tpu.memref_slice %arg2[%dma_wait3A, %mul3A_28, %dma_wait3A_32] : memref<2x1250x128xi32, #tpu.memory_space<hbm>> -> memref<1x40x128xi32, #tpu.memory_space<hbm>>
      %dma_wait3A_34 = tpu.memref_squeeze %dma_wait3A_33 : memref<1x40x128xi32, #tpu.memory_space<hbm>> -> memref<40x128xi32, #tpu.memory_space<hbm>>
      tpu.wait_dma2 semaphore(%arg8 : memref<!tpu.dma_semaphore, #tpu.memory_space<semaphore_mem>>) src(%dma_wait3A_34 : memref<40x128xi32, #tpu.memory_space<hbm>>) dst(%arg6 : memref<40x128xi32, #tpu.memory_space<vmem>>)
      %mul3A_35 = arith.constant 40 : i32
      %mul3A_36 = arith.muli %add3A, %mul3A_35 : i32
      %dma_wait3A_37 = arith.constant 1 : i32
      %dma_wait3A_38 = arith.constant 0 : i32
      %dma_wait3A_39 = tpu.memref_slice %arg2[%dma_wait3A_37, %mul3A_36, %dma_wait3A_38] : memref<2x1250x128xi32, #tpu.memory_space<hbm>> -> memref<1x40x128xi32, #tpu.memory_space<hbm>>
      %dma_wait3A_40 = tpu.memref_squeeze %dma_wait3A_39 : memref<1x40x128xi32, #tpu.memory_space<hbm>> -> memref<40x128xi32, #tpu.memory_space<hbm>>
      %dma_wait3A_41 = arith.constant 0 : i32
      %dma_wait3A_42 = tpu.memref_slice %arg2[%dma_wait3A_37, %mul3A_36, %dma_wait3A_41] : memref<2x1250x128xi32, #tpu.memory_space<hbm>> -> memref<1x40x128xi32, #tpu.memory_space<hbm>>
      %dma_wait3A_43 = tpu.memref_squeeze %dma_wait3A_42 : memref<1x40x128xi32, #tpu.memory_space<hbm>> -> memref<40x128xi32, #tpu.memory_space<hbm>>
      tpu.wait_dma2 semaphore(%arg8 : memref<!tpu.dma_semaphore, #tpu.memory_space<semaphore_mem>>) src(%dma_wait3A_43 : memref<40x128xi32, #tpu.memory_space<hbm>>) dst(%arg7 : memref<40x128xi32, #tpu.memory_space<vmem>>)
    } else {
    }
    %eq3A_16 = arith.constant 31 : i32
    %eq3A_17 = arith.cmpi eq, %add3A, %eq3A_16 : i32
    %convert_element_type3A_18 = arith.extui %eq3A_17 : i1 to i32
    %cond3A_19 = arith.constant 0 : i32
    %cond3A_20 = arith.cmpi ne, %convert_element_type3A_18, %cond3A_19 : i32
    scf.if %cond3A_20 {
      %dma_wait3A = arith.constant 0 : i32
      %dma_wait3A_27 = arith.constant 0 : i32
      %dma_wait3A_28 = arith.constant 0 : i32
      %dma_wait3A_29 = tpu.memref_slice %arg6[%dma_wait3A_27, %dma_wait3A_28] : memref<40x128xi32, #tpu.memory_space<vmem>> -> memref<10x128xi32, #tpu.memory_space<vmem>>
      %dma_wait3A_30 = arith.constant 1240 : i32
      %dma_wait3A_31 = arith.constant 0 : i32
      %dma_wait3A_32 = tpu.memref_slice %arg2[%dma_wait3A, %dma_wait3A_30, %dma_wait3A_31] : memref<2x1250x128xi32, #tpu.memory_space<hbm>> -> memref<1x10x128xi32, #tpu.memory_space<hbm>>
      %dma_wait3A_33 = tpu.memref_squeeze %dma_wait3A_32 : memref<1x10x128xi32, #tpu.memory_space<hbm>> -> memref<10x128xi32, #tpu.memory_space<hbm>>
      %dma_wait3A_34 = arith.constant 0 : i32
      %dma_wait3A_35 = arith.constant 0 : i32
      %dma_wait3A_36 = tpu.memref_slice %arg6[%dma_wait3A_34, %dma_wait3A_35] : memref<40x128xi32, #tpu.memory_space<vmem>> -> memref<10x128xi32, #tpu.memory_space<vmem>>
      %dma_wait3A_37 = arith.constant 1240 : i32
      %dma_wait3A_38 = arith.constant 0 : i32
      %dma_wait3A_39 = tpu.memref_slice %arg2[%dma_wait3A, %dma_wait3A_37, %dma_wait3A_38] : memref<2x1250x128xi32, #tpu.memory_space<hbm>> -> memref<1x10x128xi32, #tpu.memory_space<hbm>>
      %dma_wait3A_40 = tpu.memref_squeeze %dma_wait3A_39 : memref<1x10x128xi32, #tpu.memory_space<hbm>> -> memref<10x128xi32, #tpu.memory_space<hbm>>
      tpu.wait_dma2 semaphore(%arg8 : memref<!tpu.dma_semaphore, #tpu.memory_space<semaphore_mem>>) src(%dma_wait3A_40 : memref<10x128xi32, #tpu.memory_space<hbm>>) dst(%dma_wait3A_36 : memref<10x128xi32, #tpu.memory_space<vmem>>)
      %dma_wait3A_41 = arith.constant 1 : i32
      %dma_wait3A_42 = arith.constant 0 : i32
      %dma_wait3A_43 = arith.constant 0 : i32
      %dma_wait3A_44 = tpu.memref_slice %arg7[%dma_wait3A_42, %dma_wait3A_43] : memref<40x128xi32, #tpu.memory_space<vmem>> -> memref<10x128xi32, #tpu.memory_space<vmem>>
      %dma_wait3A_45 = arith.constant 1240 : i32
      %dma_wait3A_46 = arith.constant 0 : i32
      %dma_wait3A_47 = tpu.memref_slice %arg2[%dma_wait3A_41, %dma_wait3A_45, %dma_wait3A_46] : memref<2x1250x128xi32, #tpu.memory_space<hbm>> -> memref<1x10x128xi32, #tpu.memory_space<hbm>>
      %dma_wait3A_48 = tpu.memref_squeeze %dma_wait3A_47 : memref<1x10x128xi32, #tpu.memory_space<hbm>> -> memref<10x128xi32, #tpu.memory_space<hbm>>
      %dma_wait3A_49 = arith.constant 0 : i32
      %dma_wait3A_50 = arith.constant 0 : i32
      %dma_wait3A_51 = tpu.memref_slice %arg7[%dma_wait3A_49, %dma_wait3A_50] : memref<40x128xi32, #tpu.memory_space<vmem>> -> memref<10x128xi32, #tpu.memory_space<vmem>>
      %dma_wait3A_52 = arith.constant 1240 : i32
      %dma_wait3A_53 = arith.constant 0 : i32
      %dma_wait3A_54 = tpu.memref_slice %arg2[%dma_wait3A_41, %dma_wait3A_52, %dma_wait3A_53] : memref<2x1250x128xi32, #tpu.memory_space<hbm>> -> memref<1x10x128xi32, #tpu.memory_space<hbm>>
      %dma_wait3A_55 = tpu.memref_squeeze %dma_wait3A_54 : memref<1x10x128xi32, #tpu.memory_space<hbm>> -> memref<10x128xi32, #tpu.memory_space<hbm>>
      tpu.wait_dma2 semaphore(%arg8 : memref<!tpu.dma_semaphore, #tpu.memory_space<semaphore_mem>>) src(%dma_wait3A_55 : memref<10x128xi32, #tpu.memory_space<hbm>>) dst(%dma_wait3A_51 : memref<10x128xi32, #tpu.memory_space<vmem>>)
      %dma_wait3A_56 = arith.constant 0 : i32
      %dma_wait3A_57 = arith.constant 10 : i32
      %dma_wait3A_58 = arith.constant 0 : i32
      %dma_wait3A_59 = tpu.memref_slice %arg6[%dma_wait3A_57, %dma_wait3A_58] : memref<40x128xi32, #tpu.memory_space<vmem>> -> memref<30x128xi32, #tpu.memory_space<vmem>>
      %dma_wait3A_60 = arith.constant 0 : i32
      %dma_wait3A_61 = arith.constant 0 : i32
      %dma_wait3A_62 = tpu.memref_slice %arg3[%dma_wait3A_56, %dma_wait3A_60, %dma_wait3A_61] : memref<2x30x128xi32, #tpu.memory_space<hbm>> -> memref<1x30x128xi32, #tpu.memory_space<hbm>>
      %dma_wait3A_63 = tpu.memref_squeeze %dma_wait3A_62 : memref<1x30x128xi32, #tpu.memory_space<hbm>> -> memref<30x128xi32, #tpu.memory_space<hbm>>
      %dma_wait3A_64 = arith.constant 10 : i32
      %dma_wait3A_65 = arith.constant 0 : i32
      %dma_wait3A_66 = tpu.memref_slice %arg6[%dma_wait3A_64, %dma_wait3A_65] : memref<40x128xi32, #tpu.memory_space<vmem>> -> memref<30x128xi32, #tpu.memory_space<vmem>>
      %dma_wait3A_67 = arith.constant 0 : i32
      %dma_wait3A_68 = arith.constant 0 : i32
      %dma_wait3A_69 = tpu.memref_slice %arg3[%dma_wait3A_56, %dma_wait3A_67, %dma_wait3A_68] : memref<2x30x128xi32, #tpu.memory_space<hbm>> -> memref<1x30x128xi32, #tpu.memory_space<hbm>>
      %dma_wait3A_70 = tpu.memref_squeeze %dma_wait3A_69 : memref<1x30x128xi32, #tpu.memory_space<hbm>> -> memref<30x128xi32, #tpu.memory_space<hbm>>
      tpu.wait_dma2 semaphore(%arg8 : memref<!tpu.dma_semaphore, #tpu.memory_space<semaphore_mem>>) src(%dma_wait3A_70 : memref<30x128xi32, #tpu.memory_space<hbm>>) dst(%dma_wait3A_66 : memref<30x128xi32, #tpu.memory_space<vmem>>)
      %dma_wait3A_71 = arith.constant 1 : i32
      %dma_wait3A_72 = arith.constant 10 : i32
      %dma_wait3A_73 = arith.constant 0 : i32
      %dma_wait3A_74 = tpu.memref_slice %arg7[%dma_wait3A_72, %dma_wait3A_73] : memref<40x128xi32, #tpu.memory_space<vmem>> -> memref<30x128xi32, #tpu.memory_space<vmem>>
      %dma_wait3A_75 = arith.constant 0 : i32
      %dma_wait3A_76 = arith.constant 0 : i32
      %dma_wait3A_77 = tpu.memref_slice %arg3[%dma_wait3A_71, %dma_wait3A_75, %dma_wait3A_76] : memref<2x30x128xi32, #tpu.memory_space<hbm>> -> memref<1x30x128xi32, #tpu.memory_space<hbm>>
      %dma_wait3A_78 = tpu.memref_squeeze %dma_wait3A_77 : memref<1x30x128xi32, #tpu.memory_space<hbm>> -> memref<30x128xi32, #tpu.memory_space<hbm>>
      %dma_wait3A_79 = arith.constant 10 : i32
      %dma_wait3A_80 = arith.constant 0 : i32
      %dma_wait3A_81 = tpu.memref_slice %arg7[%dma_wait3A_79, %dma_wait3A_80] : memref<40x128xi32, #tpu.memory_space<vmem>> -> memref<30x128xi32, #tpu.memory_space<vmem>>
      %dma_wait3A_82 = arith.constant 0 : i32
      %dma_wait3A_83 = arith.constant 0 : i32
      %dma_wait3A_84 = tpu.memref_slice %arg3[%dma_wait3A_71, %dma_wait3A_82, %dma_wait3A_83] : memref<2x30x128xi32, #tpu.memory_space<hbm>> -> memref<1x30x128xi32, #tpu.memory_space<hbm>>
      %dma_wait3A_85 = tpu.memref_squeeze %dma_wait3A_84 : memref<1x30x128xi32, #tpu.memory_space<hbm>> -> memref<30x128xi32, #tpu.memory_space<hbm>>
      tpu.wait_dma2 semaphore(%arg8 : memref<!tpu.dma_semaphore, #tpu.memory_space<semaphore_mem>>) src(%dma_wait3A_85 : memref<30x128xi32, #tpu.memory_space<hbm>>) dst(%dma_wait3A_81 : memref<30x128xi32, #tpu.memory_space<vmem>>)
    } else {
    }
    %broadcast_in_dim3A = arith.constant 1.000000e+00 : f32
    %broadcast_in_dim3A_21 = vector.broadcast %broadcast_in_dim3A : f32 to vector<16xf32>
    %scan3A_22 = arith.constant 0 : i32
    %scan3A_23 = arith.constant 40 : i32
    %scan3A_24 = arith.addi %scan3A_22, %scan3A_23 : i32
    %scan3A_25 = arith.constant 1 : i32
    scf.for %scan3A_27 = %scan3A_22 to %scan3A_24 step %scan3A_25  : i32 {
      %mul3A_28 = arith.constant 1 : i32
      %mul3A_29 = arith.muli %scan3A_27, %mul3A_28 : i32
      %add3A_30 = arith.constant 0 : i32
      %add3A_31 = arith.addi %add3A_30, %mul3A_29 : i32
      %get3A = arith.index_cast %add3A_31 : i32 to index
      %get3A_32 = arith.constant 0 : index
      %get3A_33 = tpu.vector_load %arg6[%get3A, %get3A_32] {strides = array<i32>} : memref<40x128xi32, #tpu.memory_space<vmem>>, vector<16xi32>,
      tpu.vector_store_idx %arg5[%get3A_33], %broadcast_in_dim3A_21 {add = true} : memref<10112xf32, #tpu.memory_space<vmem>>[vector<16xi32>], vector<16xf32>,
      %get3A_34 = arith.index_cast %add3A_31 : i32 to index
      %get3A_35 = arith.constant 16 : index
      %get3A_36 = tpu.vector_load %arg6[%get3A_34, %get3A_35] {strides = array<i32>} : memref<40x128xi32, #tpu.memory_space<vmem>>, vector<16xi32>,
      tpu.vector_store_idx %arg5[%get3A_36], %broadcast_in_dim3A_21 {add = true} : memref<10112xf32, #tpu.memory_space<vmem>>[vector<16xi32>], vector<16xf32>,
      %get3A_37 = arith.index_cast %add3A_31 : i32 to index
      %get3A_38 = arith.constant 32 : index
      %get3A_39 = tpu.vector_load %arg6[%get3A_37, %get3A_38] {strides = array<i32>} : memref<40x128xi32, #tpu.memory_space<vmem>>, vector<16xi32>,
      tpu.vector_store_idx %arg5[%get3A_39], %broadcast_in_dim3A_21 {add = true} : memref<10112xf32, #tpu.memory_space<vmem>>[vector<16xi32>], vector<16xf32>,
      %get3A_40 = arith.index_cast %add3A_31 : i32 to index
      %get3A_41 = arith.constant 48 : index
      %get3A_42 = tpu.vector_load %arg6[%get3A_40, %get3A_41] {strides = array<i32>} : memref<40x128xi32, #tpu.memory_space<vmem>>, vector<16xi32>,
      tpu.vector_store_idx %arg5[%get3A_42], %broadcast_in_dim3A_21 {add = true} : memref<10112xf32, #tpu.memory_space<vmem>>[vector<16xi32>], vector<16xf32>,
      %get3A_43 = arith.index_cast %add3A_31 : i32 to index
      %get3A_44 = arith.constant 64 : index
      %get3A_45 = tpu.vector_load %arg6[%get3A_43, %get3A_44] {strides = array<i32>} : memref<40x128xi32, #tpu.memory_space<vmem>>, vector<16xi32>,
      tpu.vector_store_idx %arg5[%get3A_45], %broadcast_in_dim3A_21 {add = true} : memref<10112xf32, #tpu.memory_space<vmem>>[vector<16xi32>], vector<16xf32>,
      %get3A_46 = arith.index_cast %add3A_31 : i32 to index
      %get3A_47 = arith.constant 80 : index
      %get3A_48 = tpu.vector_load %arg6[%get3A_46, %get3A_47] {strides = array<i32>} : memref<40x128xi32, #tpu.memory_space<vmem>>, vector<16xi32>,
      tpu.vector_store_idx %arg5[%get3A_48], %broadcast_in_dim3A_21 {add = true} : memref<10112xf32, #tpu.memory_space<vmem>>[vector<16xi32>], vector<16xf32>,
      %get3A_49 = arith.index_cast %add3A_31 : i32 to index
      %get3A_50 = arith.constant 96 : index
      %get3A_51 = tpu.vector_load %arg6[%get3A_49, %get3A_50] {strides = array<i32>} : memref<40x128xi32, #tpu.memory_space<vmem>>, vector<16xi32>,
      tpu.vector_store_idx %arg5[%get3A_51], %broadcast_in_dim3A_21 {add = true} : memref<10112xf32, #tpu.memory_space<vmem>>[vector<16xi32>], vector<16xf32>,
      %get3A_52 = arith.index_cast %add3A_31 : i32 to index
      %get3A_53 = arith.constant 112 : index
      %get3A_54 = tpu.vector_load %arg6[%get3A_52, %get3A_53] {strides = array<i32>} : memref<40x128xi32, #tpu.memory_space<vmem>>, vector<16xi32>,
      tpu.vector_store_idx %arg5[%get3A_54], %broadcast_in_dim3A_21 {add = true} : memref<10112xf32, #tpu.memory_space<vmem>>[vector<16xi32>], vector<16xf32>,
      %get3A_55 = arith.index_cast %add3A_31 : i32 to index
      %get3A_56 = arith.constant 0 : index
      %get3A_57 = tpu.vector_load %arg7[%get3A_55, %get3A_56] {strides = array<i32>} : memref<40x128xi32, #tpu.memory_space<vmem>>, vector<16xi32>,
      tpu.vector_store_idx %arg5[%get3A_57], %broadcast_in_dim3A_21 {add = true} : memref<10112xf32, #tpu.memory_space<vmem>>[vector<16xi32>], vector<16xf32>,
      %get3A_58 = arith.index_cast %add3A_31 : i32 to index
      %get3A_59 = arith.constant 16 : index
      %get3A_60 = tpu.vector_load %arg7[%get3A_58, %get3A_59] {strides = array<i32>} : memref<40x128xi32, #tpu.memory_space<vmem>>, vector<16xi32>,
      tpu.vector_store_idx %arg5[%get3A_60], %broadcast_in_dim3A_21 {add = true} : memref<10112xf32, #tpu.memory_space<vmem>>[vector<16xi32>], vector<16xf32>,
      %get3A_61 = arith.index_cast %add3A_31 : i32 to index
      %get3A_62 = arith.constant 32 : index
      %get3A_63 = tpu.vector_load %arg7[%get3A_61, %get3A_62] {strides = array<i32>} : memref<40x128xi32, #tpu.memory_space<vmem>>, vector<16xi32>,
      tpu.vector_store_idx %arg5[%get3A_63], %broadcast_in_dim3A_21 {add = true} : memref<10112xf32, #tpu.memory_space<vmem>>[vector<16xi32>], vector<16xf32>,
      %get3A_64 = arith.index_cast %add3A_31 : i32 to index
      %get3A_65 = arith.constant 48 : index
      %get3A_66 = tpu.vector_load %arg7[%get3A_64, %get3A_65] {strides = array<i32>} : memref<40x128xi32, #tpu.memory_space<vmem>>, vector<16xi32>,
      tpu.vector_store_idx %arg5[%get3A_66], %broadcast_in_dim3A_21 {add = true} : memref<10112xf32, #tpu.memory_space<vmem>>[vector<16xi32>], vector<16xf32>,
      %get3A_67 = arith.index_cast %add3A_31 : i32 to index
      %get3A_68 = arith.constant 64 : index
      %get3A_69 = tpu.vector_load %arg7[%get3A_67, %get3A_68] {strides = array<i32>} : memref<40x128xi32, #tpu.memory_space<vmem>>, vector<16xi32>,
      tpu.vector_store_idx %arg5[%get3A_69], %broadcast_in_dim3A_21 {add = true} : memref<10112xf32, #tpu.memory_space<vmem>>[vector<16xi32>], vector<16xf32>,
      %get3A_70 = arith.index_cast %add3A_31 : i32 to index
      %get3A_71 = arith.constant 80 : index
      %get3A_72 = tpu.vector_load %arg7[%get3A_70, %get3A_71] {strides = array<i32>} : memref<40x128xi32, #tpu.memory_space<vmem>>, vector<16xi32>,
      tpu.vector_store_idx %arg5[%get3A_72], %broadcast_in_dim3A_21 {add = true} : memref<10112xf32, #tpu.memory_space<vmem>>[vector<16xi32>], vector<16xf32>,
      %get3A_73 = arith.index_cast %add3A_31 : i32 to index
      %get3A_74 = arith.constant 96 : index
      %get3A_75 = tpu.vector_load %arg7[%get3A_73, %get3A_74] {strides = array<i32>} : memref<40x128xi32, #tpu.memory_space<vmem>>, vector<16xi32>,
      tpu.vector_store_idx %arg5[%get3A_75], %broadcast_in_dim3A_21 {add = true} : memref<10112xf32, #tpu.memory_space<vmem>>[vector<16xi32>], vector<16xf32>,
      %get3A_76 = arith.index_cast %add3A_31 : i32 to index
      %get3A_77 = arith.constant 112 : index
      %get3A_78 = tpu.vector_load %arg7[%get3A_76, %get3A_77] {strides = array<i32>} : memref<40x128xi32, #tpu.memory_space<vmem>>, vector<16xi32>,
      tpu.vector_store_idx %arg5[%get3A_78], %broadcast_in_dim3A_21 {add = true} : memref<10112xf32, #tpu.memory_space<vmem>>[vector<16xi32>], vector<16xf32>,
    }
    %scan3A_26 = arith.constant 40 : i32
    "tpu.region"() ({
      %run_scoped3A = tpu.sem_alloc : memref<!tpu.dma_semaphore, #tpu.memory_space<semaphore_mem>>
      %dma_start3A = arith.constant 0 : i32
      %dma_start3A_27 = tpu.memref_slice %arg4[%add3A, %dma_start3A] : memref<32x10112xf32, #tpu.memory_space<hbm>> -> memref<1x10112xf32, #tpu.memory_space<hbm>>
      %dma_start3A_28 = tpu.memref_squeeze %dma_start3A_27 : memref<1x10112xf32, #tpu.memory_space<hbm>> -> memref<10112xf32, #tpu.memory_space<hbm>>
      %dma_start3A_29 = arith.constant 0 : i32
      %dma_start3A_30 = tpu.memref_slice %arg4[%add3A, %dma_start3A_29] : memref<32x10112xf32, #tpu.memory_space<hbm>> -> memref<1x10112xf32, #tpu.memory_space<hbm>>
      %dma_start3A_31 = tpu.memref_squeeze %dma_start3A_30 : memref<1x10112xf32, #tpu.memory_space<hbm>> -> memref<10112xf32, #tpu.memory_space<hbm>>
      tpu.enqueue_dma source(%arg5 : memref<10112xf32, #tpu.memory_space<vmem>>) target(%dma_start3A_31 : memref<10112xf32, #tpu.memory_space<hbm>>) target_semaphore(%run_scoped3A : memref<!tpu.dma_semaphore, #tpu.memory_space<semaphore_mem>>)
      %dma_wait3A = arith.constant 0 : i32
      %dma_wait3A_32 = tpu.memref_slice %arg4[%add3A, %dma_wait3A] : memref<32x10112xf32, #tpu.memory_space<hbm>> -> memref<1x10112xf32, #tpu.memory_space<hbm>>
      %dma_wait3A_33 = tpu.memref_squeeze %dma_wait3A_32 : memref<1x10112xf32, #tpu.memory_space<hbm>> -> memref<10112xf32, #tpu.memory_space<hbm>>
      %dma_wait3A_34 = arith.constant 0 : i32
      %dma_wait3A_35 = tpu.memref_slice %arg4[%add3A, %dma_wait3A_34] : memref<32x10112xf32, #tpu.memory_space<hbm>> -> memref<1x10112xf32, #tpu.memory_space<hbm>>
      %dma_wait3A_36 = tpu.memref_squeeze %dma_wait3A_35 : memref<1x10112xf32, #tpu.memory_space<hbm>> -> memref<10112xf32, #tpu.memory_space<hbm>>
      tpu.wait_dma2 semaphore(%run_scoped3A : memref<!tpu.dma_semaphore, #tpu.memory_space<semaphore_mem>>) src(%arg5 : memref<10112xf32, #tpu.memory_space<vmem>>) dst(%dma_wait3A_36 : memref<10112xf32, #tpu.memory_space<hbm>>)
      tpu.yield
    }) : () -> ()
    return
  }
}

#map = affine_map<(d0, d1) -> (0, 0)>
#map1 = affine_map<(d0, d1) -> (0, 0, 0)>
module attributes {stable_mosaic.version = 14 : i64} {
  func.func @agg_kernel(%arg0: i32, %arg1: i32, %arg2: memref<10112x16xf32, #tpu.memory_space<hbm>>, %arg3: memref<2x1250x128xi32, #tpu.memory_space<hbm>>, %arg4: memref<2x30x128xi32, #tpu.memory_space<hbm>>, %arg5: memref<2x10112x16xf32, #tpu.memory_space<hbm>>, %arg6: memref<10112x16xf32, #tpu.memory_space<vmem_shared>>, %arg7: memref<40x128xi32, #tpu.memory_space<vmem>>, %arg8: memref<40x128xi32, #tpu.memory_space<vmem>>, %arg9: memref<128x16xf32, #tpu.memory_space<vmem>>, %arg10: memref<128x16xf32, #tpu.memory_space<vmem>>, %arg11: memref<128x16xf32, #tpu.memory_space<vmem>>, %arg12: memref<128x16xf32, #tpu.memory_space<vmem>>, %arg13: memref<128x16xf32, #tpu.memory_space<vmem>>, %arg14: memref<128x16xf32, #tpu.memory_space<vmem>>, %arg15: memref<128x16xf32, #tpu.memory_space<vmem>>, %arg16: memref<128x16xf32, #tpu.memory_space<vmem>>, %arg17: memref<632x16xf32, #tpu.memory_space<vmem>>, %arg18: memref<!tpu.dma_semaphore, #tpu.memory_space<semaphore_mem>>, %arg19: memref<!tpu.dma_semaphore, #tpu.memory_space<semaphore_mem>>, %arg20: memref<!tpu.dma_semaphore, #tpu.memory_space<semaphore_mem>>, %arg21: memref<!tpu.dma_semaphore, #tpu.memory_space<semaphore_mem>>, %arg22: memref<!tpu.dma_semaphore, #tpu.memory_space<semaphore_mem>>, %arg23: memref<!tpu.dma_semaphore, #tpu.memory_space<semaphore_mem>>, %arg24: memref<!tpu.dma_semaphore, #tpu.memory_space<semaphore_mem>>, %arg25: memref<!tpu.dma_semaphore, #tpu.memory_space<semaphore_mem>>, %arg26: memref<!tpu.dma_semaphore, #tpu.memory_space<semaphore_mem>>) attributes {dimension_semantics = [#tpu.dimension_semantics<core_parallel>, #tpu.dimension_semantics<subcore_parallel>], iteration_bounds = array<i64: 2, 16>, scalar_prefetch = 0 : i64, scratch_operands = 21 : i64, tpu.core_type = #tpu.core_type<sc_vector_subcore>, window_params = [{transform_indices = #map}, {transform_indices = #map1}, {transform_indices = #map1}, {transform_indices = #map1}]} {
    %mul3A = arith.constant 16 : i32
    %mul3A_0 = arith.muli %arg0, %mul3A : i32
    %add3A = arith.addi %mul3A_0, %arg1 : i32
    %lt3A = arith.constant 31 : i32
    %lt3A_1 = arith.cmpi slt, %add3A, %lt3A : i32
    %convert_element_type3A = arith.extui %lt3A_1 : i1 to i32
    %cond3A = arith.constant 0 : i32
    %cond3A_2 = arith.cmpi ne, %convert_element_type3A, %cond3A : i32
    scf.if %cond3A_2 {
      %mul3A_88 = arith.constant 40 : i32
      %mul3A_89 = arith.muli %add3A, %mul3A_88 : i32
      %dma_start3A_90 = arith.constant 0 : i32
      %dma_start3A_91 = arith.constant 0 : i32
      %dma_start3A_92 = tpu.memref_slice %arg3[%dma_start3A_90, %mul3A_89, %dma_start3A_91] : memref<2x1250x128xi32, #tpu.memory_space<hbm>> -> memref<1x40x128xi32, #tpu.memory_space<hbm>>
      %dma_start3A_93 = tpu.memref_squeeze %dma_start3A_92 : memref<1x40x128xi32, #tpu.memory_space<hbm>> -> memref<40x128xi32, #tpu.memory_space<hbm>>
      %dma_start3A_94 = arith.constant 0 : i32
      %dma_start3A_95 = tpu.memref_slice %arg3[%dma_start3A_90, %mul3A_89, %dma_start3A_94] : memref<2x1250x128xi32, #tpu.memory_space<hbm>> -> memref<1x40x128xi32, #tpu.memory_space<hbm>>
      %dma_start3A_96 = tpu.memref_squeeze %dma_start3A_95 : memref<1x40x128xi32, #tpu.memory_space<hbm>> -> memref<40x128xi32, #tpu.memory_space<hbm>>
      tpu.enqueue_dma source(%dma_start3A_96 : memref<40x128xi32, #tpu.memory_space<hbm>>) target(%arg7 : memref<40x128xi32, #tpu.memory_space<vmem>>) target_semaphore(%arg26 : memref<!tpu.dma_semaphore, #tpu.memory_space<semaphore_mem>>)
      %mul3A_97 = arith.constant 40 : i32
      %mul3A_98 = arith.muli %add3A, %mul3A_97 : i32
      %dma_start3A_99 = arith.constant 1 : i32
      %dma_start3A_100 = arith.constant 0 : i32
      %dma_start3A_101 = tpu.memref_slice %arg3[%dma_start3A_99, %mul3A_98, %dma_start3A_100] : memref<2x1250x128xi32, #tpu.memory_space<hbm>> -> memref<1x40x128xi32, #tpu.memory_space<hbm>>
      %dma_start3A_102 = tpu.memref_squeeze %dma_start3A_101 : memref<1x40x128xi32, #tpu.memory_space<hbm>> -> memref<40x128xi32, #tpu.memory_space<hbm>>
      %dma_start3A_103 = arith.constant 0 : i32
      %dma_start3A_104 = tpu.memref_slice %arg3[%dma_start3A_99, %mul3A_98, %dma_start3A_103] : memref<2x1250x128xi32, #tpu.memory_space<hbm>> -> memref<1x40x128xi32, #tpu.memory_space<hbm>>
      %dma_start3A_105 = tpu.memref_squeeze %dma_start3A_104 : memref<1x40x128xi32, #tpu.memory_space<hbm>> -> memref<40x128xi32, #tpu.memory_space<hbm>>
      tpu.enqueue_dma source(%dma_start3A_105 : memref<40x128xi32, #tpu.memory_space<hbm>>) target(%arg8 : memref<40x128xi32, #tpu.memory_space<vmem>>) target_semaphore(%arg26 : memref<!tpu.dma_semaphore, #tpu.memory_space<semaphore_mem>>)
    } else {
    }
    %eq3A = arith.constant 31 : i32
    %eq3A_3 = arith.cmpi eq, %add3A, %eq3A : i32
    %convert_element_type3A_4 = arith.extui %eq3A_3 : i1 to i32
    %cond3A_5 = arith.constant 0 : i32
    %cond3A_6 = arith.cmpi ne, %convert_element_type3A_4, %cond3A_5 : i32
    scf.if %cond3A_6 {
      %dma_start3A_88 = arith.constant 0 : i32
      %dma_start3A_89 = arith.constant 0 : i32
      %dma_start3A_90 = arith.constant 0 : i32
      %dma_start3A_91 = tpu.memref_slice %arg7[%dma_start3A_89, %dma_start3A_90] : memref<40x128xi32, #tpu.memory_space<vmem>> -> memref<10x128xi32, #tpu.memory_space<vmem>>
      %dma_start3A_92 = arith.constant 1240 : i32
      %dma_start3A_93 = arith.constant 0 : i32
      %dma_start3A_94 = tpu.memref_slice %arg3[%dma_start3A_88, %dma_start3A_92, %dma_start3A_93] : memref<2x1250x128xi32, #tpu.memory_space<hbm>> -> memref<1x10x128xi32, #tpu.memory_space<hbm>>
      %dma_start3A_95 = tpu.memref_squeeze %dma_start3A_94 : memref<1x10x128xi32, #tpu.memory_space<hbm>> -> memref<10x128xi32, #tpu.memory_space<hbm>>
      %dma_start3A_96 = arith.constant 0 : i32
      %dma_start3A_97 = arith.constant 0 : i32
      %dma_start3A_98 = tpu.memref_slice %arg7[%dma_start3A_96, %dma_start3A_97] : memref<40x128xi32, #tpu.memory_space<vmem>> -> memref<10x128xi32, #tpu.memory_space<vmem>>
      %dma_start3A_99 = arith.constant 1240 : i32
      %dma_start3A_100 = arith.constant 0 : i32
      %dma_start3A_101 = tpu.memref_slice %arg3[%dma_start3A_88, %dma_start3A_99, %dma_start3A_100] : memref<2x1250x128xi32, #tpu.memory_space<hbm>> -> memref<1x10x128xi32, #tpu.memory_space<hbm>>
      %dma_start3A_102 = tpu.memref_squeeze %dma_start3A_101 : memref<1x10x128xi32, #tpu.memory_space<hbm>> -> memref<10x128xi32, #tpu.memory_space<hbm>>
      tpu.enqueue_dma source(%dma_start3A_102 : memref<10x128xi32, #tpu.memory_space<hbm>>) target(%dma_start3A_98 : memref<10x128xi32, #tpu.memory_space<vmem>>) target_semaphore(%arg26 : memref<!tpu.dma_semaphore, #tpu.memory_space<semaphore_mem>>)
      %dma_start3A_103 = arith.constant 1 : i32
      %dma_start3A_104 = arith.constant 0 : i32
      %dma_start3A_105 = arith.constant 0 : i32
      %dma_start3A_106 = tpu.memref_slice %arg8[%dma_start3A_104, %dma_start3A_105] : memref<40x128xi32, #tpu.memory_space<vmem>> -> memref<10x128xi32, #tpu.memory_space<vmem>>
      %dma_start3A_107 = arith.constant 1240 : i32
      %dma_start3A_108 = arith.constant 0 : i32
      %dma_start3A_109 = tpu.memref_slice %arg3[%dma_start3A_103, %dma_start3A_107, %dma_start3A_108] : memref<2x1250x128xi32, #tpu.memory_space<hbm>> -> memref<1x10x128xi32, #tpu.memory_space<hbm>>
      %dma_start3A_110 = tpu.memref_squeeze %dma_start3A_109 : memref<1x10x128xi32, #tpu.memory_space<hbm>> -> memref<10x128xi32, #tpu.memory_space<hbm>>
      %dma_start3A_111 = arith.constant 0 : i32
      %dma_start3A_112 = arith.constant 0 : i32
      %dma_start3A_113 = tpu.memref_slice %arg8[%dma_start3A_111, %dma_start3A_112] : memref<40x128xi32, #tpu.memory_space<vmem>> -> memref<10x128xi32, #tpu.memory_space<vmem>>
      %dma_start3A_114 = arith.constant 1240 : i32
      %dma_start3A_115 = arith.constant 0 : i32
      %dma_start3A_116 = tpu.memref_slice %arg3[%dma_start3A_103, %dma_start3A_114, %dma_start3A_115] : memref<2x1250x128xi32, #tpu.memory_space<hbm>> -> memref<1x10x128xi32, #tpu.memory_space<hbm>>
      %dma_start3A_117 = tpu.memref_squeeze %dma_start3A_116 : memref<1x10x128xi32, #tpu.memory_space<hbm>> -> memref<10x128xi32, #tpu.memory_space<hbm>>
      tpu.enqueue_dma source(%dma_start3A_117 : memref<10x128xi32, #tpu.memory_space<hbm>>) target(%dma_start3A_113 : memref<10x128xi32, #tpu.memory_space<vmem>>) target_semaphore(%arg26 : memref<!tpu.dma_semaphore, #tpu.memory_space<semaphore_mem>>)
      %dma_start3A_118 = arith.constant 0 : i32
      %dma_start3A_119 = arith.constant 10 : i32
      %dma_start3A_120 = arith.constant 0 : i32
      %dma_start3A_121 = tpu.memref_slice %arg7[%dma_start3A_119, %dma_start3A_120] : memref<40x128xi32, #tpu.memory_space<vmem>> -> memref<30x128xi32, #tpu.memory_space<vmem>>
      %dma_start3A_122 = arith.constant 0 : i32
      %dma_start3A_123 = arith.constant 0 : i32
      %dma_start3A_124 = tpu.memref_slice %arg4[%dma_start3A_118, %dma_start3A_122, %dma_start3A_123] : memref<2x30x128xi32, #tpu.memory_space<hbm>> -> memref<1x30x128xi32, #tpu.memory_space<hbm>>
      %dma_start3A_125 = tpu.memref_squeeze %dma_start3A_124 : memref<1x30x128xi32, #tpu.memory_space<hbm>> -> memref<30x128xi32, #tpu.memory_space<hbm>>
      %dma_start3A_126 = arith.constant 10 : i32
      %dma_start3A_127 = arith.constant 0 : i32
      %dma_start3A_128 = tpu.memref_slice %arg7[%dma_start3A_126, %dma_start3A_127] : memref<40x128xi32, #tpu.memory_space<vmem>> -> memref<30x128xi32, #tpu.memory_space<vmem>>
      %dma_start3A_129 = arith.constant 0 : i32
      %dma_start3A_130 = arith.constant 0 : i32
      %dma_start3A_131 = tpu.memref_slice %arg4[%dma_start3A_118, %dma_start3A_129, %dma_start3A_130] : memref<2x30x128xi32, #tpu.memory_space<hbm>> -> memref<1x30x128xi32, #tpu.memory_space<hbm>>
      %dma_start3A_132 = tpu.memref_squeeze %dma_start3A_131 : memref<1x30x128xi32, #tpu.memory_space<hbm>> -> memref<30x128xi32, #tpu.memory_space<hbm>>
      tpu.enqueue_dma source(%dma_start3A_132 : memref<30x128xi32, #tpu.memory_space<hbm>>) target(%dma_start3A_128 : memref<30x128xi32, #tpu.memory_space<vmem>>) target_semaphore(%arg26 : memref<!tpu.dma_semaphore, #tpu.memory_space<semaphore_mem>>)
      %dma_start3A_133 = arith.constant 1 : i32
      %dma_start3A_134 = arith.constant 10 : i32
      %dma_start3A_135 = arith.constant 0 : i32
      %dma_start3A_136 = tpu.memref_slice %arg8[%dma_start3A_134, %dma_start3A_135] : memref<40x128xi32, #tpu.memory_space<vmem>> -> memref<30x128xi32, #tpu.memory_space<vmem>>
      %dma_start3A_137 = arith.constant 0 : i32
      %dma_start3A_138 = arith.constant 0 : i32
      %dma_start3A_139 = tpu.memref_slice %arg4[%dma_start3A_133, %dma_start3A_137, %dma_start3A_138] : memref<2x30x128xi32, #tpu.memory_space<hbm>> -> memref<1x30x128xi32, #tpu.memory_space<hbm>>
      %dma_start3A_140 = tpu.memref_squeeze %dma_start3A_139 : memref<1x30x128xi32, #tpu.memory_space<hbm>> -> memref<30x128xi32, #tpu.memory_space<hbm>>
      %dma_start3A_141 = arith.constant 10 : i32
      %dma_start3A_142 = arith.constant 0 : i32
      %dma_start3A_143 = tpu.memref_slice %arg8[%dma_start3A_141, %dma_start3A_142] : memref<40x128xi32, #tpu.memory_space<vmem>> -> memref<30x128xi32, #tpu.memory_space<vmem>>
      %dma_start3A_144 = arith.constant 0 : i32
      %dma_start3A_145 = arith.constant 0 : i32
      %dma_start3A_146 = tpu.memref_slice %arg4[%dma_start3A_133, %dma_start3A_144, %dma_start3A_145] : memref<2x30x128xi32, #tpu.memory_space<hbm>> -> memref<1x30x128xi32, #tpu.memory_space<hbm>>
      %dma_start3A_147 = tpu.memref_squeeze %dma_start3A_146 : memref<1x30x128xi32, #tpu.memory_space<hbm>> -> memref<30x128xi32, #tpu.memory_space<hbm>>
      tpu.enqueue_dma source(%dma_start3A_147 : memref<30x128xi32, #tpu.memory_space<hbm>>) target(%dma_start3A_143 : memref<30x128xi32, #tpu.memory_space<vmem>>) target_semaphore(%arg26 : memref<!tpu.dma_semaphore, #tpu.memory_space<semaphore_mem>>)
    } else {
    }
    %scan3A = arith.constant 0 : i32
    %scan3A_7 = arith.constant 632 : i32
    %scan3A_8 = arith.addi %scan3A, %scan3A_7 : i32
    %scan3A_9 = arith.constant 1 : i32
    scf.for %scan3A_88 = %scan3A to %scan3A_8 step %scan3A_9  : i32 {
      %mul3A_89 = arith.constant 1 : i32
      %mul3A_90 = arith.muli %scan3A_88, %mul3A_89 : i32
      %add3A_91 = arith.constant 0 : i32
      %add3A_92 = arith.addi %add3A_91, %mul3A_90 : i32
      %broadcast_in_dim3A = arith.constant 0.000000e+00 : f32
      %broadcast_in_dim3A_93 = vector.broadcast %broadcast_in_dim3A : f32 to vector<16xf32>
      %swap3A = arith.index_cast %add3A_92 : i32 to index
      %swap3A_94 = arith.constant 0 : index
      %swap3A_95 = tpu.vector_load %arg17[%swap3A, %swap3A_94] {strides = array<i32>} : memref<632x16xf32, #tpu.memory_space<vmem>>, vector<16xf32>,
      tpu.vector_store %arg17[%swap3A, %swap3A_94], %broadcast_in_dim3A_93 {strides = array<i32>} : memref<632x16xf32, #tpu.memory_space<vmem>>, vector<16xf32>,
    }
    %scan3A_10 = arith.constant 632 : i32
    %mul3A_11 = arith.constant 632 : i32
    %mul3A_12 = arith.muli %arg1, %mul3A_11 : i32
    "tpu.region"() ({
      %run_scoped3A = tpu.sem_alloc : memref<!tpu.dma_semaphore, #tpu.memory_space<semaphore_mem>>
      %dma_start3A_88 = arith.constant 0 : i32
      %dma_start3A_89 = tpu.memref_slice %arg6[%mul3A_12, %dma_start3A_88] : memref<10112x16xf32, #tpu.memory_space<vmem_shared>> -> memref<632x16xf32, #tpu.memory_space<vmem_shared>>
      %dma_start3A_90 = arith.constant 0 : i32
      %dma_start3A_91 = tpu.memref_slice %arg6[%mul3A_12, %dma_start3A_90] : memref<10112x16xf32, #tpu.memory_space<vmem_shared>> -> memref<632x16xf32, #tpu.memory_space<vmem_shared>>
      tpu.enqueue_dma source(%arg17 : memref<632x16xf32, #tpu.memory_space<vmem>>) target(%dma_start3A_91 : memref<632x16xf32, #tpu.memory_space<vmem_shared>>) target_semaphore(%run_scoped3A : memref<!tpu.dma_semaphore, #tpu.memory_space<semaphore_mem>>)
      %dma_wait3A = arith.constant 0 : i32
      %dma_wait3A_92 = tpu.memref_slice %arg6[%mul3A_12, %dma_wait3A] : memref<10112x16xf32, #tpu.memory_space<vmem_shared>> -> memref<632x16xf32, #tpu.memory_space<vmem_shared>>
      %dma_wait3A_93 = arith.constant 0 : i32
      %dma_wait3A_94 = tpu.memref_slice %arg6[%mul3A_12, %dma_wait3A_93] : memref<10112x16xf32, #tpu.memory_space<vmem_shared>> -> memref<632x16xf32, #tpu.memory_space<vmem_shared>>
      tpu.wait_dma2 semaphore(%run_scoped3A : memref<!tpu.dma_semaphore, #tpu.memory_space<semaphore_mem>>) src(%arg17 : memref<632x16xf32, #tpu.memory_space<vmem>>) dst(%dma_wait3A_94 : memref<632x16xf32, #tpu.memory_space<vmem_shared>>)
      tpu.yield
    }) : () -> ()
    %barrier3A = arith.constant 0 : index
    tpu.barrier barrier_id(%barrier3A)
    %lt3A_13 = arith.constant 31 : i32
    %lt3A_14 = arith.cmpi slt, %add3A, %lt3A_13 : i32
    %convert_element_type3A_15 = arith.extui %lt3A_14 : i1 to i32
    %cond3A_16 = arith.constant 0 : i32
    %cond3A_17 = arith.cmpi ne, %convert_element_type3A_15, %cond3A_16 : i32
    scf.if %cond3A_17 {
      %mul3A_88 = arith.constant 40 : i32
      %mul3A_89 = arith.muli %add3A, %mul3A_88 : i32
      %dma_wait3A = arith.constant 0 : i32
      %dma_wait3A_90 = arith.constant 0 : i32
      %dma_wait3A_91 = tpu.memref_slice %arg3[%dma_wait3A, %mul3A_89, %dma_wait3A_90] : memref<2x1250x128xi32, #tpu.memory_space<hbm>> -> memref<1x40x128xi32, #tpu.memory_space<hbm>>
      %dma_wait3A_92 = tpu.memref_squeeze %dma_wait3A_91 : memref<1x40x128xi32, #tpu.memory_space<hbm>> -> memref<40x128xi32, #tpu.memory_space<hbm>>
      %dma_wait3A_93 = arith.constant 0 : i32
      %dma_wait3A_94 = tpu.memref_slice %arg3[%dma_wait3A, %mul3A_89, %dma_wait3A_93] : memref<2x1250x128xi32, #tpu.memory_space<hbm>> -> memref<1x40x128xi32, #tpu.memory_space<hbm>>
      %dma_wait3A_95 = tpu.memref_squeeze %dma_wait3A_94 : memref<1x40x128xi32, #tpu.memory_space<hbm>> -> memref<40x128xi32, #tpu.memory_space<hbm>>
      tpu.wait_dma2 semaphore(%arg26 : memref<!tpu.dma_semaphore, #tpu.memory_space<semaphore_mem>>) src(%dma_wait3A_95 : memref<40x128xi32, #tpu.memory_space<hbm>>) dst(%arg7 : memref<40x128xi32, #tpu.memory_space<vmem>>)
      %mul3A_96 = arith.constant 40 : i32
      %mul3A_97 = arith.muli %add3A, %mul3A_96 : i32
      %dma_wait3A_98 = arith.constant 1 : i32
      %dma_wait3A_99 = arith.constant 0 : i32
      %dma_wait3A_100 = tpu.memref_slice %arg3[%dma_wait3A_98, %mul3A_97, %dma_wait3A_99] : memref<2x1250x128xi32, #tpu.memory_space<hbm>> -> memref<1x40x128xi32, #tpu.memory_space<hbm>>
      %dma_wait3A_101 = tpu.memref_squeeze %dma_wait3A_100 : memref<1x40x128xi32, #tpu.memory_space<hbm>> -> memref<40x128xi32, #tpu.memory_space<hbm>>
      %dma_wait3A_102 = arith.constant 0 : i32
      %dma_wait3A_103 = tpu.memref_slice %arg3[%dma_wait3A_98, %mul3A_97, %dma_wait3A_102] : memref<2x1250x128xi32, #tpu.memory_space<hbm>> -> memref<1x40x128xi32, #tpu.memory_space<hbm>>
      %dma_wait3A_104 = tpu.memref_squeeze %dma_wait3A_103 : memref<1x40x128xi32, #tpu.memory_space<hbm>> -> memref<40x128xi32, #tpu.memory_space<hbm>>
      tpu.wait_dma2 semaphore(%arg26 : memref<!tpu.dma_semaphore, #tpu.memory_space<semaphore_mem>>) src(%dma_wait3A_104 : memref<40x128xi32, #tpu.memory_space<hbm>>) dst(%arg8 : memref<40x128xi32, #tpu.memory_space<vmem>>)
    } else {
    }
    %eq3A_18 = arith.constant 31 : i32
    %eq3A_19 = arith.cmpi eq, %add3A, %eq3A_18 : i32
    %convert_element_type3A_20 = arith.extui %eq3A_19 : i1 to i32
    %cond3A_21 = arith.constant 0 : i32
    %cond3A_22 = arith.cmpi ne, %convert_element_type3A_20, %cond3A_21 : i32
    scf.if %cond3A_22 {
      %dma_wait3A = arith.constant 0 : i32
      %dma_wait3A_88 = arith.constant 0 : i32
      %dma_wait3A_89 = arith.constant 0 : i32
      %dma_wait3A_90 = tpu.memref_slice %arg7[%dma_wait3A_88, %dma_wait3A_89] : memref<40x128xi32, #tpu.memory_space<vmem>> -> memref<10x128xi32, #tpu.memory_space<vmem>>
      %dma_wait3A_91 = arith.constant 1240 : i32
      %dma_wait3A_92 = arith.constant 0 : i32
      %dma_wait3A_93 = tpu.memref_slice %arg3[%dma_wait3A, %dma_wait3A_91, %dma_wait3A_92] : memref<2x1250x128xi32, #tpu.memory_space<hbm>> -> memref<1x10x128xi32, #tpu.memory_space<hbm>>
      %dma_wait3A_94 = tpu.memref_squeeze %dma_wait3A_93 : memref<1x10x128xi32, #tpu.memory_space<hbm>> -> memref<10x128xi32, #tpu.memory_space<hbm>>
      %dma_wait3A_95 = arith.constant 0 : i32
      %dma_wait3A_96 = arith.constant 0 : i32
      %dma_wait3A_97 = tpu.memref_slice %arg7[%dma_wait3A_95, %dma_wait3A_96] : memref<40x128xi32, #tpu.memory_space<vmem>> -> memref<10x128xi32, #tpu.memory_space<vmem>>
      %dma_wait3A_98 = arith.constant 1240 : i32
      %dma_wait3A_99 = arith.constant 0 : i32
      %dma_wait3A_100 = tpu.memref_slice %arg3[%dma_wait3A, %dma_wait3A_98, %dma_wait3A_99] : memref<2x1250x128xi32, #tpu.memory_space<hbm>> -> memref<1x10x128xi32, #tpu.memory_space<hbm>>
      %dma_wait3A_101 = tpu.memref_squeeze %dma_wait3A_100 : memref<1x10x128xi32, #tpu.memory_space<hbm>> -> memref<10x128xi32, #tpu.memory_space<hbm>>
      tpu.wait_dma2 semaphore(%arg26 : memref<!tpu.dma_semaphore, #tpu.memory_space<semaphore_mem>>) src(%dma_wait3A_101 : memref<10x128xi32, #tpu.memory_space<hbm>>) dst(%dma_wait3A_97 : memref<10x128xi32, #tpu.memory_space<vmem>>)
      %dma_wait3A_102 = arith.constant 1 : i32
      %dma_wait3A_103 = arith.constant 0 : i32
      %dma_wait3A_104 = arith.constant 0 : i32
      %dma_wait3A_105 = tpu.memref_slice %arg8[%dma_wait3A_103, %dma_wait3A_104] : memref<40x128xi32, #tpu.memory_space<vmem>> -> memref<10x128xi32, #tpu.memory_space<vmem>>
      %dma_wait3A_106 = arith.constant 1240 : i32
      %dma_wait3A_107 = arith.constant 0 : i32
      %dma_wait3A_108 = tpu.memref_slice %arg3[%dma_wait3A_102, %dma_wait3A_106, %dma_wait3A_107] : memref<2x1250x128xi32, #tpu.memory_space<hbm>> -> memref<1x10x128xi32, #tpu.memory_space<hbm>>
      %dma_wait3A_109 = tpu.memref_squeeze %dma_wait3A_108 : memref<1x10x128xi32, #tpu.memory_space<hbm>> -> memref<10x128xi32, #tpu.memory_space<hbm>>
      %dma_wait3A_110 = arith.constant 0 : i32
      %dma_wait3A_111 = arith.constant 0 : i32
      %dma_wait3A_112 = tpu.memref_slice %arg8[%dma_wait3A_110, %dma_wait3A_111] : memref<40x128xi32, #tpu.memory_space<vmem>> -> memref<10x128xi32, #tpu.memory_space<vmem>>
      %dma_wait3A_113 = arith.constant 1240 : i32
      %dma_wait3A_114 = arith.constant 0 : i32
      %dma_wait3A_115 = tpu.memref_slice %arg3[%dma_wait3A_102, %dma_wait3A_113, %dma_wait3A_114] : memref<2x1250x128xi32, #tpu.memory_space<hbm>> -> memref<1x10x128xi32, #tpu.memory_space<hbm>>
      %dma_wait3A_116 = tpu.memref_squeeze %dma_wait3A_115 : memref<1x10x128xi32, #tpu.memory_space<hbm>> -> memref<10x128xi32, #tpu.memory_space<hbm>>
      tpu.wait_dma2 semaphore(%arg26 : memref<!tpu.dma_semaphore, #tpu.memory_space<semaphore_mem>>) src(%dma_wait3A_116 : memref<10x128xi32, #tpu.memory_space<hbm>>) dst(%dma_wait3A_112 : memref<10x128xi32, #tpu.memory_space<vmem>>)
      %dma_wait3A_117 = arith.constant 0 : i32
      %dma_wait3A_118 = arith.constant 10 : i32
      %dma_wait3A_119 = arith.constant 0 : i32
      %dma_wait3A_120 = tpu.memref_slice %arg7[%dma_wait3A_118, %dma_wait3A_119] : memref<40x128xi32, #tpu.memory_space<vmem>> -> memref<30x128xi32, #tpu.memory_space<vmem>>
      %dma_wait3A_121 = arith.constant 0 : i32
      %dma_wait3A_122 = arith.constant 0 : i32
      %dma_wait3A_123 = tpu.memref_slice %arg4[%dma_wait3A_117, %dma_wait3A_121, %dma_wait3A_122] : memref<2x30x128xi32, #tpu.memory_space<hbm>> -> memref<1x30x128xi32, #tpu.memory_space<hbm>>
      %dma_wait3A_124 = tpu.memref_squeeze %dma_wait3A_123 : memref<1x30x128xi32, #tpu.memory_space<hbm>> -> memref<30x128xi32, #tpu.memory_space<hbm>>
      %dma_wait3A_125 = arith.constant 10 : i32
      %dma_wait3A_126 = arith.constant 0 : i32
      %dma_wait3A_127 = tpu.memref_slice %arg7[%dma_wait3A_125, %dma_wait3A_126] : memref<40x128xi32, #tpu.memory_space<vmem>> -> memref<30x128xi32, #tpu.memory_space<vmem>>
      %dma_wait3A_128 = arith.constant 0 : i32
      %dma_wait3A_129 = arith.constant 0 : i32
      %dma_wait3A_130 = tpu.memref_slice %arg4[%dma_wait3A_117, %dma_wait3A_128, %dma_wait3A_129] : memref<2x30x128xi32, #tpu.memory_space<hbm>> -> memref<1x30x128xi32, #tpu.memory_space<hbm>>
      %dma_wait3A_131 = tpu.memref_squeeze %dma_wait3A_130 : memref<1x30x128xi32, #tpu.memory_space<hbm>> -> memref<30x128xi32, #tpu.memory_space<hbm>>
      tpu.wait_dma2 semaphore(%arg26 : memref<!tpu.dma_semaphore, #tpu.memory_space<semaphore_mem>>) src(%dma_wait3A_131 : memref<30x128xi32, #tpu.memory_space<hbm>>) dst(%dma_wait3A_127 : memref<30x128xi32, #tpu.memory_space<vmem>>)
      %dma_wait3A_132 = arith.constant 1 : i32
      %dma_wait3A_133 = arith.constant 10 : i32
      %dma_wait3A_134 = arith.constant 0 : i32
      %dma_wait3A_135 = tpu.memref_slice %arg8[%dma_wait3A_133, %dma_wait3A_134] : memref<40x128xi32, #tpu.memory_space<vmem>> -> memref<30x128xi32, #tpu.memory_space<vmem>>
      %dma_wait3A_136 = arith.constant 0 : i32
      %dma_wait3A_137 = arith.constant 0 : i32
      %dma_wait3A_138 = tpu.memref_slice %arg4[%dma_wait3A_132, %dma_wait3A_136, %dma_wait3A_137] : memref<2x30x128xi32, #tpu.memory_space<hbm>> -> memref<1x30x128xi32, #tpu.memory_space<hbm>>
      %dma_wait3A_139 = tpu.memref_squeeze %dma_wait3A_138 : memref<1x30x128xi32, #tpu.memory_space<hbm>> -> memref<30x128xi32, #tpu.memory_space<hbm>>
      %dma_wait3A_140 = arith.constant 10 : i32
      %dma_wait3A_141 = arith.constant 0 : i32
      %dma_wait3A_142 = tpu.memref_slice %arg8[%dma_wait3A_140, %dma_wait3A_141] : memref<40x128xi32, #tpu.memory_space<vmem>> -> memref<30x128xi32, #tpu.memory_space<vmem>>
      %dma_wait3A_143 = arith.constant 0 : i32
      %dma_wait3A_144 = arith.constant 0 : i32
      %dma_wait3A_145 = tpu.memref_slice %arg4[%dma_wait3A_132, %dma_wait3A_143, %dma_wait3A_144] : memref<2x30x128xi32, #tpu.memory_space<hbm>> -> memref<1x30x128xi32, #tpu.memory_space<hbm>>
      %dma_wait3A_146 = tpu.memref_squeeze %dma_wait3A_145 : memref<1x30x128xi32, #tpu.memory_space<hbm>> -> memref<30x128xi32, #tpu.memory_space<hbm>>
      tpu.wait_dma2 semaphore(%arg26 : memref<!tpu.dma_semaphore, #tpu.memory_space<semaphore_mem>>) src(%dma_wait3A_146 : memref<30x128xi32, #tpu.memory_space<hbm>>) dst(%dma_wait3A_142 : memref<30x128xi32, #tpu.memory_space<vmem>>)
    } else {
    }
    %dma_start3A = arith.constant 0 : i32
    %dma_start3A_23 = arith.constant 0 : i32
    %dma_start3A_24 = tpu.memref_slice %arg7[%dma_start3A, %dma_start3A_23] : memref<40x128xi32, #tpu.memory_space<vmem>> -> memref<1x128xi32, #tpu.memory_space<vmem>>
    %dma_start3A_25 = tpu.memref_squeeze %dma_start3A_24 : memref<1x128xi32, #tpu.memory_space<vmem>> -> memref<128xi32, #tpu.memory_space<vmem>>
    %dma_start3A_26 = arith.constant 0 : i32
    %dma_start3A_27 = arith.constant 0 : i32
    %dma_start3A_28 = tpu.memref_slice %arg2[%dma_start3A_26, %dma_start3A_27] : memref<10112x16xf32, #tpu.memory_space<hbm>> -> memref<10112x16xf32, #tpu.memory_space<hbm>>
    tpu.enqueue_indirect_dma source(%dma_start3A_28 : memref<10112x16xf32, #tpu.memory_space<hbm>>) target(%arg9 : memref<128x16xf32, #tpu.memory_space<vmem>>) offsets(%dma_start3A_25 : memref<128xi32, #tpu.memory_space<vmem>>) semaphore(%arg18 : memref<!tpu.dma_semaphore, #tpu.memory_space<semaphore_mem>>)
    %dma_start3A_29 = arith.constant 0 : i32
    %dma_start3A_30 = arith.constant 0 : i32
    %dma_start3A_31 = tpu.memref_slice %arg8[%dma_start3A_29, %dma_start3A_30] : memref<40x128xi32, #tpu.memory_space<vmem>> -> memref<1x128xi32, #tpu.memory_space<vmem>>
    %dma_start3A_32 = tpu.memref_squeeze %dma_start3A_31 : memref<1x128xi32, #tpu.memory_space<vmem>> -> memref<128xi32, #tpu.memory_space<vmem>>
    %dma_start3A_33 = arith.constant 0 : i32
    %dma_start3A_34 = arith.constant 0 : i32
    %dma_start3A_35 = tpu.memref_slice %arg2[%dma_start3A_33, %dma_start3A_34] : memref<10112x16xf32, #tpu.memory_space<hbm>> -> memref<10112x16xf32, #tpu.memory_space<hbm>>
    tpu.enqueue_indirect_dma source(%dma_start3A_35 : memref<10112x16xf32, #tpu.memory_space<hbm>>) target(%arg10 : memref<128x16xf32, #tpu.memory_space<vmem>>) offsets(%dma_start3A_32 : memref<128xi32, #tpu.memory_space<vmem>>) semaphore(%arg19 : memref<!tpu.dma_semaphore, #tpu.memory_space<semaphore_mem>>)
    %dma_start3A_36 = arith.constant 1 : i32
    %dma_start3A_37 = arith.constant 0 : i32
    %dma_start3A_38 = tpu.memref_slice %arg7[%dma_start3A_36, %dma_start3A_37] : memref<40x128xi32, #tpu.memory_space<vmem>> -> memref<1x128xi32, #tpu.memory_space<vmem>>
    %dma_start3A_39 = tpu.memref_squeeze %dma_start3A_38 : memref<1x128xi32, #tpu.memory_space<vmem>> -> memref<128xi32, #tpu.memory_space<vmem>>
    %dma_start3A_40 = arith.constant 0 : i32
    %dma_start3A_41 = arith.constant 0 : i32
    %dma_start3A_42 = tpu.memref_slice %arg2[%dma_start3A_40, %dma_start3A_41] : memref<10112x16xf32, #tpu.memory_space<hbm>> -> memref<10112x16xf32, #tpu.memory_space<hbm>>
    tpu.enqueue_indirect_dma source(%dma_start3A_42 : memref<10112x16xf32, #tpu.memory_space<hbm>>) target(%arg11 : memref<128x16xf32, #tpu.memory_space<vmem>>) offsets(%dma_start3A_39 : memref<128xi32, #tpu.memory_space<vmem>>) semaphore(%arg20 : memref<!tpu.dma_semaphore, #tpu.memory_space<semaphore_mem>>)
    %dma_start3A_43 = arith.constant 1 : i32
    %dma_start3A_44 = arith.constant 0 : i32
    %dma_start3A_45 = tpu.memref_slice %arg8[%dma_start3A_43, %dma_start3A_44] : memref<40x128xi32, #tpu.memory_space<vmem>> -> memref<1x128xi32, #tpu.memory_space<vmem>>
    %dma_start3A_46 = tpu.memref_squeeze %dma_start3A_45 : memref<1x128xi32, #tpu.memory_space<vmem>> -> memref<128xi32, #tpu.memory_space<vmem>>
    %dma_start3A_47 = arith.constant 0 : i32
    %dma_start3A_48 = arith.constant 0 : i32
    %dma_start3A_49 = tpu.memref_slice %arg2[%dma_start3A_47, %dma_start3A_48] : memref<10112x16xf32, #tpu.memory_space<hbm>> -> memref<10112x16xf32, #tpu.memory_space<hbm>>
    tpu.enqueue_indirect_dma source(%dma_start3A_49 : memref<10112x16xf32, #tpu.memory_space<hbm>>) target(%arg12 : memref<128x16xf32, #tpu.memory_space<vmem>>) offsets(%dma_start3A_46 : memref<128xi32, #tpu.memory_space<vmem>>) semaphore(%arg21 : memref<!tpu.dma_semaphore, #tpu.memory_space<semaphore_mem>>)
    %dma_start3A_50 = arith.constant 2 : i32
    %dma_start3A_51 = arith.constant 0 : i32
    %dma_start3A_52 = tpu.memref_slice %arg7[%dma_start3A_50, %dma_start3A_51] : memref<40x128xi32, #tpu.memory_space<vmem>> -> memref<1x128xi32, #tpu.memory_space<vmem>>
    %dma_start3A_53 = tpu.memref_squeeze %dma_start3A_52 : memref<1x128xi32, #tpu.memory_space<vmem>> -> memref<128xi32, #tpu.memory_space<vmem>>
    %dma_start3A_54 = arith.constant 0 : i32
    %dma_start3A_55 = arith.constant 0 : i32
    %dma_start3A_56 = tpu.memref_slice %arg2[%dma_start3A_54, %dma_start3A_55] : memref<10112x16xf32, #tpu.memory_space<hbm>> -> memref<10112x16xf32, #tpu.memory_space<hbm>>
    tpu.enqueue_indirect_dma source(%dma_start3A_56 : memref<10112x16xf32, #tpu.memory_space<hbm>>) target(%arg13 : memref<128x16xf32, #tpu.memory_space<vmem>>) offsets(%dma_start3A_53 : memref<128xi32, #tpu.memory_space<vmem>>) semaphore(%arg22 : memref<!tpu.dma_semaphore, #tpu.memory_space<semaphore_mem>>)
    %dma_start3A_57 = arith.constant 2 : i32
    %dma_start3A_58 = arith.constant 0 : i32
    %dma_start3A_59 = tpu.memref_slice %arg8[%dma_start3A_57, %dma_start3A_58] : memref<40x128xi32, #tpu.memory_space<vmem>> -> memref<1x128xi32, #tpu.memory_space<vmem>>
    %dma_start3A_60 = tpu.memref_squeeze %dma_start3A_59 : memref<1x128xi32, #tpu.memory_space<vmem>> -> memref<128xi32, #tpu.memory_space<vmem>>
    %dma_start3A_61 = arith.constant 0 : i32
    %dma_start3A_62 = arith.constant 0 : i32
    %dma_start3A_63 = tpu.memref_slice %arg2[%dma_start3A_61, %dma_start3A_62] : memref<10112x16xf32, #tpu.memory_space<hbm>> -> memref<10112x16xf32, #tpu.memory_space<hbm>>
    tpu.enqueue_indirect_dma source(%dma_start3A_63 : memref<10112x16xf32, #tpu.memory_space<hbm>>) target(%arg14 : memref<128x16xf32, #tpu.memory_space<vmem>>) offsets(%dma_start3A_60 : memref<128xi32, #tpu.memory_space<vmem>>) semaphore(%arg23 : memref<!tpu.dma_semaphore, #tpu.memory_space<semaphore_mem>>)
    %dma_start3A_64 = arith.constant 3 : i32
    %dma_start3A_65 = arith.constant 0 : i32
    %dma_start3A_66 = tpu.memref_slice %arg7[%dma_start3A_64, %dma_start3A_65] : memref<40x128xi32, #tpu.memory_space<vmem>> -> memref<1x128xi32, #tpu.memory_space<vmem>>
    %dma_start3A_67 = tpu.memref_squeeze %dma_start3A_66 : memref<1x128xi32, #tpu.memory_space<vmem>> -> memref<128xi32, #tpu.memory_space<vmem>>
    %dma_start3A_68 = arith.constant 0 : i32
    %dma_start3A_69 = arith.constant 0 : i32
    %dma_start3A_70 = tpu.memref_slice %arg2[%dma_start3A_68, %dma_start3A_69] : memref<10112x16xf32, #tpu.memory_space<hbm>> -> memref<10112x16xf32, #tpu.memory_space<hbm>>
    tpu.enqueue_indirect_dma source(%dma_start3A_70 : memref<10112x16xf32, #tpu.memory_space<hbm>>) target(%arg15 : memref<128x16xf32, #tpu.memory_space<vmem>>) offsets(%dma_start3A_67 : memref<128xi32, #tpu.memory_space<vmem>>) semaphore(%arg24 : memref<!tpu.dma_semaphore, #tpu.memory_space<semaphore_mem>>)
    %dma_start3A_71 = arith.constant 3 : i32
    %dma_start3A_72 = arith.constant 0 : i32
    %dma_start3A_73 = tpu.memref_slice %arg8[%dma_start3A_71, %dma_start3A_72] : memref<40x128xi32, #tpu.memory_space<vmem>> -> memref<1x128xi32, #tpu.memory_space<vmem>>
    %dma_start3A_74 = tpu.memref_squeeze %dma_start3A_73 : memref<1x128xi32, #tpu.memory_space<vmem>> -> memref<128xi32, #tpu.memory_space<vmem>>
    %dma_start3A_75 = arith.constant 0 : i32
    %dma_start3A_76 = arith.constant 0 : i32
    %dma_start3A_77 = tpu.memref_slice %arg2[%dma_start3A_75, %dma_start3A_76] : memref<10112x16xf32, #tpu.memory_space<hbm>> -> memref<10112x16xf32, #tpu.memory_space<hbm>>
    tpu.enqueue_indirect_dma source(%dma_start3A_77 : memref<10112x16xf32, #tpu.memory_space<hbm>>) target(%arg16 : memref<128x16xf32, #tpu.memory_space<vmem>>) offsets(%dma_start3A_74 : memref<128xi32, #tpu.memory_space<vmem>>) semaphore(%arg25 : memref<!tpu.dma_semaphore, #tpu.memory_space<semaphore_mem>>)
    %scan3A_78 = arith.constant 0 : i32
    %scan3A_79 = arith.constant 10 : i32
    %scan3A_80 = arith.addi %scan3A_78, %scan3A_79 : i32
    %scan3A_81 = arith.constant 1 : i32
    scf.for %scan3A_88 = %scan3A_78 to %scan3A_80 step %scan3A_81  : i32 {
      %mul3A_89 = arith.constant 4 : i32
      %mul3A_90 = arith.muli %scan3A_88, %mul3A_89 : i32
      %add3A_91 = arith.constant 0 : i32
      %add3A_92 = arith.addi %add3A_91, %mul3A_90 : i32
      %add3A_93 = arith.constant 0 : i32
      %add3A_94 = arith.addi %add3A_92, %add3A_93 : i32
      %dma_wait3A = arith.constant 0 : i32
      %dma_wait3A_95 = tpu.memref_slice %arg7[%add3A_94, %dma_wait3A] : memref<40x128xi32, #tpu.memory_space<vmem>> -> memref<1x128xi32, #tpu.memory_space<vmem>>
      %dma_wait3A_96 = tpu.memref_squeeze %dma_wait3A_95 : memref<1x128xi32, #tpu.memory_space<vmem>> -> memref<128xi32, #tpu.memory_space<vmem>>
      %dma_wait3A_97 = arith.constant 0 : i32
      %dma_wait3A_98 = arith.constant 0 : i32
      %dma_wait3A_99 = tpu.memref_slice %arg2[%dma_wait3A_97, %dma_wait3A_98] : memref<10112x16xf32, #tpu.memory_space<hbm>> -> memref<10112x16xf32, #tpu.memory_space<hbm>>
      tpu.wait_indirect_dma semaphore(%arg18 : memref<!tpu.dma_semaphore, #tpu.memory_space<semaphore_mem>>) src(%dma_wait3A_99 : memref<10112x16xf32, #tpu.memory_space<hbm>>) dst(%arg9 : memref<128x16xf32, #tpu.memory_space<vmem>>)
      "tpu.region"() ({
        %run_scoped3A = tpu.sem_alloc : memref<!tpu.dma_semaphore, #tpu.memory_space<semaphore_mem>>
        %dma_start3A_176 = arith.constant 0 : i32
        %dma_start3A_177 = tpu.memref_slice %arg8[%add3A_94, %dma_start3A_176] : memref<40x128xi32, #tpu.memory_space<vmem>> -> memref<1x128xi32, #tpu.memory_space<vmem>>
        %dma_start3A_178 = tpu.memref_squeeze %dma_start3A_177 : memref<1x128xi32, #tpu.memory_space<vmem>> -> memref<128xi32, #tpu.memory_space<vmem>>
        %dma_start3A_179 = arith.constant 0 : i32
        %dma_start3A_180 = arith.constant 0 : i32
        %dma_start3A_181 = tpu.memref_slice %arg6[%dma_start3A_179, %dma_start3A_180] : memref<10112x16xf32, #tpu.memory_space<vmem_shared>> -> memref<10112x16xf32, #tpu.memory_space<vmem_shared>>
        tpu.enqueue_indirect_dma source(%arg9 : memref<128x16xf32, #tpu.memory_space<vmem>>) target(%dma_start3A_181 : memref<10112x16xf32, #tpu.memory_space<vmem_shared>>) offsets(%dma_start3A_178 : memref<128xi32, #tpu.memory_space<vmem>>) semaphore(%run_scoped3A : memref<!tpu.dma_semaphore, #tpu.memory_space<semaphore_mem>>) {add = true}
        %dma_wait3A_182 = arith.constant 0 : i32
        %dma_wait3A_183 = tpu.memref_slice %arg8[%add3A_94, %dma_wait3A_182] : memref<40x128xi32, #tpu.memory_space<vmem>> -> memref<1x128xi32, #tpu.memory_space<vmem>>
        %dma_wait3A_184 = tpu.memref_squeeze %dma_wait3A_183 : memref<1x128xi32, #tpu.memory_space<vmem>> -> memref<128xi32, #tpu.memory_space<vmem>>
        %dma_wait3A_185 = arith.constant 0 : i32
        %dma_wait3A_186 = arith.constant 0 : i32
        %dma_wait3A_187 = tpu.memref_slice %arg6[%dma_wait3A_185, %dma_wait3A_186] : memref<10112x16xf32, #tpu.memory_space<vmem_shared>> -> memref<10112x16xf32, #tpu.memory_space<vmem_shared>>
        tpu.wait_indirect_dma semaphore(%run_scoped3A : memref<!tpu.dma_semaphore, #tpu.memory_space<semaphore_mem>>) src(%arg9 : memref<128x16xf32, #tpu.memory_space<vmem>>) dst(%dma_wait3A_187 : memref<10112x16xf32, #tpu.memory_space<vmem_shared>>)
        tpu.yield
      }) : () -> ()
      %dma_wait3A_100 = arith.constant 0 : i32
      %dma_wait3A_101 = tpu.memref_slice %arg8[%add3A_94, %dma_wait3A_100] : memref<40x128xi32, #tpu.memory_space<vmem>> -> memref<1x128xi32, #tpu.memory_space<vmem>>
      %dma_wait3A_102 = tpu.memref_squeeze %dma_wait3A_101 : memref<1x128xi32, #tpu.memory_space<vmem>> -> memref<128xi32, #tpu.memory_space<vmem>>
      %dma_wait3A_103 = arith.constant 0 : i32
      %dma_wait3A_104 = arith.constant 0 : i32
      %dma_wait3A_105 = tpu.memref_slice %arg2[%dma_wait3A_103, %dma_wait3A_104] : memref<10112x16xf32, #tpu.memory_space<hbm>> -> memref<10112x16xf32, #tpu.memory_space<hbm>>
      tpu.wait_indirect_dma semaphore(%arg19 : memref<!tpu.dma_semaphore, #tpu.memory_space<semaphore_mem>>) src(%dma_wait3A_105 : memref<10112x16xf32, #tpu.memory_space<hbm>>) dst(%arg10 : memref<128x16xf32, #tpu.memory_space<vmem>>)
      "tpu.region"() ({
        %run_scoped3A = tpu.sem_alloc : memref<!tpu.dma_semaphore, #tpu.memory_space<semaphore_mem>>
        %dma_start3A_176 = arith.constant 0 : i32
        %dma_start3A_177 = tpu.memref_slice %arg7[%add3A_94, %dma_start3A_176] : memref<40x128xi32, #tpu.memory_space<vmem>> -> memref<1x128xi32, #tpu.memory_space<vmem>>
        %dma_start3A_178 = tpu.memref_squeeze %dma_start3A_177 : memref<1x128xi32, #tpu.memory_space<vmem>> -> memref<128xi32, #tpu.memory_space<vmem>>
        %dma_start3A_179 = arith.constant 0 : i32
        %dma_start3A_180 = arith.constant 0 : i32
        %dma_start3A_181 = tpu.memref_slice %arg6[%dma_start3A_179, %dma_start3A_180] : memref<10112x16xf32, #tpu.memory_space<vmem_shared>> -> memref<10112x16xf32, #tpu.memory_space<vmem_shared>>
        tpu.enqueue_indirect_dma source(%arg10 : memref<128x16xf32, #tpu.memory_space<vmem>>) target(%dma_start3A_181 : memref<10112x16xf32, #tpu.memory_space<vmem_shared>>) offsets(%dma_start3A_178 : memref<128xi32, #tpu.memory_space<vmem>>) semaphore(%run_scoped3A : memref<!tpu.dma_semaphore, #tpu.memory_space<semaphore_mem>>) {add = true}
        %dma_wait3A_182 = arith.constant 0 : i32
        %dma_wait3A_183 = tpu.memref_slice %arg7[%add3A_94, %dma_wait3A_182] : memref<40x128xi32, #tpu.memory_space<vmem>> -> memref<1x128xi32, #tpu.memory_space<vmem>>
        %dma_wait3A_184 = tpu.memref_squeeze %dma_wait3A_183 : memref<1x128xi32, #tpu.memory_space<vmem>> -> memref<128xi32, #tpu.memory_space<vmem>>
        %dma_wait3A_185 = arith.constant 0 : i32
        %dma_wait3A_186 = arith.constant 0 : i32
        %dma_wait3A_187 = tpu.memref_slice %arg6[%dma_wait3A_185, %dma_wait3A_186] : memref<10112x16xf32, #tpu.memory_space<vmem_shared>> -> memref<10112x16xf32, #tpu.memory_space<vmem_shared>>
        tpu.wait_indirect_dma semaphore(%run_scoped3A : memref<!tpu.dma_semaphore, #tpu.memory_space<semaphore_mem>>) src(%arg10 : memref<128x16xf32, #tpu.memory_space<vmem>>) dst(%dma_wait3A_187 : memref<10112x16xf32, #tpu.memory_space<vmem_shared>>)
        tpu.yield
      }) : () -> ()
      %add3A_106 = arith.constant 4 : i32
      %add3A_107 = arith.addi %add3A_94, %add3A_106 : i32
      %lt3A_108 = arith.constant 40 : i32
      %lt3A_109 = arith.cmpi slt, %add3A_107, %lt3A_108 : i32
      %convert_element_type3A_110 = arith.extui %lt3A_109 : i1 to i32
      %cond3A_111 = arith.constant 0 : i32
      %cond3A_112 = arith.cmpi ne, %convert_element_type3A_110, %cond3A_111 : i32
      scf.if %cond3A_112 {
        %add3A_176 = arith.constant 4 : i32
        %add3A_177 = arith.addi %add3A_94, %add3A_176 : i32
        %dma_start3A_178 = arith.constant 0 : i32
        %dma_start3A_179 = tpu.memref_slice %arg7[%add3A_177, %dma_start3A_178] : memref<40x128xi32, #tpu.memory_space<vmem>> -> memref<1x128xi32, #tpu.memory_space<vmem>>
        %dma_start3A_180 = tpu.memref_squeeze %dma_start3A_179 : memref<1x128xi32, #tpu.memory_space<vmem>> -> memref<128xi32, #tpu.memory_space<vmem>>
        %dma_start3A_181 = arith.constant 0 : i32
        %dma_start3A_182 = arith.constant 0 : i32
        %dma_start3A_183 = tpu.memref_slice %arg2[%dma_start3A_181, %dma_start3A_182] : memref<10112x16xf32, #tpu.memory_space<hbm>> -> memref<10112x16xf32, #tpu.memory_space<hbm>>
        tpu.enqueue_indirect_dma source(%dma_start3A_183 : memref<10112x16xf32, #tpu.memory_space<hbm>>) target(%arg9 : memref<128x16xf32, #tpu.memory_space<vmem>>) offsets(%dma_start3A_180 : memref<128xi32, #tpu.memory_space<vmem>>) semaphore(%arg18 : memref<!tpu.dma_semaphore, #tpu.memory_space<semaphore_mem>>)
        %add3A_184 = arith.constant 4 : i32
        %add3A_185 = arith.addi %add3A_94, %add3A_184 : i32
        %dma_start3A_186 = arith.constant 0 : i32
        %dma_start3A_187 = tpu.memref_slice %arg8[%add3A_185, %dma_start3A_186] : memref<40x128xi32, #tpu.memory_space<vmem>> -> memref<1x128xi32, #tpu.memory_space<vmem>>
        %dma_start3A_188 = tpu.memref_squeeze %dma_start3A_187 : memref<1x128xi32, #tpu.memory_space<vmem>> -> memref<128xi32, #tpu.memory_space<vmem>>
        %dma_start3A_189 = arith.constant 0 : i32
        %dma_start3A_190 = arith.constant 0 : i32
        %dma_start3A_191 = tpu.memref_slice %arg2[%dma_start3A_189, %dma_start3A_190] : memref<10112x16xf32, #tpu.memory_space<hbm>> -> memref<10112x16xf32, #tpu.memory_space<hbm>>
        tpu.enqueue_indirect_dma source(%dma_start3A_191 : memref<10112x16xf32, #tpu.memory_space<hbm>>) target(%arg10 : memref<128x16xf32, #tpu.memory_space<vmem>>) offsets(%dma_start3A_188 : memref<128xi32, #tpu.memory_space<vmem>>) semaphore(%arg19 : memref<!tpu.dma_semaphore, #tpu.memory_space<semaphore_mem>>)
      } else {
      }
      %add3A_113 = arith.constant 1 : i32
      %add3A_114 = arith.addi %add3A_92, %add3A_113 : i32
      %dma_wait3A_115 = arith.constant 0 : i32
      %dma_wait3A_116 = tpu.memref_slice %arg7[%add3A_114, %dma_wait3A_115] : memref<40x128xi32, #tpu.memory_space<vmem>> -> memref<1x128xi32, #tpu.memory_space<vmem>>
      %dma_wait3A_117 = tpu.memref_squeeze %dma_wait3A_116 : memref<1x128xi32, #tpu.memory_space<vmem>> -> memref<128xi32, #tpu.memory_space<vmem>>
      %dma_wait3A_118 = arith.constant 0 : i32
      %dma_wait3A_119 = arith.constant 0 : i32
      %dma_wait3A_120 = tpu.memref_slice %arg2[%dma_wait3A_118, %dma_wait3A_119] : memref<10112x16xf32, #tpu.memory_space<hbm>> -> memref<10112x16xf32, #tpu.memory_space<hbm>>
      tpu.wait_indirect_dma semaphore(%arg20 : memref<!tpu.dma_semaphore, #tpu.memory_space<semaphore_mem>>) src(%dma_wait3A_120 : memref<10112x16xf32, #tpu.memory_space<hbm>>) dst(%arg11 : memref<128x16xf32, #tpu.memory_space<vmem>>)
      "tpu.region"() ({
        %run_scoped3A = tpu.sem_alloc : memref<!tpu.dma_semaphore, #tpu.memory_space<semaphore_mem>>
        %dma_start3A_176 = arith.constant 0 : i32
        %dma_start3A_177 = tpu.memref_slice %arg8[%add3A_114, %dma_start3A_176] : memref<40x128xi32, #tpu.memory_space<vmem>> -> memref<1x128xi32, #tpu.memory_space<vmem>>
        %dma_start3A_178 = tpu.memref_squeeze %dma_start3A_177 : memref<1x128xi32, #tpu.memory_space<vmem>> -> memref<128xi32, #tpu.memory_space<vmem>>
        %dma_start3A_179 = arith.constant 0 : i32
        %dma_start3A_180 = arith.constant 0 : i32
        %dma_start3A_181 = tpu.memref_slice %arg6[%dma_start3A_179, %dma_start3A_180] : memref<10112x16xf32, #tpu.memory_space<vmem_shared>> -> memref<10112x16xf32, #tpu.memory_space<vmem_shared>>
        tpu.enqueue_indirect_dma source(%arg11 : memref<128x16xf32, #tpu.memory_space<vmem>>) target(%dma_start3A_181 : memref<10112x16xf32, #tpu.memory_space<vmem_shared>>) offsets(%dma_start3A_178 : memref<128xi32, #tpu.memory_space<vmem>>) semaphore(%run_scoped3A : memref<!tpu.dma_semaphore, #tpu.memory_space<semaphore_mem>>) {add = true}
        %dma_wait3A_182 = arith.constant 0 : i32
        %dma_wait3A_183 = tpu.memref_slice %arg8[%add3A_114, %dma_wait3A_182] : memref<40x128xi32, #tpu.memory_space<vmem>> -> memref<1x128xi32, #tpu.memory_space<vmem>>
        %dma_wait3A_184 = tpu.memref_squeeze %dma_wait3A_183 : memref<1x128xi32, #tpu.memory_space<vmem>> -> memref<128xi32, #tpu.memory_space<vmem>>
        %dma_wait3A_185 = arith.constant 0 : i32
        %dma_wait3A_186 = arith.constant 0 : i32
        %dma_wait3A_187 = tpu.memref_slice %arg6[%dma_wait3A_185, %dma_wait3A_186] : memref<10112x16xf32, #tpu.memory_space<vmem_shared>> -> memref<10112x16xf32, #tpu.memory_space<vmem_shared>>
        tpu.wait_indirect_dma semaphore(%run_scoped3A : memref<!tpu.dma_semaphore, #tpu.memory_space<semaphore_mem>>) src(%arg11 : memref<128x16xf32, #tpu.memory_space<vmem>>) dst(%dma_wait3A_187 : memref<10112x16xf32, #tpu.memory_space<vmem_shared>>)
        tpu.yield
      }) : () -> ()
      %dma_wait3A_121 = arith.constant 0 : i32
      %dma_wait3A_122 = tpu.memref_slice %arg8[%add3A_114, %dma_wait3A_121] : memref<40x128xi32, #tpu.memory_space<vmem>> -> memref<1x128xi32, #tpu.memory_space<vmem>>
      %dma_wait3A_123 = tpu.memref_squeeze %dma_wait3A_122 : memref<1x128xi32, #tpu.memory_space<vmem>> -> memref<128xi32, #tpu.memory_space<vmem>>
      %dma_wait3A_124 = arith.constant 0 : i32
      %dma_wait3A_125 = arith.constant 0 : i32
      %dma_wait3A_126 = tpu.memref_slice %arg2[%dma_wait3A_124, %dma_wait3A_125] : memref<10112x16xf32, #tpu.memory_space<hbm>> -> memref<10112x16xf32, #tpu.memory_space<hbm>>
      tpu.wait_indirect_dma semaphore(%arg21 : memref<!tpu.dma_semaphore, #tpu.memory_space<semaphore_mem>>) src(%dma_wait3A_126 : memref<10112x16xf32, #tpu.memory_space<hbm>>) dst(%arg12 : memref<128x16xf32, #tpu.memory_space<vmem>>)
      "tpu.region"() ({
        %run_scoped3A = tpu.sem_alloc : memref<!tpu.dma_semaphore, #tpu.memory_space<semaphore_mem>>
        %dma_start3A_176 = arith.constant 0 : i32
        %dma_start3A_177 = tpu.memref_slice %arg7[%add3A_114, %dma_start3A_176] : memref<40x128xi32, #tpu.memory_space<vmem>> -> memref<1x128xi32, #tpu.memory_space<vmem>>
        %dma_start3A_178 = tpu.memref_squeeze %dma_start3A_177 : memref<1x128xi32, #tpu.memory_space<vmem>> -> memref<128xi32, #tpu.memory_space<vmem>>
        %dma_start3A_179 = arith.constant 0 : i32
        %dma_start3A_180 = arith.constant 0 : i32
        %dma_start3A_181 = tpu.memref_slice %arg6[%dma_start3A_179, %dma_start3A_180] : memref<10112x16xf32, #tpu.memory_space<vmem_shared>> -> memref<10112x16xf32, #tpu.memory_space<vmem_shared>>
        tpu.enqueue_indirect_dma source(%arg12 : memref<128x16xf32, #tpu.memory_space<vmem>>) target(%dma_start3A_181 : memref<10112x16xf32, #tpu.memory_space<vmem_shared>>) offsets(%dma_start3A_178 : memref<128xi32, #tpu.memory_space<vmem>>) semaphore(%run_scoped3A : memref<!tpu.dma_semaphore, #tpu.memory_space<semaphore_mem>>) {add = true}
        %dma_wait3A_182 = arith.constant 0 : i32
        %dma_wait3A_183 = tpu.memref_slice %arg7[%add3A_114, %dma_wait3A_182] : memref<40x128xi32, #tpu.memory_space<vmem>> -> memref<1x128xi32, #tpu.memory_space<vmem>>
        %dma_wait3A_184 = tpu.memref_squeeze %dma_wait3A_183 : memref<1x128xi32, #tpu.memory_space<vmem>> -> memref<128xi32, #tpu.memory_space<vmem>>
        %dma_wait3A_185 = arith.constant 0 : i32
        %dma_wait3A_186 = arith.constant 0 : i32
        %dma_wait3A_187 = tpu.memref_slice %arg6[%dma_wait3A_185, %dma_wait3A_186] : memref<10112x16xf32, #tpu.memory_space<vmem_shared>> -> memref<10112x16xf32, #tpu.memory_space<vmem_shared>>
        tpu.wait_indirect_dma semaphore(%run_scoped3A : memref<!tpu.dma_semaphore, #tpu.memory_space<semaphore_mem>>) src(%arg12 : memref<128x16xf32, #tpu.memory_space<vmem>>) dst(%dma_wait3A_187 : memref<10112x16xf32, #tpu.memory_space<vmem_shared>>)
        tpu.yield
      }) : () -> ()
      %add3A_127 = arith.constant 4 : i32
      %add3A_128 = arith.addi %add3A_114, %add3A_127 : i32
      %lt3A_129 = arith.constant 40 : i32
      %lt3A_130 = arith.cmpi slt, %add3A_128, %lt3A_129 : i32
      %convert_element_type3A_131 = arith.extui %lt3A_130 : i1 to i32
      %cond3A_132 = arith.constant 0 : i32
      %cond3A_133 = arith.cmpi ne, %convert_element_type3A_131, %cond3A_132 : i32
      scf.if %cond3A_133 {
        %add3A_176 = arith.constant 4 : i32
        %add3A_177 = arith.addi %add3A_114, %add3A_176 : i32
        %dma_start3A_178 = arith.constant 0 : i32
        %dma_start3A_179 = tpu.memref_slice %arg7[%add3A_177, %dma_start3A_178] : memref<40x128xi32, #tpu.memory_space<vmem>> -> memref<1x128xi32, #tpu.memory_space<vmem>>
        %dma_start3A_180 = tpu.memref_squeeze %dma_start3A_179 : memref<1x128xi32, #tpu.memory_space<vmem>> -> memref<128xi32, #tpu.memory_space<vmem>>
        %dma_start3A_181 = arith.constant 0 : i32
        %dma_start3A_182 = arith.constant 0 : i32
        %dma_start3A_183 = tpu.memref_slice %arg2[%dma_start3A_181, %dma_start3A_182] : memref<10112x16xf32, #tpu.memory_space<hbm>> -> memref<10112x16xf32, #tpu.memory_space<hbm>>
        tpu.enqueue_indirect_dma source(%dma_start3A_183 : memref<10112x16xf32, #tpu.memory_space<hbm>>) target(%arg11 : memref<128x16xf32, #tpu.memory_space<vmem>>) offsets(%dma_start3A_180 : memref<128xi32, #tpu.memory_space<vmem>>) semaphore(%arg20 : memref<!tpu.dma_semaphore, #tpu.memory_space<semaphore_mem>>)
        %add3A_184 = arith.constant 4 : i32
        %add3A_185 = arith.addi %add3A_114, %add3A_184 : i32
        %dma_start3A_186 = arith.constant 0 : i32
        %dma_start3A_187 = tpu.memref_slice %arg8[%add3A_185, %dma_start3A_186] : memref<40x128xi32, #tpu.memory_space<vmem>> -> memref<1x128xi32, #tpu.memory_space<vmem>>
        %dma_start3A_188 = tpu.memref_squeeze %dma_start3A_187 : memref<1x128xi32, #tpu.memory_space<vmem>> -> memref<128xi32, #tpu.memory_space<vmem>>
        %dma_start3A_189 = arith.constant 0 : i32
        %dma_start3A_190 = arith.constant 0 : i32
        %dma_start3A_191 = tpu.memref_slice %arg2[%dma_start3A_189, %dma_start3A_190] : memref<10112x16xf32, #tpu.memory_space<hbm>> -> memref<10112x16xf32, #tpu.memory_space<hbm>>
        tpu.enqueue_indirect_dma source(%dma_start3A_191 : memref<10112x16xf32, #tpu.memory_space<hbm>>) target(%arg12 : memref<128x16xf32, #tpu.memory_space<vmem>>) offsets(%dma_start3A_188 : memref<128xi32, #tpu.memory_space<vmem>>) semaphore(%arg21 : memref<!tpu.dma_semaphore, #tpu.memory_space<semaphore_mem>>)
      } else {
      }
      %add3A_134 = arith.constant 2 : i32
      %add3A_135 = arith.addi %add3A_92, %add3A_134 : i32
      %dma_wait3A_136 = arith.constant 0 : i32
      %dma_wait3A_137 = tpu.memref_slice %arg7[%add3A_135, %dma_wait3A_136] : memref<40x128xi32, #tpu.memory_space<vmem>> -> memref<1x128xi32, #tpu.memory_space<vmem>>
      %dma_wait3A_138 = tpu.memref_squeeze %dma_wait3A_137 : memref<1x128xi32, #tpu.memory_space<vmem>> -> memref<128xi32, #tpu.memory_space<vmem>>
      %dma_wait3A_139 = arith.constant 0 : i32
      %dma_wait3A_140 = arith.constant 0 : i32
      %dma_wait3A_141 = tpu.memref_slice %arg2[%dma_wait3A_139, %dma_wait3A_140] : memref<10112x16xf32, #tpu.memory_space<hbm>> -> memref<10112x16xf32, #tpu.memory_space<hbm>>
      tpu.wait_indirect_dma semaphore(%arg22 : memref<!tpu.dma_semaphore, #tpu.memory_space<semaphore_mem>>) src(%dma_wait3A_141 : memref<10112x16xf32, #tpu.memory_space<hbm>>) dst(%arg13 : memref<128x16xf32, #tpu.memory_space<vmem>>)
      "tpu.region"() ({
        %run_scoped3A = tpu.sem_alloc : memref<!tpu.dma_semaphore, #tpu.memory_space<semaphore_mem>>
        %dma_start3A_176 = arith.constant 0 : i32
        %dma_start3A_177 = tpu.memref_slice %arg8[%add3A_135, %dma_start3A_176] : memref<40x128xi32, #tpu.memory_space<vmem>> -> memref<1x128xi32, #tpu.memory_space<vmem>>
        %dma_start3A_178 = tpu.memref_squeeze %dma_start3A_177 : memref<1x128xi32, #tpu.memory_space<vmem>> -> memref<128xi32, #tpu.memory_space<vmem>>
        %dma_start3A_179 = arith.constant 0 : i32
        %dma_start3A_180 = arith.constant 0 : i32
        %dma_start3A_181 = tpu.memref_slice %arg6[%dma_start3A_179, %dma_start3A_180] : memref<10112x16xf32, #tpu.memory_space<vmem_shared>> -> memref<10112x16xf32, #tpu.memory_space<vmem_shared>>
        tpu.enqueue_indirect_dma source(%arg13 : memref<128x16xf32, #tpu.memory_space<vmem>>) target(%dma_start3A_181 : memref<10112x16xf32, #tpu.memory_space<vmem_shared>>) offsets(%dma_start3A_178 : memref<128xi32, #tpu.memory_space<vmem>>) semaphore(%run_scoped3A : memref<!tpu.dma_semaphore, #tpu.memory_space<semaphore_mem>>) {add = true}
        %dma_wait3A_182 = arith.constant 0 : i32
        %dma_wait3A_183 = tpu.memref_slice %arg8[%add3A_135, %dma_wait3A_182] : memref<40x128xi32, #tpu.memory_space<vmem>> -> memref<1x128xi32, #tpu.memory_space<vmem>>
        %dma_wait3A_184 = tpu.memref_squeeze %dma_wait3A_183 : memref<1x128xi32, #tpu.memory_space<vmem>> -> memref<128xi32, #tpu.memory_space<vmem>>
        %dma_wait3A_185 = arith.constant 0 : i32
        %dma_wait3A_186 = arith.constant 0 : i32
        %dma_wait3A_187 = tpu.memref_slice %arg6[%dma_wait3A_185, %dma_wait3A_186] : memref<10112x16xf32, #tpu.memory_space<vmem_shared>> -> memref<10112x16xf32, #tpu.memory_space<vmem_shared>>
        tpu.wait_indirect_dma semaphore(%run_scoped3A : memref<!tpu.dma_semaphore, #tpu.memory_space<semaphore_mem>>) src(%arg13 : memref<128x16xf32, #tpu.memory_space<vmem>>) dst(%dma_wait3A_187 : memref<10112x16xf32, #tpu.memory_space<vmem_shared>>)
        tpu.yield
      }) : () -> ()
      %dma_wait3A_142 = arith.constant 0 : i32
      %dma_wait3A_143 = tpu.memref_slice %arg8[%add3A_135, %dma_wait3A_142] : memref<40x128xi32, #tpu.memory_space<vmem>> -> memref<1x128xi32, #tpu.memory_space<vmem>>
      %dma_wait3A_144 = tpu.memref_squeeze %dma_wait3A_143 : memref<1x128xi32, #tpu.memory_space<vmem>> -> memref<128xi32, #tpu.memory_space<vmem>>
      %dma_wait3A_145 = arith.constant 0 : i32
      %dma_wait3A_146 = arith.constant 0 : i32
      %dma_wait3A_147 = tpu.memref_slice %arg2[%dma_wait3A_145, %dma_wait3A_146] : memref<10112x16xf32, #tpu.memory_space<hbm>> -> memref<10112x16xf32, #tpu.memory_space<hbm>>
      tpu.wait_indirect_dma semaphore(%arg23 : memref<!tpu.dma_semaphore, #tpu.memory_space<semaphore_mem>>) src(%dma_wait3A_147 : memref<10112x16xf32, #tpu.memory_space<hbm>>) dst(%arg14 : memref<128x16xf32, #tpu.memory_space<vmem>>)
      "tpu.region"() ({
        %run_scoped3A = tpu.sem_alloc : memref<!tpu.dma_semaphore, #tpu.memory_space<semaphore_mem>>
        %dma_start3A_176 = arith.constant 0 : i32
        %dma_start3A_177 = tpu.memref_slice %arg7[%add3A_135, %dma_start3A_176] : memref<40x128xi32, #tpu.memory_space<vmem>> -> memref<1x128xi32, #tpu.memory_space<vmem>>
        %dma_start3A_178 = tpu.memref_squeeze %dma_start3A_177 : memref<1x128xi32, #tpu.memory_space<vmem>> -> memref<128xi32, #tpu.memory_space<vmem>>
        %dma_start3A_179 = arith.constant 0 : i32
        %dma_start3A_180 = arith.constant 0 : i32
        %dma_start3A_181 = tpu.memref_slice %arg6[%dma_start3A_179, %dma_start3A_180] : memref<10112x16xf32, #tpu.memory_space<vmem_shared>> -> memref<10112x16xf32, #tpu.memory_space<vmem_shared>>
        tpu.enqueue_indirect_dma source(%arg14 : memref<128x16xf32, #tpu.memory_space<vmem>>) target(%dma_start3A_181 : memref<10112x16xf32, #tpu.memory_space<vmem_shared>>) offsets(%dma_start3A_178 : memref<128xi32, #tpu.memory_space<vmem>>) semaphore(%run_scoped3A : memref<!tpu.dma_semaphore, #tpu.memory_space<semaphore_mem>>) {add = true}
        %dma_wait3A_182 = arith.constant 0 : i32
        %dma_wait3A_183 = tpu.memref_slice %arg7[%add3A_135, %dma_wait3A_182] : memref<40x128xi32, #tpu.memory_space<vmem>> -> memref<1x128xi32, #tpu.memory_space<vmem>>
        %dma_wait3A_184 = tpu.memref_squeeze %dma_wait3A_183 : memref<1x128xi32, #tpu.memory_space<vmem>> -> memref<128xi32, #tpu.memory_space<vmem>>
        %dma_wait3A_185 = arith.constant 0 : i32
        %dma_wait3A_186 = arith.constant 0 : i32
        %dma_wait3A_187 = tpu.memref_slice %arg6[%dma_wait3A_185, %dma_wait3A_186] : memref<10112x16xf32, #tpu.memory_space<vmem_shared>> -> memref<10112x16xf32, #tpu.memory_space<vmem_shared>>
        tpu.wait_indirect_dma semaphore(%run_scoped3A : memref<!tpu.dma_semaphore, #tpu.memory_space<semaphore_mem>>) src(%arg14 : memref<128x16xf32, #tpu.memory_space<vmem>>) dst(%dma_wait3A_187 : memref<10112x16xf32, #tpu.memory_space<vmem_shared>>)
        tpu.yield
      }) : () -> ()
      %add3A_148 = arith.constant 4 : i32
      %add3A_149 = arith.addi %add3A_135, %add3A_148 : i32
      %lt3A_150 = arith.constant 40 : i32
      %lt3A_151 = arith.cmpi slt, %add3A_149, %lt3A_150 : i32
      %convert_element_type3A_152 = arith.extui %lt3A_151 : i1 to i32
      %cond3A_153 = arith.constant 0 : i32
      %cond3A_154 = arith.cmpi ne, %convert_element_type3A_152, %cond3A_153 : i32
      scf.if %cond3A_154 {
        %add3A_176 = arith.constant 4 : i32
        %add3A_177 = arith.addi %add3A_135, %add3A_176 : i32
        %dma_start3A_178 = arith.constant 0 : i32
        %dma_start3A_179 = tpu.memref_slice %arg7[%add3A_177, %dma_start3A_178] : memref<40x128xi32, #tpu.memory_space<vmem>> -> memref<1x128xi32, #tpu.memory_space<vmem>>
        %dma_start3A_180 = tpu.memref_squeeze %dma_start3A_179 : memref<1x128xi32, #tpu.memory_space<vmem>> -> memref<128xi32, #tpu.memory_space<vmem>>
        %dma_start3A_181 = arith.constant 0 : i32
        %dma_start3A_182 = arith.constant 0 : i32
        %dma_start3A_183 = tpu.memref_slice %arg2[%dma_start3A_181, %dma_start3A_182] : memref<10112x16xf32, #tpu.memory_space<hbm>> -> memref<10112x16xf32, #tpu.memory_space<hbm>>
        tpu.enqueue_indirect_dma source(%dma_start3A_183 : memref<10112x16xf32, #tpu.memory_space<hbm>>) target(%arg13 : memref<128x16xf32, #tpu.memory_space<vmem>>) offsets(%dma_start3A_180 : memref<128xi32, #tpu.memory_space<vmem>>) semaphore(%arg22 : memref<!tpu.dma_semaphore, #tpu.memory_space<semaphore_mem>>)
        %add3A_184 = arith.constant 4 : i32
        %add3A_185 = arith.addi %add3A_135, %add3A_184 : i32
        %dma_start3A_186 = arith.constant 0 : i32
        %dma_start3A_187 = tpu.memref_slice %arg8[%add3A_185, %dma_start3A_186] : memref<40x128xi32, #tpu.memory_space<vmem>> -> memref<1x128xi32, #tpu.memory_space<vmem>>
        %dma_start3A_188 = tpu.memref_squeeze %dma_start3A_187 : memref<1x128xi32, #tpu.memory_space<vmem>> -> memref<128xi32, #tpu.memory_space<vmem>>
        %dma_start3A_189 = arith.constant 0 : i32
        %dma_start3A_190 = arith.constant 0 : i32
        %dma_start3A_191 = tpu.memref_slice %arg2[%dma_start3A_189, %dma_start3A_190] : memref<10112x16xf32, #tpu.memory_space<hbm>> -> memref<10112x16xf32, #tpu.memory_space<hbm>>
        tpu.enqueue_indirect_dma source(%dma_start3A_191 : memref<10112x16xf32, #tpu.memory_space<hbm>>) target(%arg14 : memref<128x16xf32, #tpu.memory_space<vmem>>) offsets(%dma_start3A_188 : memref<128xi32, #tpu.memory_space<vmem>>) semaphore(%arg23 : memref<!tpu.dma_semaphore, #tpu.memory_space<semaphore_mem>>)
      } else {
      }
      %add3A_155 = arith.constant 3 : i32
      %add3A_156 = arith.addi %add3A_92, %add3A_155 : i32
      %dma_wait3A_157 = arith.constant 0 : i32
      %dma_wait3A_158 = tpu.memref_slice %arg7[%add3A_156, %dma_wait3A_157] : memref<40x128xi32, #tpu.memory_space<vmem>> -> memref<1x128xi32, #tpu.memory_space<vmem>>
      %dma_wait3A_159 = tpu.memref_squeeze %dma_wait3A_158 : memref<1x128xi32, #tpu.memory_space<vmem>> -> memref<128xi32, #tpu.memory_space<vmem>>
      %dma_wait3A_160 = arith.constant 0 : i32
      %dma_wait3A_161 = arith.constant 0 : i32
      %dma_wait3A_162 = tpu.memref_slice %arg2[%dma_wait3A_160, %dma_wait3A_161] : memref<10112x16xf32, #tpu.memory_space<hbm>> -> memref<10112x16xf32, #tpu.memory_space<hbm>>
      tpu.wait_indirect_dma semaphore(%arg24 : memref<!tpu.dma_semaphore, #tpu.memory_space<semaphore_mem>>) src(%dma_wait3A_162 : memref<10112x16xf32, #tpu.memory_space<hbm>>) dst(%arg15 : memref<128x16xf32, #tpu.memory_space<vmem>>)
      "tpu.region"() ({
        %run_scoped3A = tpu.sem_alloc : memref<!tpu.dma_semaphore, #tpu.memory_space<semaphore_mem>>
        %dma_start3A_176 = arith.constant 0 : i32
        %dma_start3A_177 = tpu.memref_slice %arg8[%add3A_156, %dma_start3A_176] : memref<40x128xi32, #tpu.memory_space<vmem>> -> memref<1x128xi32, #tpu.memory_space<vmem>>
        %dma_start3A_178 = tpu.memref_squeeze %dma_start3A_177 : memref<1x128xi32, #tpu.memory_space<vmem>> -> memref<128xi32, #tpu.memory_space<vmem>>
        %dma_start3A_179 = arith.constant 0 : i32
        %dma_start3A_180 = arith.constant 0 : i32
        %dma_start3A_181 = tpu.memref_slice %arg6[%dma_start3A_179, %dma_start3A_180] : memref<10112x16xf32, #tpu.memory_space<vmem_shared>> -> memref<10112x16xf32, #tpu.memory_space<vmem_shared>>
        tpu.enqueue_indirect_dma source(%arg15 : memref<128x16xf32, #tpu.memory_space<vmem>>) target(%dma_start3A_181 : memref<10112x16xf32, #tpu.memory_space<vmem_shared>>) offsets(%dma_start3A_178 : memref<128xi32, #tpu.memory_space<vmem>>) semaphore(%run_scoped3A : memref<!tpu.dma_semaphore, #tpu.memory_space<semaphore_mem>>) {add = true}
        %dma_wait3A_182 = arith.constant 0 : i32
        %dma_wait3A_183 = tpu.memref_slice %arg8[%add3A_156, %dma_wait3A_182] : memref<40x128xi32, #tpu.memory_space<vmem>> -> memref<1x128xi32, #tpu.memory_space<vmem>>
        %dma_wait3A_184 = tpu.memref_squeeze %dma_wait3A_183 : memref<1x128xi32, #tpu.memory_space<vmem>> -> memref<128xi32, #tpu.memory_space<vmem>>
        %dma_wait3A_185 = arith.constant 0 : i32
        %dma_wait3A_186 = arith.constant 0 : i32
        %dma_wait3A_187 = tpu.memref_slice %arg6[%dma_wait3A_185, %dma_wait3A_186] : memref<10112x16xf32, #tpu.memory_space<vmem_shared>> -> memref<10112x16xf32, #tpu.memory_space<vmem_shared>>
        tpu.wait_indirect_dma semaphore(%run_scoped3A : memref<!tpu.dma_semaphore, #tpu.memory_space<semaphore_mem>>) src(%arg15 : memref<128x16xf32, #tpu.memory_space<vmem>>) dst(%dma_wait3A_187 : memref<10112x16xf32, #tpu.memory_space<vmem_shared>>)
        tpu.yield
      }) : () -> ()
      %dma_wait3A_163 = arith.constant 0 : i32
      %dma_wait3A_164 = tpu.memref_slice %arg8[%add3A_156, %dma_wait3A_163] : memref<40x128xi32, #tpu.memory_space<vmem>> -> memref<1x128xi32, #tpu.memory_space<vmem>>
      %dma_wait3A_165 = tpu.memref_squeeze %dma_wait3A_164 : memref<1x128xi32, #tpu.memory_space<vmem>> -> memref<128xi32, #tpu.memory_space<vmem>>
      %dma_wait3A_166 = arith.constant 0 : i32
      %dma_wait3A_167 = arith.constant 0 : i32
      %dma_wait3A_168 = tpu.memref_slice %arg2[%dma_wait3A_166, %dma_wait3A_167] : memref<10112x16xf32, #tpu.memory_space<hbm>> -> memref<10112x16xf32, #tpu.memory_space<hbm>>
      tpu.wait_indirect_dma semaphore(%arg25 : memref<!tpu.dma_semaphore, #tpu.memory_space<semaphore_mem>>) src(%dma_wait3A_168 : memref<10112x16xf32, #tpu.memory_space<hbm>>) dst(%arg16 : memref<128x16xf32, #tpu.memory_space<vmem>>)
      "tpu.region"() ({
        %run_scoped3A = tpu.sem_alloc : memref<!tpu.dma_semaphore, #tpu.memory_space<semaphore_mem>>
        %dma_start3A_176 = arith.constant 0 : i32
        %dma_start3A_177 = tpu.memref_slice %arg7[%add3A_156, %dma_start3A_176] : memref<40x128xi32, #tpu.memory_space<vmem>> -> memref<1x128xi32, #tpu.memory_space<vmem>>
        %dma_start3A_178 = tpu.memref_squeeze %dma_start3A_177 : memref<1x128xi32, #tpu.memory_space<vmem>> -> memref<128xi32, #tpu.memory_space<vmem>>
        %dma_start3A_179 = arith.constant 0 : i32
        %dma_start3A_180 = arith.constant 0 : i32
        %dma_start3A_181 = tpu.memref_slice %arg6[%dma_start3A_179, %dma_start3A_180] : memref<10112x16xf32, #tpu.memory_space<vmem_shared>> -> memref<10112x16xf32, #tpu.memory_space<vmem_shared>>
        tpu.enqueue_indirect_dma source(%arg16 : memref<128x16xf32, #tpu.memory_space<vmem>>) target(%dma_start3A_181 : memref<10112x16xf32, #tpu.memory_space<vmem_shared>>) offsets(%dma_start3A_178 : memref<128xi32, #tpu.memory_space<vmem>>) semaphore(%run_scoped3A : memref<!tpu.dma_semaphore, #tpu.memory_space<semaphore_mem>>) {add = true}
        %dma_wait3A_182 = arith.constant 0 : i32
        %dma_wait3A_183 = tpu.memref_slice %arg7[%add3A_156, %dma_wait3A_182] : memref<40x128xi32, #tpu.memory_space<vmem>> -> memref<1x128xi32, #tpu.memory_space<vmem>>
        %dma_wait3A_184 = tpu.memref_squeeze %dma_wait3A_183 : memref<1x128xi32, #tpu.memory_space<vmem>> -> memref<128xi32, #tpu.memory_space<vmem>>
        %dma_wait3A_185 = arith.constant 0 : i32
        %dma_wait3A_186 = arith.constant 0 : i32
        %dma_wait3A_187 = tpu.memref_slice %arg6[%dma_wait3A_185, %dma_wait3A_186] : memref<10112x16xf32, #tpu.memory_space<vmem_shared>> -> memref<10112x16xf32, #tpu.memory_space<vmem_shared>>
        tpu.wait_indirect_dma semaphore(%run_scoped3A : memref<!tpu.dma_semaphore, #tpu.memory_space<semaphore_mem>>) src(%arg16 : memref<128x16xf32, #tpu.memory_space<vmem>>) dst(%dma_wait3A_187 : memref<10112x16xf32, #tpu.memory_space<vmem_shared>>)
        tpu.yield
      }) : () -> ()
      %add3A_169 = arith.constant 4 : i32
      %add3A_170 = arith.addi %add3A_156, %add3A_169 : i32
      %lt3A_171 = arith.constant 40 : i32
      %lt3A_172 = arith.cmpi slt, %add3A_170, %lt3A_171 : i32
      %convert_element_type3A_173 = arith.extui %lt3A_172 : i1 to i32
      %cond3A_174 = arith.constant 0 : i32
      %cond3A_175 = arith.cmpi ne, %convert_element_type3A_173, %cond3A_174 : i32
      scf.if %cond3A_175 {
        %add3A_176 = arith.constant 4 : i32
        %add3A_177 = arith.addi %add3A_156, %add3A_176 : i32
        %dma_start3A_178 = arith.constant 0 : i32
        %dma_start3A_179 = tpu.memref_slice %arg7[%add3A_177, %dma_start3A_178] : memref<40x128xi32, #tpu.memory_space<vmem>> -> memref<1x128xi32, #tpu.memory_space<vmem>>
        %dma_start3A_180 = tpu.memref_squeeze %dma_start3A_179 : memref<1x128xi32, #tpu.memory_space<vmem>> -> memref<128xi32, #tpu.memory_space<vmem>>
        %dma_start3A_181 = arith.constant 0 : i32
        %dma_start3A_182 = arith.constant 0 : i32
        %dma_start3A_183 = tpu.memref_slice %arg2[%dma_start3A_181, %dma_start3A_182] : memref<10112x16xf32, #tpu.memory_space<hbm>> -> memref<10112x16xf32, #tpu.memory_space<hbm>>
        tpu.enqueue_indirect_dma source(%dma_start3A_183 : memref<10112x16xf32, #tpu.memory_space<hbm>>) target(%arg15 : memref<128x16xf32, #tpu.memory_space<vmem>>) offsets(%dma_start3A_180 : memref<128xi32, #tpu.memory_space<vmem>>) semaphore(%arg24 : memref<!tpu.dma_semaphore, #tpu.memory_space<semaphore_mem>>)
        %add3A_184 = arith.constant 4 : i32
        %add3A_185 = arith.addi %add3A_156, %add3A_184 : i32
        %dma_start3A_186 = arith.constant 0 : i32
        %dma_start3A_187 = tpu.memref_slice %arg8[%add3A_185, %dma_start3A_186] : memref<40x128xi32, #tpu.memory_space<vmem>> -> memref<1x128xi32, #tpu.memory_space<vmem>>
        %dma_start3A_188 = tpu.memref_squeeze %dma_start3A_187 : memref<1x128xi32, #tpu.memory_space<vmem>> -> memref<128xi32, #tpu.memory_space<vmem>>
        %dma_start3A_189 = arith.constant 0 : i32
        %dma_start3A_190 = arith.constant 0 : i32
        %dma_start3A_191 = tpu.memref_slice %arg2[%dma_start3A_189, %dma_start3A_190] : memref<10112x16xf32, #tpu.memory_space<hbm>> -> memref<10112x16xf32, #tpu.memory_space<hbm>>
        tpu.enqueue_indirect_dma source(%dma_start3A_191 : memref<10112x16xf32, #tpu.memory_space<hbm>>) target(%arg16 : memref<128x16xf32, #tpu.memory_space<vmem>>) offsets(%dma_start3A_188 : memref<128xi32, #tpu.memory_space<vmem>>) semaphore(%arg25 : memref<!tpu.dma_semaphore, #tpu.memory_space<semaphore_mem>>)
      } else {
      }
    }
    %scan3A_82 = arith.constant 10 : i32
    %barrier3A_83 = arith.constant 0 : index
    tpu.barrier barrier_id(%barrier3A_83)
    %mul3A_84 = arith.constant 632 : i32
    %mul3A_85 = arith.muli %arg1, %mul3A_84 : i32
    %mul3A_86 = arith.constant 632 : i32
    %mul3A_87 = arith.muli %arg1, %mul3A_86 : i32
    "tpu.region"() ({
      %run_scoped3A = tpu.sem_alloc : memref<!tpu.dma_semaphore, #tpu.memory_space<semaphore_mem>>
      %dma_start3A_88 = arith.constant 0 : i32
      %dma_start3A_89 = tpu.memref_slice %arg5[%arg0, %mul3A_87, %dma_start3A_88] : memref<2x10112x16xf32, #tpu.memory_space<hbm>> -> memref<1x632x16xf32, #tpu.memory_space<hbm>>
      %dma_start3A_90 = tpu.memref_squeeze %dma_start3A_89 : memref<1x632x16xf32, #tpu.memory_space<hbm>> -> memref<632x16xf32, #tpu.memory_space<hbm>>
      %dma_start3A_91 = arith.constant 0 : i32
      %dma_start3A_92 = tpu.memref_slice %arg6[%mul3A_85, %dma_start3A_91] : memref<10112x16xf32, #tpu.memory_space<vmem_shared>> -> memref<632x16xf32, #tpu.memory_space<vmem_shared>>
      tpu.enqueue_dma source(%dma_start3A_92 : memref<632x16xf32, #tpu.memory_space<vmem_shared>>) target(%dma_start3A_90 : memref<632x16xf32, #tpu.memory_space<hbm>>) target_semaphore(%run_scoped3A : memref<!tpu.dma_semaphore, #tpu.memory_space<semaphore_mem>>)
      %dma_wait3A = arith.constant 0 : i32
      %dma_wait3A_93 = tpu.memref_slice %arg5[%arg0, %mul3A_87, %dma_wait3A] : memref<2x10112x16xf32, #tpu.memory_space<hbm>> -> memref<1x632x16xf32, #tpu.memory_space<hbm>>
      %dma_wait3A_94 = tpu.memref_squeeze %dma_wait3A_93 : memref<1x632x16xf32, #tpu.memory_space<hbm>> -> memref<632x16xf32, #tpu.memory_space<hbm>>
      %dma_wait3A_95 = arith.constant 0 : i32
      %dma_wait3A_96 = tpu.memref_slice %arg6[%mul3A_85, %dma_wait3A_95] : memref<10112x16xf32, #tpu.memory_space<vmem_shared>> -> memref<632x16xf32, #tpu.memory_space<vmem_shared>>
      tpu.wait_dma2 semaphore(%run_scoped3A : memref<!tpu.dma_semaphore, #tpu.memory_space<semaphore_mem>>) src(%dma_wait3A_96 : memref<632x16xf32, #tpu.memory_space<vmem_shared>>) dst(%dma_wait3A_94 : memref<632x16xf32, #tpu.memory_space<hbm>>)
      tpu.yield
    }) : () -> ()
    return
  }
}

module attributes {stable_mosaic.version = 14 : i64} {
  func.func @body(%arg0: i32, %arg1: memref<2000x256xf32, #tpu.memory_space<vmem>>, %arg2: memref<256x16xf32, #tpu.memory_space<vmem>>, %arg3: memref<2000x16xf32, #tpu.memory_space<vmem>>) attributes {dimension_semantics = [#tpu.dimension_semantics<arbitrary>], iteration_bounds = array<i64: 5>, scalar_prefetch = 0 : i64, scratch_operands = 0 : i64, tpu.core_type = #tpu.core_type<tc>, window_params = [{transform_indices = @transform_0, window_bounds = array<i64: 2000, 256>}, {pipeline_mode = #tpu.pipeline_mode<synchronous>, transform_indices = @transform_1, window_bounds = array<i64: 256, 16>}, {transform_indices = @transform_2, window_bounds = array<i64: 2000, 16>}]} {
    %get3A = arith.constant 0 : index
    %get3A_0 = arith.constant 0 : index
    %get3A_1 = vector.load %arg1[%get3A, %get3A_0] : memref<2000x256xf32, #tpu.memory_space<vmem>>, vector<2000x256xf32>
    %get3A_2 = arith.constant 0 : index
    %get3A_3 = arith.constant 0 : index
    %get3A_4 = vector.load %arg2[%get3A_2, %get3A_3] : memref<256x16xf32, #tpu.memory_space<vmem>>, vector<256x16xf32>
    %dot_general3A = arith.constant dense<0.000000e+00> : vector<2000x16xf32>
    %dot_general3A_5 = tpu.matmul %get3A_1, %get3A_4, %dot_general3A {dimension_numbers = #tpu.dot_dimension_numbers<[1], [0], [0], [1], [0, 0, 1, 1], [], []>, precision = #tpu.contract_precision<fp32>, transpose_lhs_hint = false} : vector<2000x256xf32>, vector<256x16xf32>, vector<2000x16xf32> -> vector<2000x16xf32>
    %swap3A = arith.constant 0 : index
    %swap3A_6 = arith.constant 0 : index
    %swap3A_7 = vector.load %arg3[%swap3A, %swap3A_6] : memref<2000x16xf32, #tpu.memory_space<vmem>>, vector<2000x16xf32>
    tpu.vector_store %arg3[%swap3A, %swap3A_6], %dot_general3A_5 {strides = array<i32>} : memref<2000x16xf32, #tpu.memory_space<vmem>>, vector<2000x16xf32>,
    return
  }
  func.func @transform_0(%arg0: i32) -> (i32, i32) {
    %c0_i32 = arith.constant 0 : i32
    %c0_i32_0 = arith.constant 0 : i32
    return %arg0, %c0_i32 : i32, i32
  }
  func.func @transform_1(%arg0: i32) -> (i32, i32) {
    %c0_i32 = arith.constant 0 : i32
    %c0_i32_0 = arith.constant 0 : i32
    %c0_i32_1 = arith.constant 0 : i32
    return %c0_i32, %c0_i32_0 : i32, i32
  }
  func.func @transform_2(%arg0: i32) -> (i32, i32) {
    %c0_i32 = arith.constant 0 : i32
    %c0_i32_0 = arith.constant 0 : i32
    return %arg0, %c0_i32 : i32, i32
  }
}

module attributes {stable_mosaic.version = 14 : i64} {
  func.func @body(%arg0: memref<32x10112xf32, #tpu.memory_space<vmem>>, %arg1: memref<10000x16xf32, #tpu.memory_space<vmem>>, %arg2: memref<10112x16xf32, #tpu.memory_space<vmem>>, %arg3: memref<10112x1xf32, #tpu.memory_space<vmem>>) attributes {dimension_semantics = [], scalar_prefetch = 0 : i64, scratch_operands = 0 : i64, tpu.core_type = #tpu.core_type<tc>} {
    %broadcast_in_dim3A = arith.constant 1.000000e+00 : f32
    %broadcast_in_dim3A_0 = vector.broadcast %broadcast_in_dim3A : f32 to vector<32x1xf32>
    %get3A = arith.constant 0 : index
    %get3A_1 = arith.constant 0 : index
    %get3A_2 = vector.load %arg0[%get3A, %get3A_1] : memref<32x10112xf32, #tpu.memory_space<vmem>>, vector<32x10112xf32>
    %dot_general3A = arith.constant dense<0.000000e+00> : vector<10112x1xf32>
    %dot_general3A_3 = tpu.matmul %get3A_2, %broadcast_in_dim3A_0, %dot_general3A {dimension_numbers = #tpu.dot_dimension_numbers<[0], [0], [1], [1], [0, 1, 1, 1], [], []>, transpose_lhs_hint = false} : vector<32x10112xf32>, vector<32x1xf32>, vector<10112x1xf32> -> vector<10112x1xf32>
    %max3A = arith.constant 1.000000e+00 : f32
    %max3A_4 = vector.broadcast %max3A : f32 to vector<10112x1xf32>
    %max3A_5 = arith.maximumf %dot_general3A_3, %max3A_4 : vector<10112x1xf32>
    %rsqrt3A = math.rsqrt %max3A_5 : vector<10112x1xf32>
    %swap3A = arith.constant 0 : index
    %swap3A_6 = arith.constant 0 : index
    %swap3A_7 = vector.load %arg3[%swap3A, %swap3A_6] : memref<10112x1xf32, #tpu.memory_space<vmem>>, vector<10112x1xf32>
    tpu.vector_store %arg3[%swap3A, %swap3A_6], %rsqrt3A {strides = array<i32>} : memref<10112x1xf32, #tpu.memory_space<vmem>>, vector<10112x1xf32>,
    %get3A_8 = arith.constant 0 : index
    %get3A_9 = arith.constant 0 : index
    %get3A_10 = vector.load %arg1[%get3A_8, %get3A_9] : memref<10000x16xf32, #tpu.memory_space<vmem>>, vector<10000x16xf32>
    %slice3A = vector.extract_strided_slice %rsqrt3A {offsets = [0, 0], sizes = [10000, 1], strides = [1, 1]} : vector<10112x1xf32> to vector<10000x1xf32>
    %mul3A = vector.broadcast %slice3A : vector<10000x1xf32> to vector<10000x16xf32>
    %mul3A_11 = arith.mulf %get3A_10, %mul3A : vector<10000x16xf32>
    %swap3A_12 = arith.constant 0 : index
    %swap3A_13 = arith.constant 0 : index
    %swap3A_14 = vector.load %arg2[%swap3A_12, %swap3A_13] : memref<10112x16xf32, #tpu.memory_space<vmem>>, vector<10000x16xf32>
    tpu.vector_store %arg2[%swap3A_12, %swap3A_13], %mul3A_11 {strides = array<i32>} : memref<10112x16xf32, #tpu.memory_space<vmem>>, vector<10000x16xf32>,
    %broadcast_in_dim3A_15 = arith.constant 0.000000e+00 : f32
    %broadcast_in_dim3A_16 = vector.broadcast %broadcast_in_dim3A_15 : f32 to vector<112x16xf32>
    %swap3A_17 = arith.constant 10000 : index
    %swap3A_18 = arith.constant 0 : index
    %swap3A_19 = vector.load %arg2[%swap3A_17, %swap3A_18] : memref<10112x16xf32, #tpu.memory_space<vmem>>, vector<112x16xf32>
    tpu.vector_store %arg2[%swap3A_17, %swap3A_18], %broadcast_in_dim3A_16 {strides = array<i32>} : memref<10112x16xf32, #tpu.memory_space<vmem>>, vector<112x16xf32>,
    return
  }
}

module attributes {stable_mosaic.version = 14 : i64} {
  func.func @body(%arg0: memref<2x10112x16xf32, #tpu.memory_space<vmem>>, %arg1: memref<10112x1xf32, #tpu.memory_space<vmem>>, %arg2: memref<1x16xf32, #tpu.memory_space<vmem>>, %arg3: memref<10112x16xf32, #tpu.memory_space<vmem>>) attributes {dimension_semantics = [], scalar_prefetch = 0 : i64, scratch_operands = 0 : i64, tpu.core_type = #tpu.core_type<tc>} {
    %get3A = arith.constant 0 : index
    %get3A_0 = arith.constant 0 : index
    %get3A_1 = arith.constant 0 : index
    %get3A_2 = vector.load %arg0[%get3A, %get3A_0, %get3A_1] : memref<2x10112x16xf32, #tpu.memory_space<vmem>>, vector<1x10112x16xf32>
    %get3A_3 = vector.shape_cast %get3A_2 : vector<1x10112x16xf32> to vector<10112x16xf32>
    %get3A_4 = arith.constant 1 : index
    %get3A_5 = arith.constant 0 : index
    %get3A_6 = arith.constant 0 : index
    %get3A_7 = vector.load %arg0[%get3A_4, %get3A_5, %get3A_6] : memref<2x10112x16xf32, #tpu.memory_space<vmem>>, vector<1x10112x16xf32>
    %get3A_8 = vector.shape_cast %get3A_7 : vector<1x10112x16xf32> to vector<10112x16xf32>
    %add3A = arith.addf %get3A_3, %get3A_8 : vector<10112x16xf32>
    %get3A_9 = arith.constant 0 : index
    %get3A_10 = arith.constant 0 : index
    %get3A_11 = vector.load %arg1[%get3A_9, %get3A_10] : memref<10112x1xf32, #tpu.memory_space<vmem>>, vector<10112x1xf32>
    %mul3A = vector.broadcast %get3A_11 : vector<10112x1xf32> to vector<10112x16xf32>
    %mul3A_12 = arith.mulf %add3A, %mul3A : vector<10112x16xf32>
    %get3A_13 = arith.constant 0 : index
    %get3A_14 = arith.constant 0 : index
    %get3A_15 = vector.load %arg2[%get3A_13, %get3A_14] : memref<1x16xf32, #tpu.memory_space<vmem>>, vector<1x16xf32>
    %add3A_16 = vector.broadcast %get3A_15 : vector<1x16xf32> to vector<10112x16xf32>
    %add3A_17 = arith.addf %mul3A_12, %add3A_16 : vector<10112x16xf32>
    %gt3A = arith.constant 0.000000e+00 : f32
    %gt3A_18 = vector.broadcast %gt3A : f32 to vector<10112x16xf32>
    %gt3A_19 = arith.cmpf ogt, %add3A_17, %gt3A_18 : vector<10112x16xf32>
    %exp3A = math.exp %add3A_17 : vector<10112x16xf32>
    %sub3A = arith.constant 1.000000e+00 : f32
    %sub3A_20 = vector.broadcast %sub3A : f32 to vector<10112x16xf32>
    %sub3A_21 = arith.subf %exp3A, %sub3A_20 : vector<10112x16xf32>
    %select_n3A = arith.select %gt3A_19, %add3A_17, %sub3A_21 : vector<10112x16xi1>, vector<10112x16xf32>
    %mul3A_22 = vector.broadcast %get3A_11 : vector<10112x1xf32> to vector<10112x16xf32>
    %mul3A_23 = arith.mulf %select_n3A, %mul3A_22 : vector<10112x16xf32>
    %swap3A = arith.constant 0 : index
    %swap3A_24 = arith.constant 0 : index
    %swap3A_25 = vector.load %arg3[%swap3A, %swap3A_24] : memref<10112x16xf32, #tpu.memory_space<vmem>>, vector<10112x16xf32>
    tpu.vector_store %arg3[%swap3A, %swap3A_24], %mul3A_23 {strides = array<i32>} : memref<10112x16xf32, #tpu.memory_space<vmem>>, vector<10112x16xf32>,
    return
  }
}

module attributes {stable_mosaic.version = 14 : i64} {
  func.func @body(%arg0: memref<2x10112x16xf32, #tpu.memory_space<vmem>>, %arg1: memref<10112x1xf32, #tpu.memory_space<vmem>>, %arg2: memref<16x64xf32, #tpu.memory_space<vmem>>, %arg3: memref<1x64xf32, #tpu.memory_space<vmem>>, %arg4: memref<10000x64xf32, #tpu.memory_space<vmem>>) attributes {dimension_semantics = [], scalar_prefetch = 0 : i64, scratch_operands = 0 : i64, tpu.core_type = #tpu.core_type<tc>} {
    %get3A = arith.constant 0 : index
    %get3A_0 = arith.constant 0 : index
    %get3A_1 = arith.constant 0 : index
    %get3A_2 = vector.load %arg0[%get3A, %get3A_0, %get3A_1] : memref<2x10112x16xf32, #tpu.memory_space<vmem>>, vector<1x10000x16xf32>
    %get3A_3 = vector.shape_cast %get3A_2 : vector<1x10000x16xf32> to vector<10000x16xf32>
    %get3A_4 = arith.constant 1 : index
    %get3A_5 = arith.constant 0 : index
    %get3A_6 = arith.constant 0 : index
    %get3A_7 = vector.load %arg0[%get3A_4, %get3A_5, %get3A_6] : memref<2x10112x16xf32, #tpu.memory_space<vmem>>, vector<1x10000x16xf32>
    %get3A_8 = vector.shape_cast %get3A_7 : vector<1x10000x16xf32> to vector<10000x16xf32>
    %add3A = arith.addf %get3A_3, %get3A_8 : vector<10000x16xf32>
    %get3A_9 = arith.constant 0 : index
    %get3A_10 = arith.constant 0 : index
    %get3A_11 = vector.load %arg1[%get3A_9, %get3A_10] : memref<10112x1xf32, #tpu.memory_space<vmem>>, vector<10000x1xf32>
    %mul3A = vector.broadcast %get3A_11 : vector<10000x1xf32> to vector<10000x16xf32>
    %mul3A_12 = arith.mulf %add3A, %mul3A : vector<10000x16xf32>
    %get3A_13 = arith.constant 0 : index
    %get3A_14 = arith.constant 0 : index
    %get3A_15 = vector.load %arg2[%get3A_13, %get3A_14] : memref<16x64xf32, #tpu.memory_space<vmem>>, vector<16x64xf32>
    %dot_general3A = arith.constant dense<0.000000e+00> : vector<10000x64xf32>
    %dot_general3A_16 = tpu.matmul %mul3A_12, %get3A_15, %dot_general3A {dimension_numbers = #tpu.dot_dimension_numbers<[1], [0], [0], [1], [0, 0, 1, 1], [], []>, precision = #tpu.contract_precision<fp32>, transpose_lhs_hint = false} : vector<10000x16xf32>, vector<16x64xf32>, vector<10000x64xf32> -> vector<10000x64xf32>
    %get3A_17 = arith.constant 0 : index
    %get3A_18 = arith.constant 0 : index
    %get3A_19 = vector.load %arg3[%get3A_17, %get3A_18] : memref<1x64xf32, #tpu.memory_space<vmem>>, vector<1x64xf32>
    %add3A_20 = vector.broadcast %get3A_19 : vector<1x64xf32> to vector<10000x64xf32>
    %add3A_21 = arith.addf %dot_general3A_16, %add3A_20 : vector<10000x64xf32>
    %swap3A = arith.constant 0 : index
    %swap3A_22 = arith.constant 0 : index
    %swap3A_23 = vector.load %arg4[%swap3A, %swap3A_22] : memref<10000x64xf32, #tpu.memory_space<vmem>>, vector<10000x64xf32>
    tpu.vector_store %arg4[%swap3A, %swap3A_22], %add3A_21 {strides = array<i32>} : memref<10000x64xf32, #tpu.memory_space<vmem>>, vector<10000x64xf32>,
    return
  }
}

</mosaic_0001>

<sc_bundles>
// kernel: kernel.12.cloned.1.call-start
scs
__scs_entry_jumppad:
0x0: {  	(pc) =	sbr.rel $0x88, $3  }
0x1: {  	(tag) =	ssettag $0x0;
	lr =	simm.s32 $0x1  }
0x2: {  	[smem:$0x3F9B] =	sst lr;
	_ =	strace $0xD0000000  }
0x3: {  	_ = 	snop  }
0x4: {  	_ = 	snop  }
0x5: {  	_ = 	snop  }
0x6: {  	_ = 	snop  }
0x7: {  	_ = 	snop  }
__scs_overlays_trampoline_lowered:
0x8: {  	[smem:$0x3FAA] =	sst s0  }
0x9: {  	[smem:$0x3FAB] =	sst s1  }
0xa: {  	[smem:$0x3FAC] =	sst s2  }
0xb: {  	[smem:$0x3FAD] =	sst s3  }
0xc: {  	[smem:$0x3FAE] =	sst s4  }
0xd: {  	[smem:$0x3FAF] =	sst s5  }
0xe: {  	[smem:$0x3FB0] =	sst s6  }
0xf: {  	[smem:$0x3FB1] =	sst s7  }
0x10: {  	[smem:$0x3FB2] =	sst s8  }
0x11: {  	[smem:$0x3FB3] =	sst s9;
	s0 =	simm.s32 @!p0 $0x0  }
0x12: {  	s1 =	sld [smem:$0x3F99];
	s0 =	simm.s32 @p0 $0x1  }
0x13: {  	[smem:$0x3FB4] =	sst s0;
	s0 =	simm.s32 @!p1 $0x0  }
0x14: {  	s2 =	sld [smem:$0x3F98];
	s0 =	simm.s32 @p1 $0x1  }
0x15: {  	[smem:$0x3FB5] =	sst s0;
	s0 =	simm.s32 @!p2 $0x0  }
0x16: {  	s3 =	sld [smem:$0x3FDB];
	s0 =	simm.s32 @p2 $0x1  }
0x17: {  	s4 =	simm.s32 $0x1BF5;
	[smem:$0x3FB7] =	sst s0  }
0x18: {  	s0 =	sld [smem:$0x3F9A];
	_ =	swait.ge [sflag:s4], $0x0  }
0x19: {  	s7 =	sld [smem:$0x3F9B]  }
0x1a: {  	s8 =	sadd.s32 $0xFFFFE003, lr  }
0x1b: {  	s9 =	sadd.s32 $0xFFFFFEF7, lr;
	s5 =	simm.s32 $0xFFFFFFFF;
	p2 =	slt.u32 s8, $0xFFFFF086  }
0x1c: {  	p1 =	slt.u32 s9, $0xF7A;
	s5 =	simm.s32 @!p2 $0x0  }
0x1d: {  	s5 =	simm.s32 @p1 $0x1;
	p0 =	seq.s32 s7, s2  }
0x1e: {  	s7 =	smul.u32 @!p0 $0xF7A, s2;
	p2 =	seq.s32 @!p0 s5, $0x0  }
0x1f: {  	s9 =	smul.u32 $0xF7A, s1;
	s8 =	simm.s32 @!p0 $0x1BF5;
	p2 =	por !p2, p0  }
0x20: {  	[sflag:s8] =	ssyncset.s32 @!p0 $0xFFFFF086;
	s6 =	sadd.s32 @!p0 s3, s7;
	s7 =	simm.s32 @!p0 $0x108  }
0x21: {  	s3 =	sadd.s32 s3, s9;
	s6 =	sadd.s32 @!p0 $0x88, s6;
	s7 =	simm.s32 @p2 $0x1082  }
0x22: {  	[simem:s7], [sflag:s8] =	dma.local @!p0 [hbm:s6], $0xF7A  }
0x23: {  	s9 =	sor.u32 $0xD0000000, s2;
	s6 =	simm.s32 $0x108;
	_ =	swait.ge @!p0 [sflag:s8], $0x0  }
0x24: {  	s3 =	sadd.s32 $0x88, s3;
	s6 =	simm.s32 @!p1 $0x1082;
	[sflag:s4] =	ssyncset.s32 $0xFFFFF086  }
0x25: {  	[simem:s6], [sflag:s4] =	dma.local [hbm:s3], $0xF7A  }
0x26: {  	[smem:$0x3F9B] =	sst s1;
	(tag) =	ssettag s2;
	_ =	strace s9  }
0x27: {  	s1 =	sld [smem:$0x3FAB]  }
0x28: {  	s2 =	sld [smem:$0x3FAC]  }
0x29: {  	s4 =	sld [smem:$0x3FAE]  }
0x2a: {  	p0 =	seq.s32 s5, $0x0;
	s5 =	sld [smem:$0x3FAF]  }
0x2b: {  	s6 =	sld [smem:$0x3FB0]  }
0x2c: {  	s7 =	sld [smem:$0x3FB1]  }
0x2d: {  	s3 =	simm.s32 $0x108;
	s8 =	sld [smem:$0x3FB2]  }
0x2e: {  	s3 =	simm.s32 @!p0 $0x1082;
	s9 =	sld [smem:$0x3FB3]  }
0x2f: {  	lr =	sadd.s32 s0, s3;
	s0 =	sld [smem:$0x3FAA]  }
0x30: {  	s3 =	sld [smem:$0x3FAD]  }
0x31: {  	[smem:$0x3FB6] =	sst s10  }
0x32: {  	s10 =	sld [smem:$0x3FB4];
	_ =	sdelay $0x3  }
0x33: {  	p0 =	seq.s32 s10, $0x1;
	s10 =	sld [smem:$0x3FB6];
	_ =	sdelay $0x3  }
0x34: {  	[smem:$0x3FB6] =	sst s10  }
0x35: {  	s10 =	sld [smem:$0x3FB5];
	_ =	sdelay $0x3  }
0x36: {  	p1 =	seq.s32 s10, $0x1;
	s10 =	sld [smem:$0x3FB6];
	_ =	sdelay $0x3  }
0x37: {  	[smem:$0x3FB6] =	sst s10  }
0x38: {  	s10 =	sld [smem:$0x3FB7]  }
0x39: {  	_ = 	snop;
	(pc) =	sbr.ind lr, $3  }
0x3a: {  	_ = 	snop  }
0x3b: {  	_ = 	snop  }
0x3c: {  	p2 =	seq.s32 s10, $0x1;
	s10 =	sld [smem:$0x3FB6]  }
0x3d: {  	_ =	shalt  }
0x3e: {  	_ =	shalt  }
0x3f: {  	_ =	shalt  }
0x40: {  	_ =	shalt  }
0x41: {  	_ =	shalt  }
0x42: {  	_ =	shalt  }
0x43: {  	_ =	shalt  }
0x44: {  	_ =	shalt  }
0x45: {  	_ =	shalt  }
0x46: {  	_ =	shalt  }
0x47: {  	_ =	shalt  }
0x48: {  	_ =	shalt  }
0x49: {  	_ =	shalt  }
0x4a: {  	_ =	shalt  }
0x4b: {  	_ =	shalt  }
0x4c: {  	_ =	shalt  }
0x4d: {  	_ =	shalt  }
0x4e: {  	_ =	shalt  }
0x4f: {  	_ =	shalt  }
0x50: {  	_ =	shalt  }
0x51: {  	_ =	shalt  }
0x52: {  	_ =	shalt  }
0x53: {  	_ =	shalt  }
0x54: {  	_ =	shalt  }
0x55: {  	_ =	shalt  }
0x56: {  	_ =	shalt  }
0x57: {  	_ =	shalt  }
0x58: {  	_ =	shalt  }
0x59: {  	_ =	shalt  }
0x5a: {  	_ =	shalt  }
0x5b: {  	_ =	shalt  }
0x5c: {  	_ =	shalt  }
0x5d: {  	_ =	shalt  }
0x5e: {  	_ =	shalt  }
0x5f: {  	_ =	shalt  }
0x60: {  	_ =	shalt  }
0x61: {  	_ =	shalt  }
0x62: {  	_ =	shalt  }
0x63: {  	_ =	shalt  }
0x64: {  	_ =	shalt  }
0x65: {  	_ =	shalt  }
0x66: {  	_ =	shalt  }
0x67: {  	_ =	shalt  }
0x68: {  	_ =	shalt  }
0x69: {  	_ =	shalt  }
0x6a: {  	_ =	shalt  }
0x6b: {  	_ =	shalt  }
0x6c: {  	_ =	shalt  }
0x6d: {  	_ =	shalt  }
0x6e: {  	_ =	shalt  }
0x6f: {  	_ =	shalt  }
0x70: {  	_ =	shalt  }
0x71: {  	_ =	shalt  }
0x72: {  	_ =	shalt  }
0x73: {  	_ =	shalt  }
0x74: {  	_ =	shalt  }
0x75: {  	_ =	shalt  }
0x76: {  	_ =	shalt  }
0x77: {  	_ =	shalt  }
0x78: {  	_ =	shalt  }
0x79: {  	_ =	shalt  }
0x7a: {  	_ =	shalt  }
0x7b: {  	_ =	shalt  }
0x7c: {  	_ =	shalt  }
0x7d: {  	_ =	shalt  }
0x7e: {  	_ =	shalt  }
0x7f: {  	_ =	shalt  }
0x80: {  	_ =	shalt  }
0x81: {  	_ =	shalt  }
0x82: {  	_ =	shalt  }
0x83: {  	_ =	shalt  }
0x84: {  	_ =	shalt  }
0x85: {  	_ =	shalt  }
0x86: {  	_ =	shalt  }
0x87: {  	_ =	shalt  }
.Lfunc_end0:
.L_simem_size_0:
called_computation.1_lowered:
.L_overlay_start_0:
0x88: {  	s2 =	sld [smem:$0x3FD9]  }
0x89: {  	s3 =	sld [smem:$0x3FFE];
	_ =	sdelay $0x1  }
0x8a: {  	s1 =	srdreg.scid  }
0x8b: {  	s0 =	sand.u32 $0x1, s1  }
0x8c: {  	s17 =	sshll.u32 s0, $0xA;
	s2 =	sadd.s32 s3, s2  }
0x8d: {  	s2 =	sadd.s32 s2, s17  }
0x8e: {  	[smem:$0x3FC2] =	sst s2  }
0x8f: {  	_ = 	snop  }
0x90: {  	s2 =	sld [smem:$0x3FD0];
	(tm) =	ssettm $0x1  }
0x91: {  	s18 =	sld [smem:$0x3FFB];
	_ =	sdelay $0x3  }
0x92: {  	_ =	strace s18  }
0x93: {  	s3 =	sld [smem:$0x3FFC];
	_ =	sdelay $0x3  }
0x94: {  	_ =	strace s3  }
0x95: {  	s3 =	sld [smem:$0x3FFD];
	_ =	sdelay $0x3  }
0x96: {  	_ =	strace s3  }
0x97: {  	_ =	strace $0x8FFFFFFF  }
0x98: {  	s19 =	sld [smem:$0x3FDB];
	_ =	sdelay $0x1  }
0x99: {  	s4 =	simm.s32 $_scs_section_size  }
0x9a: {  	s5 =	simm.s32 $_size__tile_overlayer_lowered;
	s6 =	simm.s32 $_tile_overlayer_lowered  }
0x9b: {  	s22 =	simm.s32 $0x1BFF;
	s21 =	sshll.u32 s6, $0x1;
	s3 =	sadd.s32 s4, s19  }
0x9c: {  	s7 =	simm.s32 $0x0;
	s20 =	sshll.u32 s5, $0x1;
	s5 =	sadd.s32 s21, s3  }
0x9d: {  	[timem:s7], [sflag:s22] =	dma.local [hbm:s5], s20  }
0x9e: {  	_ =	swait.ge [sflag:s22], s20  }
0x9f: {  	s4 =	ssub.s32 $0x0, s20;
	[sflag:s22] =	ssyncset.done $0x0  }
0xa0: {  	[sflag:s22] =	ssyncadd.s32 s4;
	_ =	sdelay $0x1  }
0xa1: {  	s23 =	simm.s32 $0x1B8B  }
0xa2: {  	_ =	swait.ge [sflag:s23], $0x1  }
0xa3: {  	[sflag:s23] =	ssyncset.done $0x0  }
0xa4: {  	s25 =	simm.s32 $0x1B8E;
	s24 =	sld [smem:$0x3FFE];
	[sflag:s23] =	ssyncadd.s32 $0xFFFFFFFF  }
0xa5: {  	s26 =	simm.s32 $execute0_lowered;
	[smem:$0x3FD2] =	sst s25  }
0xa6: {  	s5 =	sshll.u32 s26, $0x1;
	_ =	strace $0x80000049;
	[dreg:$0x1] =	wrdreg $0xFFFFFFFF  }
0xa7: {  	s28 =	simm.s32 $_size_execute0_lowered;
	s3 =	sadd.s32 s3, s5;
	[dreg:$0x0] =	wrdreg $0x0  }
0xa8: {  	s5 =	sshll.u32 s28, $0x1;
	[dreg:$0x2] =	wrdreg s3  }
0xa9: {  	[dreg:$0x3] =	wrdreg s5  }
0xaa: {  	[dreg:$0x4] =	wrdreg $0xC0  }
0xab: {  	_ =	task [dreg:s7], $0x5FFFF  }
0xac: {  	[dreg:$0x1] =	wrdreg $0xFFFFFFFF  }
0xad: {  	[dreg:$0x0] =	wrdreg $0x60  }
0xae: {  	[dreg:$0x2] =	wrdreg s24  }
0xaf: {  	[dreg:$0x3] =	wrdreg s2  }
0xb0: {  	[dreg:$0x4] =	wrdreg $0x0  }
0xb1: {  	[dreg:$0x5] =	wrdreg $0x9  }
0xb2: {  	_ =	task.clear_ibuf [dreg:s7], $0x6FFFF;
	_ =	strace $0x90000049  }
0xb3: {  	s29 =	simm.s32 $0x9;
	_ =	strace $0x8000004B  }
0xb4: {  	_ =	swait.ge [sflag:s29], $0x1  }
0xb5: {  	[sflag:s29] =	ssyncadd.s32 $0xFFFFFFFF  }
0xb6: {  	_ =	strace $0x9000004B  }
0xb7: {  	_ =	sfence  }
0xb8: {  	s30 =	sld [smem:$0x0];
	_ =	sdelay $0x2  }
0xb9: {  	s31 =	sshll.u32 s1, $0xD;
	s1 =	sshrl.u32 s1, $0x2  }
0xba: {  	s3 =	sand.u32 $0x4000, s31;
	s1 =	sadd.s32 s1, s30  }
0xbb: {  	s0 =	sor.u32 s3, s0;
	s1 =	sshll.u32 s1, $0x11  }
0xbc: {  	s0 =	sor.u32 s1, s0  }
0xbd: {  	s0 =	sadd.s32 $0x8F2B, s0  }
0xbe: {  	[sflag:s0] =	ssyncadd.remote.s32 $0x1  }
0xbf: {  	_ =	sfence.sel $0xFFFF  }
0xc0: {  	[dreg:$0x0] =	wrdreg $0xFFFFFFFF;
	(pc) =	sbr.abs _section_cstart, $3  }
0xc1: {  	[dreg:$0x1] =	wrdreg $0xFFFFFFFF  }
0xc2: {  	_ =	task.clear_ibuf [dreg:s7], $0x2FFFF;
	_ =	strace $0x9FFFFFFF  }
0xc3: {  	(tm) =	ssettm $0x7FFFFFFF  }
tec
execute0_lowered:
.L_overlay_start_1:
0x0: {  	(tag) =	ssettag $0x1  }
0x1: {  	s1 =	rddreg [dreg:$0x0]  }
0x2: {  	s0 =	srdreg.scid;
	s5 =	rddreg [dreg:$0x1]  }
0x3: {  	s8 =	stileid.u32;
	s2 =	rddreg [dreg:$0x2]  }
0x4: {  	s15 =	simm.s32 $0xA;
	s16 =	simm.s32 $0x80;
	s18 =	simm.s32 $0x4F80  }
0x5: {  	s29 =	simm.s32 $0x7780;
	s31 =	simm.s32 $0x7F80;
	s17 =	simm.s32 $0x2  }
0x6: {  	s19 =	simm.s32 $0x3;
	s28 =	simm.s32 $0x7;
	s30 =	simm.s32 $0x8  }
0x7: {  	s0 =	sand.u32 $0x1, s0;
	s4 =	sadd.s32 $0xBA00, s1;
	s11 =	smul.u32 $0x2780, s8  }
0x8: {  	s21 =	sadd.s32 $0x1800, s1;
	s25 =	sadd.s32 $0x6980, s1;
	s26 =	sadd.s32 $0xB7A0, s1  }
0x9: {  	s10 =	sadd.s32 $0x19E0, s1;
	s3 =	sshll.u32 s0, $0x4;
	s20 =	ssub.s32 $0x2, s0  }
0xa: {  	s0 =	smul.u32 $0x27800, s0;
	s14 =	sor.u32 s8, s3;
	s3 =	simm.s32 $0x0  }
0xb: {  	s22 =	sshrl.u32 s20, $0x1;
	s6 =	smul.u32 $0x1400, s14;
	[smem:$0x7FF] =	sst s3  }
0xc: {  	s13 =	ssub.s32 s20, s22;
	s0 =	sadd.s32 s11, s0;
	s11 =	sadd.s32 s11, s2  }
0xd: {  	p0 =	seq.s32 s14, $0x1F;
	_ =	strace $0x8000004A;
	[dreg:$0x4] =	wrdreg s21  }
0xe: {  	s20 =	simm.s32 $0x5780;
	s22 =	simm.s32 $0x5F80;
	[dreg:$0x7] =	wrdreg s25  }
0xf: {  	s14 =	simm.s32 $0x1;
	[dreg:$0x8] =	wrdreg s26;
	s0 =	sshrl.u32 s0, $0x3  }
.Ltmp0:
0x10: {  	s13 =	smax.u32 s13, $0x1;
	s6 =	sshrl.u32 s6, $0x3;
	(pc) =	sbr.rel .LBB2_1-.Ltmp0, $4  }
0x11: {  	s26 =	simm.s32 $0x6F80;
	s21 =	simm.s32 $0x4;
	s7 =	sadd.s32 s6, s1  }
0x12: {  	s25 =	simm.s32 $0x6;
	s12 =	sadd.s32 s5, s0;
	s23 =	sadd.s32 $0x1C00, s7  }
0x13: {  	s0 =	simm.s32 $0x8780;
	s24 =	sadd.s32 $0x6A20, s7;
	[dreg:$0x5] =	wrdreg s23  }
0x14: {  	v0 =	vimm.f32 $0.0e+00;
	[dreg:$0x6] =	wrdreg s24;
	s24 =	simm.s32 $0x6780;
	s23 =	simm.s32 $0x5  }
.LBB2_6:
0x15: {  	s1 =	stileid.u32;
	s3 =	sadd.s32 $0x1, s3  }
0x16: {  	[bflag:$0x0] =	sbarrier.arrive $0xFFFF;
	s1 =	sshll.u32 s1, $0x6;
	p1 =	sne.s32 s3, s13  }
.Ltmp1:
0x17: {  	s5 =	sshrl.u32 s11, $0x3;
	s1 =	sor.u32 $0x1C0A, s1;
	(pc) =	sbr.rel @!p1 .LBB2_7-.Ltmp1, $4  }
0x18: {  	[hbm:s12], [sflag:s1] =	dma.local [spmem:s5], $0x4F0  }
0x19: {  	_ =	swait.ge [sflag:s15], $0x4F0  }
0x1a: {  	[sflag:s15] =	ssyncset.done $0x0  }
0x1b: {  	[sflag:s15] =	ssyncadd.s32 $0xFFFFFB10  }
.LBB2_1:
0x1c: {  	s1 =	simm.s32 @p0 $0x0;
	s5 =	simm.s32 @p0 $0x2780;
	s6 =	rddreg [dreg:$0x7]  }
0x1d: {  	[tilespmem:s5], [sflag:$0x9] =	stream.linear.gather @p0 [hbm4b:s6+s1], $0x500, $0x38;
	[tilespmem:$0xB700] =	vst v63  }
0x1e: {  	s5 =	simm.s32 @p0 $0x3B80;
	s6 =	rddreg [dreg:$0x8]  }
0x1f: {  	[tilespmem:s5], [sflag:$0x9] =	stream.linear.gather @p0 [hbm4b:s6+s1], $0x500, $0x38;
	[tilespmem:$0xB700] =	vst v63  }
0x20: {  	s5 =	simm.s32 @p0 $0x2C80;
	s6 =	rddreg [dreg:$0x4]  }
0x21: {  	[tilespmem:s5], [sflag:$0x9] =	stream.linear.gather @p0 [hbm4b:s6+s1], $0xF00, $0x38;
	[tilespmem:$0xB700] =	vst v63  }
0x22: {  	s5 =	simm.s32 @p0 $0x4080  }
0x23: {  	[tilespmem:s5], [sflag:$0x9] =	stream.linear.gather @p0 [hbm4b:s10+s1], $0xF00, $0x38;
	[tilespmem:$0xB700] =	vst v63  }
0x24: {  	s6 =	rddreg [dreg:$0x5];
	s1 =	simm.s32 @!p0 $0x0;
	s5 =	simm.s32 @!p0 $0x2780  }
0x25: {  	[tilespmem:s5], [sflag:$0x9] =	stream.linear.gather @!p0 [hbm4b:s6+s1], $0x1400, $0x38;
	[tilespmem:$0xB700] =	vst v63  }
0x26: {  	s5 =	simm.s32 @!p0 $0x3B80;
	s6 =	rddreg [dreg:$0x6]  }
0x27: {  	[tilespmem:s5], [sflag:$0x9] =	stream.linear.gather @!p0 [hbm4b:s6+s1], $0x1400, $0x38;
	[tilespmem:$0xB700] =	vst v63  }
0x28: {  	s1 =	simm.s32 $0x40;
	s5 =	simm.s32 $0x0  }
.LBB2_2:
0x29: {  	p1 =	sne.s32 s1, $0x9DC0;
	[tilespmem:s5+$0x8F80] =	vst v0;
	s5 =	smov.u32 s1;
	s1 =	sadd.s32 $0x40, s1  }
.Ltmp2:
0x2a: {  	(pc) =	sbr.rel @p1 .LBB2_2-.Ltmp2, $2  }
0x2b: {  	_ =	sdelay $0x2  }
0x2c: {  	s5 =	sshra.s32 s5, $0x2  }
0x2d: {  	[tilespmem:s5+$0x8F80] =	vst v0;
	s1 =	simm.s32 $0x8F80  }
0x2e: {  	[spmem:s11] =	stream.linear.scatter [tilespmem:s1], [sflag:$0xA], $0x2780, $0x38;
	[tilespmem:$0xB700] =	vst v63  }
0x2f: {  	_ =	swait.ge [sflag:s15], $0x2780  }
0x30: {  	[sflag:s15] =	ssyncset.done $0x0  }
0x31: {  	[sflag:s15] =	ssyncadd.s32 $0xFFFFD880  }
0x32: {  	s1 =	simm.s32 @p0 $0x9;
	[bflag:$0x0] =	sbarrier.arrive $0xFFFF  }
0x33: {  	_ =	swait.ge @p0 [sflag:s1], $0x500  }
0x34: {  	[sflag:s1] =	ssyncset.done @p0 $0x0  }
0x35: {  	[sflag:s1] =	ssyncadd.s32 @p0 $0xFFFFFB00  }
0x36: {  	_ =	swait.ge @p0 [sflag:s1], $0x500  }
0x37: {  	[sflag:s1] =	ssyncset.done @p0 $0x0  }
0x38: {  	[sflag:s1] =	ssyncadd.s32 @p0 $0xFFFFFB00  }
0x39: {  	_ =	swait.ge @p0 [sflag:s1], $0xF00  }
0x3a: {  	[sflag:s1] =	ssyncset.done @p0 $0x0  }
0x3b: {  	[sflag:s1] =	ssyncadd.s32 @p0 $0xFFFFF100  }
0x3c: {  	_ =	swait.ge @p0 [sflag:s1], $0xF00  }
0x3d: {  	[sflag:s1] =	ssyncset.done @p0 $0x0  }
0x3e: {  	[sflag:s1] =	ssyncadd.s32 @p0 $0xFFFFF100;
	s1 =	simm.s32 @!p0 $0x9  }
0x3f: {  	_ =	swait.ge @!p0 [sflag:s1], $0x1400  }
0x40: {  	[sflag:s1] =	ssyncset.done @!p0 $0x0  }
0x41: {  	[sflag:s1] =	ssyncadd.s32 @!p0 $0xFFFFEC00  }
0x42: {  	_ =	swait.ge @!p0 [sflag:s1], $0x1400  }
0x43: {  	[sflag:s1] =	ssyncset.done @!p0 $0x0  }
0x44: {  	s7 =	simm.s32 $0x2780;
	[sflag:s1] =	ssyncadd.s32 @!p0 $0xFFFFEC00  }
0x45: {  	[tilespmem:s18], [sflag:$0x1] =	stream.indirect.gather [hbm4b:s4+s16], $0x10, s7, s16, $0xb8;
	[tilespmem:$0xB700] =	vst v63  }
0x46: {  	s8 =	simm.s32 $0x3B80  }
0x47: {  	[tilespmem:s20], [sflag:$0x2] =	stream.indirect.gather [hbm4b:s4+s16], $0x10, s8, s16, $0xb8;
	[tilespmem:$0xB700] =	vst v63  }
0x48: {  	s9 =	simm.s32 $0x2800  }
0x49: {  	[tilespmem:s22], [sflag:$0x3] =	stream.indirect.gather [hbm4b:s4+s16], $0x10, s9, s16, $0xb8;
	[tilespmem:$0xB700] =	vst v63  }
0x4a: {  	s5 =	simm.s32 $0x3C00  }
0x4b: {  	[tilespmem:s24], [sflag:$0x4] =	stream.indirect.gather [hbm4b:s4+s16], $0x10, s5, s16, $0xb8;
	[tilespmem:$0xB700] =	vst v63  }
0x4c: {  	s6 =	simm.s32 $0x2880  }
0x4d: {  	[tilespmem:s26], [sflag:$0x5] =	stream.indirect.gather [hbm4b:s4+s16], $0x10, s6, s16, $0xb8;
	[tilespmem:$0xB700] =	vst v63  }
0x4e: {  	s7 =	simm.s32 $0x3C80  }
0x4f: {  	[tilespmem:s29], [sflag:$0x6] =	stream.indirect.gather [hbm4b:s4+s16], $0x10, s7, s16, $0xb8;
	[tilespmem:$0xB700] =	vst v63  }
0x50: {  	s8 =	simm.s32 $0x2900  }
0x51: {  	[tilespmem:s31], [sflag:$0x7] =	stream.indirect.gather [hbm4b:s4+s16], $0x10, s8, s16, $0xb8;
	[tilespmem:$0xB700] =	vst v63  }
0x52: {  	s1 =	simm.s32 $0x0;
	s9 =	simm.s32 $0x3D00  }
0x53: {  	[tilespmem:s0], [sflag:$0x8] =	stream.indirect.gather [hbm4b:s4+s16], $0x10, s9, s16, $0xb8;
	[tilespmem:$0xB700] =	vst v63  }
.LBB2_4:
0x54: {  	_ =	swait.ge [sflag:s14], $0x800  }
0x55: {  	s5 =	sshra.s32 s1, $0x2;
	[sflag:s14] =	ssyncset.done $0x0  }
0x56: {  	s6 =	sadd.s32 $0x3B80, s5;
	[sflag:s14] =	ssyncadd.s32 $0xFFFFF800  }
0x57: {  	[spmem:s2] =	stream.indirect.scatter.add.f32 [tilespmem:s18], [sflag:$0xA], $0x10, s6, s16, $0xb8;
	[tilespmem:$0xB700] =	vst v63  }
0x58: {  	_ =	swait.ge [sflag:s15], $0x800  }
0x59: {  	[sflag:s15] =	ssyncset.done $0x0  }
0x5a: {  	[sflag:s15] =	ssyncadd.s32 $0xFFFFF800  }
0x5b: {  	_ =	swait.ge [sflag:s17], $0x800  }
0x5c: {  	[sflag:s17] =	ssyncset.done $0x0  }
0x5d: {  	s8 =	sadd.s32 $0x2780, s5;
	[sflag:s17] =	ssyncadd.s32 $0xFFFFF800  }
0x5e: {  	[spmem:s2] =	stream.indirect.scatter.add.f32 [tilespmem:s20], [sflag:$0xA], $0x10, s8, s16, $0xb8;
	[tilespmem:$0xB700] =	vst v63  }
0x5f: {  	p1 =	seq.s32 s1, $0x4800;
	_ =	swait.ge [sflag:s15], $0x800  }
0x60: {  	s9 =	simm.s32 @!p1 $0x4F80;
	s6 =	sshra.s32 @!p1 s1, $0x2;
	[sflag:s15] =	ssyncset.done $0x0  }
0x61: {  	s7 =	sadd.s32 @!p1 $0x2980, s6;
	s8 =	simm.s32 @!p1 $0x80;
	[sflag:s15] =	ssyncadd.s32 $0xFFFFF800  }
0x62: {  	[tilespmem:s9], [sflag:$0x1] =	stream.indirect.gather @!p1 [hbm4b:s4+s8], $0x10, s7, s8, $0xb8;
	[tilespmem:$0xB700] =	vst v63  }
0x63: {  	s7 =	sadd.s32 @!p1 $0x3D80, s6;
	s9 =	simm.s32 @!p1 $0x5780  }
0x64: {  	[tilespmem:s9], [sflag:$0x2] =	stream.indirect.gather @!p1 [hbm4b:s4+s8], $0x10, s7, s8, $0xb8;
	[tilespmem:$0xB700] =	vst v63  }
0x65: {  	_ =	swait.ge [sflag:s19], $0x800  }
0x66: {  	[sflag:s19] =	ssyncset.done $0x0  }
0x67: {  	s9 =	sadd.s32 $0x3C00, s5;
	[sflag:s19] =	ssyncadd.s32 $0xFFFFF800  }
0x68: {  	[spmem:s2] =	stream.indirect.scatter.add.f32 [tilespmem:s22], [sflag:$0xA], $0x10, s9, s16, $0xb8;
	[tilespmem:$0xB700] =	vst v63  }
0x69: {  	_ =	swait.ge [sflag:s15], $0x800  }
0x6a: {  	[sflag:s15] =	ssyncset.done $0x0  }
0x6b: {  	[sflag:s15] =	ssyncadd.s32 $0xFFFFF800  }
0x6c: {  	_ =	swait.ge [sflag:s21], $0x800  }
0x6d: {  	[sflag:s21] =	ssyncset.done $0x0  }
0x6e: {  	s9 =	sadd.s32 $0x2800, s5;
	[sflag:s21] =	ssyncadd.s32 $0xFFFFF800  }
0x6f: {  	[spmem:s2] =	stream.indirect.scatter.add.f32 [tilespmem:s24], [sflag:$0xA], $0x10, s9, s16, $0xb8;
	[tilespmem:$0xB700] =	vst v63  }
0x70: {  	_ =	swait.ge [sflag:s15], $0x800  }
0x71: {  	[sflag:s15] =	ssyncset.done $0x0  }
0x72: {  	s7 =	sadd.s32 @!p1 $0x2A00, s6;
	s9 =	simm.s32 @!p1 $0x5F80;
	[sflag:s15] =	ssyncadd.s32 $0xFFFFF800  }
0x73: {  	[tilespmem:s9], [sflag:$0x3] =	stream.indirect.gather @!p1 [hbm4b:s4+s8], $0x10, s7, s8, $0xb8;
	[tilespmem:$0xB700] =	vst v63  }
0x74: {  	s7 =	sadd.s32 @!p1 $0x3E00, s6;
	s9 =	simm.s32 @!p1 $0x6780  }
0x75: {  	[tilespmem:s9], [sflag:$0x4] =	stream.indirect.gather @!p1 [hbm4b:s4+s8], $0x10, s7, s8, $0xb8;
	[tilespmem:$0xB700] =	vst v63  }
0x76: {  	_ =	swait.ge [sflag:s23], $0x800  }
0x77: {  	[sflag:s23] =	ssyncset.done $0x0  }
0x78: {  	s9 =	sadd.s32 $0x3C80, s5;
	[sflag:s23] =	ssyncadd.s32 $0xFFFFF800  }
0x79: {  	[spmem:s2] =	stream.indirect.scatter.add.f32 [tilespmem:s26], [sflag:$0xA], $0x10, s9, s16, $0xb8;
	[tilespmem:$0xB700] =	vst v63  }
0x7a: {  	_ =	swait.ge [sflag:s15], $0x800  }
0x7b: {  	[sflag:s15] =	ssyncset.done $0x0  }
0x7c: {  	[sflag:s15] =	ssyncadd.s32 $0xFFFFF800  }
0x7d: {  	_ =	swait.ge [sflag:s25], $0x800  }
0x7e: {  	[sflag:s25] =	ssyncset.done $0x0  }
0x7f: {  	s9 =	sadd.s32 $0x2880, s5;
	[sflag:s25] =	ssyncadd.s32 $0xFFFFF800  }
0x80: {  	[spmem:s2] =	stream.indirect.scatter.add.f32 [tilespmem:s29], [sflag:$0xA], $0x10, s9, s16, $0xb8;
	[tilespmem:$0xB700] =	vst v63  }
0x81: {  	_ =	swait.ge [sflag:s15], $0x800  }
0x82: {  	[sflag:s15] =	ssyncset.done $0x0  }
0x83: {  	s7 =	sadd.s32 @!p1 $0x2A80, s6;
	s9 =	simm.s32 @!p1 $0x6F80;
	[sflag:s15] =	ssyncadd.s32 $0xFFFFF800  }
0x84: {  	[tilespmem:s9], [sflag:$0x5] =	stream.indirect.gather @!p1 [hbm4b:s4+s8], $0x10, s7, s8, $0xb8;
	[tilespmem:$0xB700] =	vst v63  }
0x85: {  	s6 =	sadd.s32 @!p1 $0x3E80, s6;
	s7 =	simm.s32 @!p1 $0x7780  }
0x86: {  	[tilespmem:s7], [sflag:$0x6] =	stream.indirect.gather @!p1 [hbm4b:s4+s8], $0x10, s6, s8, $0xb8;
	[tilespmem:$0xB700] =	vst v63  }
0x87: {  	_ =	swait.ge [sflag:s28], $0x800  }
0x88: {  	[sflag:s28] =	ssyncset.done $0x0  }
0x89: {  	s8 =	sadd.s32 $0x3D00, s5;
	[sflag:s28] =	ssyncadd.s32 $0xFFFFF800  }
0x8a: {  	[spmem:s2] =	stream.indirect.scatter.add.f32 [tilespmem:s31], [sflag:$0xA], $0x10, s8, s16, $0xb8;
	[tilespmem:$0xB700] =	vst v63  }
0x8b: {  	_ =	swait.ge [sflag:s15], $0x800  }
0x8c: {  	[sflag:s15] =	ssyncset.done $0x0  }
0x8d: {  	[sflag:s15] =	ssyncadd.s32 $0xFFFFF800  }
0x8e: {  	_ =	swait.ge [sflag:s30], $0x800  }
0x8f: {  	[sflag:s30] =	ssyncset.done $0x0  }
.Ltmp3:
0x90: {  	s9 =	sadd.s32 $0x2900, s5;
	[sflag:s30] =	ssyncadd.s32 $0xFFFFF800;
	(pc) =	sbr.rel @p1 .LBB2_6-.Ltmp3, $4  }
0x91: {  	[spmem:s2] =	stream.indirect.scatter.add.f32 [tilespmem:s0], [sflag:$0xA], $0x10, s9, s16, $0xb8;
	[tilespmem:$0xB700] =	vst v63  }
0x92: {  	_ =	swait.ge [sflag:s15], $0x800  }
0x93: {  	[sflag:s15] =	ssyncset.done $0x0  }
0x94: {  	[sflag:s15] =	ssyncadd.s32 $0xFFFFF800  }
.Ltmp4:
0x95: {  	(pc) =	sbr.rel .LBB2_4-.Ltmp4, $4  }
0x96: {  	s6 =	sadd.s32 $0x2B00, s5  }
0x97: {  	[tilespmem:s31], [sflag:$0x7] =	stream.indirect.gather [hbm4b:s4+s16], $0x10, s6, s16, $0xb8;
	[tilespmem:$0xB700] =	vst v63  }
0x98: {  	s9 =	sadd.s32 $0x3F00, s5;
	s1 =	sadd.s32 $0x800, s1  }
0x99: {  	[tilespmem:s0], [sflag:$0x8] =	stream.indirect.gather [hbm4b:s4+s16], $0x10, s9, s16, $0xb8;
	[tilespmem:$0xB700] =	vst v63  }
.LBB2_7:
0x9a: {  	_ =	sfence.sel $0x180000  }
0x9b: {  	[bflag:$0x0] =	sbarrier.arrive $0xFFFF  }
0x9c: {  	_ =	strace $0x9000004A  }
0x9d: {  	s0 =	stileid.u32;
	[bflag:$0x2] =	sbarrier.arrive $0xFFFF  }
0x9e: {  	p0 =	sne.s32 s0, $0x0;
	s0 =	rddreg [dreg:$0x3]  }
0x9f: {  	s0 =	sadd.s32 @!p0 $0x100000, s0  }
0xa0: {  	[sflag:s0] =	ssyncadd.tile.s32 @!p0 $0x1;
	_ =	shalt  }
.Lfunc_end2:
_tile_overlayer_lowered:
.L_overlay_start_2:
0xa1: {  	(tag) =	ssettag $0x2  }
0xa2: {  	s0 =	rddreg [dreg:$0x0];
	s2 =	stileid.u32  }
0xa3: {  	s1 =	rddreg [dreg:$0x1];
	p0 =	sne.s32 s2, $0x0  }
0xa4: {  	s3 =	rddreg [dreg:$0x2];
	[bflag:$0x3] =	sbarrier.arrive $0xFFFF;
	s2 =	simm.s32 @!p0 $0x1C0A  }
0xa5: {  	[timem:s3], [sflag:s2] =	dma.local @!p0 [hbm:s0], s1  }
0xa6: {  	s0 =	simm.s32 @!p0 $0xA  }
0xa7: {  	_ =	swait.ge @!p0 [sflag:s0], s1  }
0xa8: {  	s1 =	ssub.s32 @!p0 $0x0, s1;
	[sflag:s0] =	ssyncset.done @!p0 $0x0  }
0xa9: {  	[sflag:s0] =	ssyncadd.s32 @!p0 s1  }
0xaa: {  	[bflag:$0x3] =	sbarrier.arrive $0xFFFF  }
0xab: {  	_ =	shalt  }

// kernel: kernel.15.cloned.1.call-start
scs
__scs_entry_jumppad:
0x0: {  	(pc) =	sbr.rel $0x88, $3  }
0x1: {  	(tag) =	ssettag $0x0;
	lr =	simm.s32 $0x1  }
0x2: {  	[smem:$0x3F9B] =	sst lr;
	_ =	strace $0xD0000000  }
0x3: {  	_ = 	snop  }
0x4: {  	_ = 	snop  }
0x5: {  	_ = 	snop  }
0x6: {  	_ = 	snop  }
0x7: {  	_ = 	snop  }
__scs_overlays_trampoline_lowered:
0x8: {  	[smem:$0x3FAA] =	sst s0  }
0x9: {  	[smem:$0x3FAB] =	sst s1  }
0xa: {  	[smem:$0x3FAC] =	sst s2  }
0xb: {  	[smem:$0x3FAD] =	sst s3  }
0xc: {  	[smem:$0x3FAE] =	sst s4  }
0xd: {  	[smem:$0x3FAF] =	sst s5  }
0xe: {  	[smem:$0x3FB0] =	sst s6  }
0xf: {  	[smem:$0x3FB1] =	sst s7  }
0x10: {  	[smem:$0x3FB2] =	sst s8  }
0x11: {  	[smem:$0x3FB3] =	sst s9;
	s0 =	simm.s32 @!p0 $0x0  }
0x12: {  	s1 =	sld [smem:$0x3F99];
	s0 =	simm.s32 @p0 $0x1  }
0x13: {  	[smem:$0x3FB4] =	sst s0;
	s0 =	simm.s32 @!p1 $0x0  }
0x14: {  	s2 =	sld [smem:$0x3F98];
	s0 =	simm.s32 @p1 $0x1  }
0x15: {  	[smem:$0x3FB5] =	sst s0;
	s0 =	simm.s32 @!p2 $0x0  }
0x16: {  	s3 =	sld [smem:$0x3FDB];
	s0 =	simm.s32 @p2 $0x1  }
0x17: {  	s4 =	simm.s32 $0x1BF5;
	[smem:$0x3FB7] =	sst s0  }
0x18: {  	s0 =	sld [smem:$0x3F9A];
	_ =	swait.ge [sflag:s4], $0x0  }
0x19: {  	s7 =	sld [smem:$0x3F9B]  }
0x1a: {  	s8 =	sadd.s32 $0xFFFFE003, lr  }
0x1b: {  	s9 =	sadd.s32 $0xFFFFFEF7, lr;
	s5 =	simm.s32 $0xFFFFFFFF;
	p2 =	slt.u32 s8, $0xFFFFF086  }
0x1c: {  	p1 =	slt.u32 s9, $0xF7A;
	s5 =	simm.s32 @!p2 $0x0  }
0x1d: {  	s5 =	simm.s32 @p1 $0x1;
	p0 =	seq.s32 s7, s2  }
0x1e: {  	s7 =	smul.u32 @!p0 $0xF7A, s2;
	p2 =	seq.s32 @!p0 s5, $0x0  }
0x1f: {  	s9 =	smul.u32 $0xF7A, s1;
	s8 =	simm.s32 @!p0 $0x1BF5;
	p2 =	por !p2, p0  }
0x20: {  	[sflag:s8] =	ssyncset.s32 @!p0 $0xFFFFF086;
	s6 =	sadd.s32 @!p0 s3, s7;
	s7 =	simm.s32 @!p0 $0x108  }
0x21: {  	s3 =	sadd.s32 s3, s9;
	s6 =	sadd.s32 @!p0 $0x88, s6;
	s7 =	simm.s32 @p2 $0x1082  }
0x22: {  	[simem:s7], [sflag:s8] =	dma.local @!p0 [hbm:s6], $0xF7A  }
0x23: {  	s9 =	sor.u32 $0xD0000000, s2;
	s6 =	simm.s32 $0x108;
	_ =	swait.ge @!p0 [sflag:s8], $0x0  }
0x24: {  	s3 =	sadd.s32 $0x88, s3;
	s6 =	simm.s32 @!p1 $0x1082;
	[sflag:s4] =	ssyncset.s32 $0xFFFFF086  }
0x25: {  	[simem:s6], [sflag:s4] =	dma.local [hbm:s3], $0xF7A  }
0x26: {  	[smem:$0x3F9B] =	sst s1;
	(tag) =	ssettag s2;
	_ =	strace s9  }
0x27: {  	s1 =	sld [smem:$0x3FAB]  }
0x28: {  	s2 =	sld [smem:$0x3FAC]  }
0x29: {  	s4 =	sld [smem:$0x3FAE]  }
0x2a: {  	p0 =	seq.s32 s5, $0x0;
	s5 =	sld [smem:$0x3FAF]  }
0x2b: {  	s6 =	sld [smem:$0x3FB0]  }
0x2c: {  	s7 =	sld [smem:$0x3FB1]  }
0x2d: {  	s3 =	simm.s32 $0x108;
	s8 =	sld [smem:$0x3FB2]  }
0x2e: {  	s3 =	simm.s32 @!p0 $0x1082;
	s9 =	sld [smem:$0x3FB3]  }
0x2f: {  	lr =	sadd.s32 s0, s3;
	s0 =	sld [smem:$0x3FAA]  }
0x30: {  	s3 =	sld [smem:$0x3FAD]  }
0x31: {  	[smem:$0x3FB6] =	sst s10  }
0x32: {  	s10 =	sld [smem:$0x3FB4];
	_ =	sdelay $0x3  }
0x33: {  	p0 =	seq.s32 s10, $0x1;
	s10 =	sld [smem:$0x3FB6];
	_ =	sdelay $0x3  }
0x34: {  	[smem:$0x3FB6] =	sst s10  }
0x35: {  	s10 =	sld [smem:$0x3FB5];
	_ =	sdelay $0x3  }
0x36: {  	p1 =	seq.s32 s10, $0x1;
	s10 =	sld [smem:$0x3FB6];
	_ =	sdelay $0x3  }
0x37: {  	[smem:$0x3FB6] =	sst s10  }
0x38: {  	s10 =	sld [smem:$0x3FB7]  }
0x39: {  	_ = 	snop;
	(pc) =	sbr.ind lr, $3  }
0x3a: {  	_ = 	snop  }
0x3b: {  	_ = 	snop  }
0x3c: {  	p2 =	seq.s32 s10, $0x1;
	s10 =	sld [smem:$0x3FB6]  }
0x3d: {  	_ =	shalt  }
0x3e: {  	_ =	shalt  }
0x3f: {  	_ =	shalt  }
0x40: {  	_ =	shalt  }
0x41: {  	_ =	shalt  }
0x42: {  	_ =	shalt  }
0x43: {  	_ =	shalt  }
0x44: {  	_ =	shalt  }
0x45: {  	_ =	shalt  }
0x46: {  	_ =	shalt  }
0x47: {  	_ =	shalt  }
0x48: {  	_ =	shalt  }
0x49: {  	_ =	shalt  }
0x4a: {  	_ =	shalt  }
0x4b: {  	_ =	shalt  }
0x4c: {  	_ =	shalt  }
0x4d: {  	_ =	shalt  }
0x4e: {  	_ =	shalt  }
0x4f: {  	_ =	shalt  }
0x50: {  	_ =	shalt  }
0x51: {  	_ =	shalt  }
0x52: {  	_ =	shalt  }
0x53: {  	_ =	shalt  }
0x54: {  	_ =	shalt  }
0x55: {  	_ =	shalt  }
0x56: {  	_ =	shalt  }
0x57: {  	_ =	shalt  }
0x58: {  	_ =	shalt  }
0x59: {  	_ =	shalt  }
0x5a: {  	_ =	shalt  }
0x5b: {  	_ =	shalt  }
0x5c: {  	_ =	shalt  }
0x5d: {  	_ =	shalt  }
0x5e: {  	_ =	shalt  }
0x5f: {  	_ =	shalt  }
0x60: {  	_ =	shalt  }
0x61: {  	_ =	shalt  }
0x62: {  	_ =	shalt  }
0x63: {  	_ =	shalt  }
0x64: {  	_ =	shalt  }
0x65: {  	_ =	shalt  }
0x66: {  	_ =	shalt  }
0x67: {  	_ =	shalt  }
0x68: {  	_ =	shalt  }
0x69: {  	_ =	shalt  }
0x6a: {  	_ =	shalt  }
0x6b: {  	_ =	shalt  }
0x6c: {  	_ =	shalt  }
0x6d: {  	_ =	shalt  }
0x6e: {  	_ =	shalt  }
0x6f: {  	_ =	shalt  }
0x70: {  	_ =	shalt  }
0x71: {  	_ =	shalt  }
0x72: {  	_ =	shalt  }
0x73: {  	_ =	shalt  }
0x74: {  	_ =	shalt  }
0x75: {  	_ =	shalt  }
0x76: {  	_ =	shalt  }
0x77: {  	_ =	shalt  }
0x78: {  	_ =	shalt  }
0x79: {  	_ =	shalt  }
0x7a: {  	_ =	shalt  }
0x7b: {  	_ =	shalt  }
0x7c: {  	_ =	shalt  }
0x7d: {  	_ =	shalt  }
0x7e: {  	_ =	shalt  }
0x7f: {  	_ =	shalt  }
0x80: {  	_ =	shalt  }
0x81: {  	_ =	shalt  }
0x82: {  	_ =	shalt  }
0x83: {  	_ =	shalt  }
0x84: {  	_ =	shalt  }
0x85: {  	_ =	shalt  }
0x86: {  	_ =	shalt  }
0x87: {  	_ =	shalt  }
.Lfunc_end0:
.L_simem_size_0:
called_computation.2_lowered:
.L_overlay_start_0:
0x88: {  	s2 =	sld [smem:$0x3FD9]  }
0x89: {  	s3 =	sld [smem:$0x3FFE];
	_ =	sdelay $0x1  }
0x8a: {  	s1 =	srdreg.scid  }
0x8b: {  	s0 =	sand.u32 $0x1, s1  }
0x8c: {  	s17 =	sshll.u32 s0, $0xA;
	s2 =	sadd.s32 s3, s2  }
0x8d: {  	s2 =	sadd.s32 s2, s17  }
0x8e: {  	[smem:$0x3FC2] =	sst s2  }
0x8f: {  	_ = 	snop  }
0x90: {  	s2 =	sld [smem:$0x3FD0];
	(tm) =	ssettm $0x1  }
0x91: {  	s18 =	sld [smem:$0x3FFB];
	_ =	sdelay $0x3  }
0x92: {  	_ =	strace s18  }
0x93: {  	s3 =	sld [smem:$0x3FFC];
	_ =	sdelay $0x3  }
0x94: {  	_ =	strace s3  }
0x95: {  	s3 =	sld [smem:$0x3FFD];
	_ =	sdelay $0x3  }
0x96: {  	_ =	strace s3  }
0x97: {  	_ =	strace $0x8FFFFFFF  }
0x98: {  	s19 =	sld [smem:$0x3FDB];
	_ =	sdelay $0x1  }
0x99: {  	s4 =	simm.s32 $_scs_section_size  }
0x9a: {  	s5 =	simm.s32 $_size__tile_overlayer_lowered;
	s6 =	simm.s32 $_tile_overlayer_lowered  }
0x9b: {  	s22 =	simm.s32 $0x1BFF;
	s21 =	sshll.u32 s6, $0x1;
	s3 =	sadd.s32 s4, s19  }
0x9c: {  	s7 =	simm.s32 $0x0;
	s20 =	sshll.u32 s5, $0x1;
	s5 =	sadd.s32 s21, s3  }
0x9d: {  	[timem:s7], [sflag:s22] =	dma.local [hbm:s5], s20  }
0x9e: {  	_ =	swait.ge [sflag:s22], s20  }
0x9f: {  	s4 =	ssub.s32 $0x0, s20;
	[sflag:s22] =	ssyncset.done $0x0  }
0xa0: {  	[sflag:s22] =	ssyncadd.s32 s4;
	_ =	sdelay $0x1  }
0xa1: {  	s23 =	simm.s32 $0x1B8B  }
0xa2: {  	_ =	swait.ge [sflag:s23], $0x1  }
0xa3: {  	[sflag:s23] =	ssyncset.done $0x0  }
0xa4: {  	s25 =	simm.s32 $0x1B8E;
	s24 =	sld [smem:$0x3FFE];
	[sflag:s23] =	ssyncadd.s32 $0xFFFFFFFF  }
0xa5: {  	s26 =	simm.s32 $execute0_lowered;
	[smem:$0x3FD2] =	sst s25  }
0xa6: {  	s5 =	sshll.u32 s26, $0x1;
	_ =	strace $0x8000004C;
	[dreg:$0x1] =	wrdreg $0xFFFFFFFF  }
0xa7: {  	s28 =	simm.s32 $_size_execute0_lowered;
	s3 =	sadd.s32 s3, s5;
	[dreg:$0x0] =	wrdreg $0x0  }
0xa8: {  	s5 =	sshll.u32 s28, $0x1;
	[dreg:$0x2] =	wrdreg s3  }
0xa9: {  	[dreg:$0x3] =	wrdreg s5  }
0xaa: {  	[dreg:$0x4] =	wrdreg $0xC0  }
0xab: {  	_ =	task [dreg:s7], $0x5FFFF  }
0xac: {  	[dreg:$0x1] =	wrdreg $0xFFFFFFFF  }
0xad: {  	[dreg:$0x0] =	wrdreg $0x60  }
0xae: {  	[dreg:$0x2] =	wrdreg s24  }
0xaf: {  	[dreg:$0x3] =	wrdreg s2  }
0xb0: {  	[dreg:$0x4] =	wrdreg $0x0  }
0xb1: {  	[dreg:$0x5] =	wrdreg $0x9  }
0xb2: {  	_ =	task.clear_ibuf [dreg:s7], $0x6FFFF;
	_ =	strace $0x9000004C  }
0xb3: {  	s29 =	simm.s32 $0x9;
	_ =	strace $0x8000004E  }
0xb4: {  	_ =	swait.ge [sflag:s29], $0x1  }
0xb5: {  	[sflag:s29] =	ssyncadd.s32 $0xFFFFFFFF  }
0xb6: {  	_ =	strace $0x9000004E  }
0xb7: {  	_ =	sfence  }
0xb8: {  	s30 =	sld [smem:$0x0];
	_ =	sdelay $0x2  }
0xb9: {  	s31 =	sshll.u32 s1, $0xD;
	s1 =	sshrl.u32 s1, $0x2  }
0xba: {  	s3 =	sand.u32 $0x4000, s31;
	s1 =	sadd.s32 s1, s30  }
0xbb: {  	s0 =	sor.u32 s3, s0;
	s1 =	sshll.u32 s1, $0x11  }
0xbc: {  	s0 =	sor.u32 s1, s0  }
0xbd: {  	s0 =	sadd.s32 $0x8F2B, s0  }
0xbe: {  	[sflag:s0] =	ssyncadd.remote.s32 $0x1  }
0xbf: {  	_ =	sfence.sel $0xFFFF  }
0xc0: {  	[dreg:$0x0] =	wrdreg $0xFFFFFFFF;
	(pc) =	sbr.abs _section_cstart, $3  }
0xc1: {  	[dreg:$0x1] =	wrdreg $0xFFFFFFFF  }
0xc2: {  	_ =	task.clear_ibuf [dreg:s7], $0x2FFFF;
	_ =	strace $0x9FFFFFFF  }
0xc3: {  	(tm) =	ssettm $0x7FFFFFFF  }
tec
execute0_lowered:
.L_overlay_start_1:
0x0: {  	(tag) =	ssettag $0x1  }
0x1: {  	s1 =	rddreg [dreg:$0x0]  }
0x2: {  	s0 =	srdreg.scid;
	s5 =	rddreg [dreg:$0x1]  }
0x3: {  	s8 =	stileid.u32;
	s2 =	rddreg [dreg:$0x2]  }
0x4: {  	s15 =	simm.s32 $0xA;
	s16 =	simm.s32 $0x80;
	s18 =	simm.s32 $0x4F80  }
0x5: {  	s29 =	simm.s32 $0x7780;
	s31 =	simm.s32 $0x7F80;
	s17 =	simm.s32 $0x2  }
0x6: {  	s19 =	simm.s32 $0x3;
	s28 =	simm.s32 $0x7;
	s30 =	simm.s32 $0x8  }
0x7: {  	s0 =	sand.u32 $0x1, s0;
	s4 =	sadd.s32 $0xBA00, s1;
	s11 =	smul.u32 $0x2780, s8  }
0x8: {  	s21 =	sadd.s32 $0x1800, s1;
	s25 =	sadd.s32 $0x6980, s1;
	s26 =	sadd.s32 $0xB7A0, s1  }
0x9: {  	s10 =	sadd.s32 $0x19E0, s1;
	s3 =	sshll.u32 s0, $0x4;
	s20 =	ssub.s32 $0x2, s0  }
0xa: {  	s0 =	smul.u32 $0x27800, s0;
	s14 =	sor.u32 s8, s3;
	s3 =	simm.s32 $0x0  }
0xb: {  	s22 =	sshrl.u32 s20, $0x1;
	s6 =	smul.u32 $0x1400, s14;
	[smem:$0x7FF] =	sst s3  }
0xc: {  	s13 =	ssub.s32 s20, s22;
	s0 =	sadd.s32 s11, s0;
	s11 =	sadd.s32 s11, s2  }
0xd: {  	p0 =	seq.s32 s14, $0x1F;
	_ =	strace $0x8000004D;
	[dreg:$0x4] =	wrdreg s21  }
0xe: {  	s20 =	simm.s32 $0x5780;
	s22 =	simm.s32 $0x5F80;
	[dreg:$0x7] =	wrdreg s25  }
0xf: {  	s14 =	simm.s32 $0x1;
	[dreg:$0x8] =	wrdreg s26;
	s0 =	sshrl.u32 s0, $0x3  }
.Ltmp0:
0x10: {  	s13 =	smax.u32 s13, $0x1;
	s6 =	sshrl.u32 s6, $0x3;
	(pc) =	sbr.rel .LBB2_1-.Ltmp0, $4  }
0x11: {  	s26 =	simm.s32 $0x6F80;
	s21 =	simm.s32 $0x4;
	s7 =	sadd.s32 s6, s1  }
0x12: {  	s25 =	simm.s32 $0x6;
	s12 =	sadd.s32 s5, s0;
	s23 =	sadd.s32 $0x1C00, s7  }
0x13: {  	s0 =	simm.s32 $0x8780;
	s24 =	sadd.s32 $0x6A20, s7;
	[dreg:$0x5] =	wrdreg s23  }
0x14: {  	v0 =	vimm.f32 $0.0e+00;
	[dreg:$0x6] =	wrdreg s24;
	s24 =	simm.s32 $0x6780;
	s23 =	simm.s32 $0x5  }
.LBB2_6:
0x15: {  	s1 =	stileid.u32;
	s3 =	sadd.s32 $0x1, s3  }
0x16: {  	[bflag:$0x0] =	sbarrier.arrive $0xFFFF;
	s1 =	sshll.u32 s1, $0x6;
	p1 =	sne.s32 s3, s13  }
.Ltmp1:
0x17: {  	s5 =	sshrl.u32 s11, $0x3;
	s1 =	sor.u32 $0x1C0A, s1;
	(pc) =	sbr.rel @!p1 .LBB2_7-.Ltmp1, $4  }
0x18: {  	[hbm:s12], [sflag:s1] =	dma.local [spmem:s5], $0x4F0  }
0x19: {  	_ =	swait.ge [sflag:s15], $0x4F0  }
0x1a: {  	[sflag:s15] =	ssyncset.done $0x0  }
0x1b: {  	[sflag:s15] =	ssyncadd.s32 $0xFFFFFB10  }
.LBB2_1:
0x1c: {  	s1 =	simm.s32 @p0 $0x0;
	s5 =	simm.s32 @p0 $0x2780;
	s6 =	rddreg [dreg:$0x7]  }
0x1d: {  	[tilespmem:s5], [sflag:$0x9] =	stream.linear.gather @p0 [hbm4b:s6+s1], $0x500, $0x38;
	[tilespmem:$0xB700] =	vst v63  }
0x1e: {  	s5 =	simm.s32 @p0 $0x3B80;
	s6 =	rddreg [dreg:$0x8]  }
0x1f: {  	[tilespmem:s5], [sflag:$0x9] =	stream.linear.gather @p0 [hbm4b:s6+s1], $0x500, $0x38;
	[tilespmem:$0xB700] =	vst v63  }
0x20: {  	s5 =	simm.s32 @p0 $0x2C80;
	s6 =	rddreg [dreg:$0x4]  }
0x21: {  	[tilespmem:s5], [sflag:$0x9] =	stream.linear.gather @p0 [hbm4b:s6+s1], $0xF00, $0x38;
	[tilespmem:$0xB700] =	vst v63  }
0x22: {  	s5 =	simm.s32 @p0 $0x4080  }
0x23: {  	[tilespmem:s5], [sflag:$0x9] =	stream.linear.gather @p0 [hbm4b:s10+s1], $0xF00, $0x38;
	[tilespmem:$0xB700] =	vst v63  }
0x24: {  	s6 =	rddreg [dreg:$0x5];
	s1 =	simm.s32 @!p0 $0x0;
	s5 =	simm.s32 @!p0 $0x2780  }
0x25: {  	[tilespmem:s5], [sflag:$0x9] =	stream.linear.gather @!p0 [hbm4b:s6+s1], $0x1400, $0x38;
	[tilespmem:$0xB700] =	vst v63  }
0x26: {  	s5 =	simm.s32 @!p0 $0x3B80;
	s6 =	rddreg [dreg:$0x6]  }
0x27: {  	[tilespmem:s5], [sflag:$0x9] =	stream.linear.gather @!p0 [hbm4b:s6+s1], $0x1400, $0x38;
	[tilespmem:$0xB700] =	vst v63  }
0x28: {  	s1 =	simm.s32 $0x40;
	s5 =	simm.s32 $0x0  }
.LBB2_2:
0x29: {  	p1 =	sne.s32 s1, $0x9DC0;
	[tilespmem:s5+$0x8F80] =	vst v0;
	s5 =	smov.u32 s1;
	s1 =	sadd.s32 $0x40, s1  }
.Ltmp2:
0x2a: {  	(pc) =	sbr.rel @p1 .LBB2_2-.Ltmp2, $2  }
0x2b: {  	_ =	sdelay $0x2  }
0x2c: {  	s5 =	sshra.s32 s5, $0x2  }
0x2d: {  	[tilespmem:s5+$0x8F80] =	vst v0;
	s1 =	simm.s32 $0x8F80  }
0x2e: {  	[spmem:s11] =	stream.linear.scatter [tilespmem:s1], [sflag:$0xA], $0x2780, $0x38;
	[tilespmem:$0xB700] =	vst v63  }
0x2f: {  	_ =	swait.ge [sflag:s15], $0x2780  }
0x30: {  	[sflag:s15] =	ssyncset.done $0x0  }
0x31: {  	[sflag:s15] =	ssyncadd.s32 $0xFFFFD880  }
0x32: {  	s1 =	simm.s32 @p0 $0x9;
	[bflag:$0x0] =	sbarrier.arrive $0xFFFF  }
0x33: {  	_ =	swait.ge @p0 [sflag:s1], $0x500  }
0x34: {  	[sflag:s1] =	ssyncset.done @p0 $0x0  }
0x35: {  	[sflag:s1] =	ssyncadd.s32 @p0 $0xFFFFFB00  }
0x36: {  	_ =	swait.ge @p0 [sflag:s1], $0x500  }
0x37: {  	[sflag:s1] =	ssyncset.done @p0 $0x0  }
0x38: {  	[sflag:s1] =	ssyncadd.s32 @p0 $0xFFFFFB00  }
0x39: {  	_ =	swait.ge @p0 [sflag:s1], $0xF00  }
0x3a: {  	[sflag:s1] =	ssyncset.done @p0 $0x0  }
0x3b: {  	[sflag:s1] =	ssyncadd.s32 @p0 $0xFFFFF100  }
0x3c: {  	_ =	swait.ge @p0 [sflag:s1], $0xF00  }
0x3d: {  	[sflag:s1] =	ssyncset.done @p0 $0x0  }
0x3e: {  	[sflag:s1] =	ssyncadd.s32 @p0 $0xFFFFF100;
	s1 =	simm.s32 @!p0 $0x9  }
0x3f: {  	_ =	swait.ge @!p0 [sflag:s1], $0x1400  }
0x40: {  	[sflag:s1] =	ssyncset.done @!p0 $0x0  }
0x41: {  	[sflag:s1] =	ssyncadd.s32 @!p0 $0xFFFFEC00  }
0x42: {  	_ =	swait.ge @!p0 [sflag:s1], $0x1400  }
0x43: {  	[sflag:s1] =	ssyncset.done @!p0 $0x0  }
0x44: {  	s7 =	simm.s32 $0x2780;
	[sflag:s1] =	ssyncadd.s32 @!p0 $0xFFFFEC00  }
0x45: {  	[tilespmem:s18], [sflag:$0x1] =	stream.indirect.gather [hbm4b:s4+s16], $0x10, s7, s16, $0xb8;
	[tilespmem:$0xB700] =	vst v63  }
0x46: {  	s8 =	simm.s32 $0x3B80  }
0x47: {  	[tilespmem:s20], [sflag:$0x2] =	stream.indirect.gather [hbm4b:s4+s16], $0x10, s8, s16, $0xb8;
	[tilespmem:$0xB700] =	vst v63  }
0x48: {  	s9 =	simm.s32 $0x2800  }
0x49: {  	[tilespmem:s22], [sflag:$0x3] =	stream.indirect.gather [hbm4b:s4+s16], $0x10, s9, s16, $0xb8;
	[tilespmem:$0xB700] =	vst v63  }
0x4a: {  	s5 =	simm.s32 $0x3C00  }
0x4b: {  	[tilespmem:s24], [sflag:$0x4] =	stream.indirect.gather [hbm4b:s4+s16], $0x10, s5, s16, $0xb8;
	[tilespmem:$0xB700] =	vst v63  }
0x4c: {  	s6 =	simm.s32 $0x2880  }
0x4d: {  	[tilespmem:s26], [sflag:$0x5] =	stream.indirect.gather [hbm4b:s4+s16], $0x10, s6, s16, $0xb8;
	[tilespmem:$0xB700] =	vst v63  }
0x4e: {  	s7 =	simm.s32 $0x3C80  }
0x4f: {  	[tilespmem:s29], [sflag:$0x6] =	stream.indirect.gather [hbm4b:s4+s16], $0x10, s7, s16, $0xb8;
	[tilespmem:$0xB700] =	vst v63  }
0x50: {  	s8 =	simm.s32 $0x2900  }
0x51: {  	[tilespmem:s31], [sflag:$0x7] =	stream.indirect.gather [hbm4b:s4+s16], $0x10, s8, s16, $0xb8;
	[tilespmem:$0xB700] =	vst v63  }
0x52: {  	s1 =	simm.s32 $0x0;
	s9 =	simm.s32 $0x3D00  }
0x53: {  	[tilespmem:s0], [sflag:$0x8] =	stream.indirect.gather [hbm4b:s4+s16], $0x10, s9, s16, $0xb8;
	[tilespmem:$0xB700] =	vst v63  }
.LBB2_4:
0x54: {  	_ =	swait.ge [sflag:s14], $0x800  }
0x55: {  	s5 =	sshra.s32 s1, $0x2;
	[sflag:s14] =	ssyncset.done $0x0  }
0x56: {  	s6 =	sadd.s32 $0x3B80, s5;
	[sflag:s14] =	ssyncadd.s32 $0xFFFFF800  }
0x57: {  	[spmem:s2] =	stream.indirect.scatter.add.f32 [tilespmem:s18], [sflag:$0xA], $0x10, s6, s16, $0xb8;
	[tilespmem:$0xB700] =	vst v63  }
0x58: {  	_ =	swait.ge [sflag:s15], $0x800  }
0x59: {  	[sflag:s15] =	ssyncset.done $0x0  }
0x5a: {  	[sflag:s15] =	ssyncadd.s32 $0xFFFFF800  }
0x5b: {  	_ =	swait.ge [sflag:s17], $0x800  }
0x5c: {  	[sflag:s17] =	ssyncset.done $0x0  }
0x5d: {  	s8 =	sadd.s32 $0x2780, s5;
	[sflag:s17] =	ssyncadd.s32 $0xFFFFF800  }
0x5e: {  	[spmem:s2] =	stream.indirect.scatter.add.f32 [tilespmem:s20], [sflag:$0xA], $0x10, s8, s16, $0xb8;
	[tilespmem:$0xB700] =	vst v63  }
0x5f: {  	p1 =	seq.s32 s1, $0x4800;
	_ =	swait.ge [sflag:s15], $0x800  }
0x60: {  	s9 =	simm.s32 @!p1 $0x4F80;
	s6 =	sshra.s32 @!p1 s1, $0x2;
	[sflag:s15] =	ssyncset.done $0x0  }
0x61: {  	s7 =	sadd.s32 @!p1 $0x2980, s6;
	s8 =	simm.s32 @!p1 $0x80;
	[sflag:s15] =	ssyncadd.s32 $0xFFFFF800  }
0x62: {  	[tilespmem:s9], [sflag:$0x1] =	stream.indirect.gather @!p1 [hbm4b:s4+s8], $0x10, s7, s8, $0xb8;
	[tilespmem:$0xB700] =	vst v63  }
0x63: {  	s7 =	sadd.s32 @!p1 $0x3D80, s6;
	s9 =	simm.s32 @!p1 $0x5780  }
0x64: {  	[tilespmem:s9], [sflag:$0x2] =	stream.indirect.gather @!p1 [hbm4b:s4+s8], $0x10, s7, s8, $0xb8;
	[tilespmem:$0xB700] =	vst v63  }
0x65: {  	_ =	swait.ge [sflag:s19], $0x800  }
0x66: {  	[sflag:s19] =	ssyncset.done $0x0  }
0x67: {  	s9 =	sadd.s32 $0x3C00, s5;
	[sflag:s19] =	ssyncadd.s32 $0xFFFFF800  }
0x68: {  	[spmem:s2] =	stream.indirect.scatter.add.f32 [tilespmem:s22], [sflag:$0xA], $0x10, s9, s16, $0xb8;
	[tilespmem:$0xB700] =	vst v63  }
0x69: {  	_ =	swait.ge [sflag:s15], $0x800  }
0x6a: {  	[sflag:s15] =	ssyncset.done $0x0  }
0x6b: {  	[sflag:s15] =	ssyncadd.s32 $0xFFFFF800  }
0x6c: {  	_ =	swait.ge [sflag:s21], $0x800  }
0x6d: {  	[sflag:s21] =	ssyncset.done $0x0  }
0x6e: {  	s9 =	sadd.s32 $0x2800, s5;
	[sflag:s21] =	ssyncadd.s32 $0xFFFFF800  }
0x6f: {  	[spmem:s2] =	stream.indirect.scatter.add.f32 [tilespmem:s24], [sflag:$0xA], $0x10, s9, s16, $0xb8;
	[tilespmem:$0xB700] =	vst v63  }
0x70: {  	_ =	swait.ge [sflag:s15], $0x800  }
0x71: {  	[sflag:s15] =	ssyncset.done $0x0  }
0x72: {  	s7 =	sadd.s32 @!p1 $0x2A00, s6;
	s9 =	simm.s32 @!p1 $0x5F80;
	[sflag:s15] =	ssyncadd.s32 $0xFFFFF800  }
0x73: {  	[tilespmem:s9], [sflag:$0x3] =	stream.indirect.gather @!p1 [hbm4b:s4+s8], $0x10, s7, s8, $0xb8;
	[tilespmem:$0xB700] =	vst v63  }
0x74: {  	s7 =	sadd.s32 @!p1 $0x3E00, s6;
	s9 =	simm.s32 @!p1 $0x6780  }
0x75: {  	[tilespmem:s9], [sflag:$0x4] =	stream.indirect.gather @!p1 [hbm4b:s4+s8], $0x10, s7, s8, $0xb8;
	[tilespmem:$0xB700] =	vst v63  }
0x76: {  	_ =	swait.ge [sflag:s23], $0x800  }
0x77: {  	[sflag:s23] =	ssyncset.done $0x0  }
0x78: {  	s9 =	sadd.s32 $0x3C80, s5;
	[sflag:s23] =	ssyncadd.s32 $0xFFFFF800  }
0x79: {  	[spmem:s2] =	stream.indirect.scatter.add.f32 [tilespmem:s26], [sflag:$0xA], $0x10, s9, s16, $0xb8;
	[tilespmem:$0xB700] =	vst v63  }
0x7a: {  	_ =	swait.ge [sflag:s15], $0x800  }
0x7b: {  	[sflag:s15] =	ssyncset.done $0x0  }
0x7c: {  	[sflag:s15] =	ssyncadd.s32 $0xFFFFF800  }
0x7d: {  	_ =	swait.ge [sflag:s25], $0x800  }
0x7e: {  	[sflag:s25] =	ssyncset.done $0x0  }
0x7f: {  	s9 =	sadd.s32 $0x2880, s5;
	[sflag:s25] =	ssyncadd.s32 $0xFFFFF800  }
0x80: {  	[spmem:s2] =	stream.indirect.scatter.add.f32 [tilespmem:s29], [sflag:$0xA], $0x10, s9, s16, $0xb8;
	[tilespmem:$0xB700] =	vst v63  }
0x81: {  	_ =	swait.ge [sflag:s15], $0x800  }
0x82: {  	[sflag:s15] =	ssyncset.done $0x0  }
0x83: {  	s7 =	sadd.s32 @!p1 $0x2A80, s6;
	s9 =	simm.s32 @!p1 $0x6F80;
	[sflag:s15] =	ssyncadd.s32 $0xFFFFF800  }
0x84: {  	[tilespmem:s9], [sflag:$0x5] =	stream.indirect.gather @!p1 [hbm4b:s4+s8], $0x10, s7, s8, $0xb8;
	[tilespmem:$0xB700] =	vst v63  }
0x85: {  	s6 =	sadd.s32 @!p1 $0x3E80, s6;
	s7 =	simm.s32 @!p1 $0x7780  }
0x86: {  	[tilespmem:s7], [sflag:$0x6] =	stream.indirect.gather @!p1 [hbm4b:s4+s8], $0x10, s6, s8, $0xb8;
	[tilespmem:$0xB700] =	vst v63  }
0x87: {  	_ =	swait.ge [sflag:s28], $0x800  }
0x88: {  	[sflag:s28] =	ssyncset.done $0x0  }
0x89: {  	s8 =	sadd.s32 $0x3D00, s5;
	[sflag:s28] =	ssyncadd.s32 $0xFFFFF800  }
0x8a: {  	[spmem:s2] =	stream.indirect.scatter.add.f32 [tilespmem:s31], [sflag:$0xA], $0x10, s8, s16, $0xb8;
	[tilespmem:$0xB700] =	vst v63  }
0x8b: {  	_ =	swait.ge [sflag:s15], $0x800  }
0x8c: {  	[sflag:s15] =	ssyncset.done $0x0  }
0x8d: {  	[sflag:s15] =	ssyncadd.s32 $0xFFFFF800  }
0x8e: {  	_ =	swait.ge [sflag:s30], $0x800  }
0x8f: {  	[sflag:s30] =	ssyncset.done $0x0  }
.Ltmp3:
0x90: {  	s9 =	sadd.s32 $0x2900, s5;
	[sflag:s30] =	ssyncadd.s32 $0xFFFFF800;
	(pc) =	sbr.rel @p1 .LBB2_6-.Ltmp3, $4  }
0x91: {  	[spmem:s2] =	stream.indirect.scatter.add.f32 [tilespmem:s0], [sflag:$0xA], $0x10, s9, s16, $0xb8;
	[tilespmem:$0xB700] =	vst v63  }
0x92: {  	_ =	swait.ge [sflag:s15], $0x800  }
0x93: {  	[sflag:s15] =	ssyncset.done $0x0  }
0x94: {  	[sflag:s15] =	ssyncadd.s32 $0xFFFFF800  }
.Ltmp4:
0x95: {  	(pc) =	sbr.rel .LBB2_4-.Ltmp4, $4  }
0x96: {  	s6 =	sadd.s32 $0x2B00, s5  }
0x97: {  	[tilespmem:s31], [sflag:$0x7] =	stream.indirect.gather [hbm4b:s4+s16], $0x10, s6, s16, $0xb8;
	[tilespmem:$0xB700] =	vst v63  }
0x98: {  	s9 =	sadd.s32 $0x3F00, s5;
	s1 =	sadd.s32 $0x800, s1  }
0x99: {  	[tilespmem:s0], [sflag:$0x8] =	stream.indirect.gather [hbm4b:s4+s16], $0x10, s9, s16, $0xb8;
	[tilespmem:$0xB700] =	vst v63  }
.LBB2_7:
0x9a: {  	_ =	sfence.sel $0x180000  }
0x9b: {  	[bflag:$0x0] =	sbarrier.arrive $0xFFFF  }
0x9c: {  	_ =	strace $0x9000004D  }
0x9d: {  	s0 =	stileid.u32;
	[bflag:$0x2] =	sbarrier.arrive $0xFFFF  }
0x9e: {  	p0 =	sne.s32 s0, $0x0;
	s0 =	rddreg [dreg:$0x3]  }
0x9f: {  	s0 =	sadd.s32 @!p0 $0x100000, s0  }
0xa0: {  	[sflag:s0] =	ssyncadd.tile.s32 @!p0 $0x1;
	_ =	shalt  }
.Lfunc_end2:
_tile_overlayer_lowered:
.L_overlay_start_2:
0xa1: {  	(tag) =	ssettag $0x2  }
0xa2: {  	s0 =	rddreg [dreg:$0x0];
	s2 =	stileid.u32  }
0xa3: {  	s1 =	rddreg [dreg:$0x1];
	p0 =	sne.s32 s2, $0x0  }
0xa4: {  	s3 =	rddreg [dreg:$0x2];
	[bflag:$0x3] =	sbarrier.arrive $0xFFFF;
	s2 =	simm.s32 @!p0 $0x1C0A  }
0xa5: {  	[timem:s3], [sflag:s2] =	dma.local @!p0 [hbm:s0], s1  }
0xa6: {  	s0 =	simm.s32 @!p0 $0xA  }
0xa7: {  	_ =	swait.ge @!p0 [sflag:s0], s1  }
0xa8: {  	s1 =	ssub.s32 @!p0 $0x0, s1;
	[sflag:s0] =	ssyncset.done @!p0 $0x0  }
0xa9: {  	[sflag:s0] =	ssyncadd.s32 @!p0 s1  }
0xaa: {  	[bflag:$0x3] =	sbarrier.arrive $0xFFFF  }
0xab: {  	_ =	shalt  }

// kernel: kernel.9.cloned.1.call-start
scs
__scs_entry_jumppad:
0x0: {  	(pc) =	sbr.rel $0x88, $3  }
0x1: {  	(tag) =	ssettag $0x0;
	lr =	simm.s32 $0x1  }
0x2: {  	[smem:$0x3F9B] =	sst lr;
	_ =	strace $0xD0000000  }
0x3: {  	_ = 	snop  }
0x4: {  	_ = 	snop  }
0x5: {  	_ = 	snop  }
0x6: {  	_ = 	snop  }
0x7: {  	_ = 	snop  }
__scs_overlays_trampoline_lowered:
0x8: {  	[smem:$0x3FAA] =	sst s0  }
0x9: {  	[smem:$0x3FAB] =	sst s1  }
0xa: {  	[smem:$0x3FAC] =	sst s2  }
0xb: {  	[smem:$0x3FAD] =	sst s3  }
0xc: {  	[smem:$0x3FAE] =	sst s4  }
0xd: {  	[smem:$0x3FAF] =	sst s5  }
0xe: {  	[smem:$0x3FB0] =	sst s6  }
0xf: {  	[smem:$0x3FB1] =	sst s7  }
0x10: {  	[smem:$0x3FB2] =	sst s8  }
0x11: {  	[smem:$0x3FB3] =	sst s9;
	s0 =	simm.s32 @!p0 $0x0  }
0x12: {  	s1 =	sld [smem:$0x3F99];
	s0 =	simm.s32 @p0 $0x1  }
0x13: {  	[smem:$0x3FB4] =	sst s0;
	s0 =	simm.s32 @!p1 $0x0  }
0x14: {  	s2 =	sld [smem:$0x3F98];
	s0 =	simm.s32 @p1 $0x1  }
0x15: {  	[smem:$0x3FB5] =	sst s0;
	s0 =	simm.s32 @!p2 $0x0  }
0x16: {  	s3 =	sld [smem:$0x3FDB];
	s0 =	simm.s32 @p2 $0x1  }
0x17: {  	s4 =	simm.s32 $0x1BF5;
	[smem:$0x3FB7] =	sst s0  }
0x18: {  	s0 =	sld [smem:$0x3F9A];
	_ =	swait.ge [sflag:s4], $0x0  }
0x19: {  	s7 =	sld [smem:$0x3F9B]  }
0x1a: {  	s8 =	sadd.s32 $0xFFFFE003, lr  }
0x1b: {  	s9 =	sadd.s32 $0xFFFFFEF7, lr;
	s5 =	simm.s32 $0xFFFFFFFF;
	p2 =	slt.u32 s8, $0xFFFFF086  }
0x1c: {  	p1 =	slt.u32 s9, $0xF7A;
	s5 =	simm.s32 @!p2 $0x0  }
0x1d: {  	s5 =	simm.s32 @p1 $0x1;
	p0 =	seq.s32 s7, s2  }
0x1e: {  	s7 =	smul.u32 @!p0 $0xF7A, s2;
	p2 =	seq.s32 @!p0 s5, $0x0  }
0x1f: {  	s9 =	smul.u32 $0xF7A, s1;
	s8 =	simm.s32 @!p0 $0x1BF5;
	p2 =	por !p2, p0  }
0x20: {  	[sflag:s8] =	ssyncset.s32 @!p0 $0xFFFFF086;
	s6 =	sadd.s32 @!p0 s3, s7;
	s7 =	simm.s32 @!p0 $0x108  }
0x21: {  	s3 =	sadd.s32 s3, s9;
	s6 =	sadd.s32 @!p0 $0x88, s6;
	s7 =	simm.s32 @p2 $0x1082  }
0x22: {  	[simem:s7], [sflag:s8] =	dma.local @!p0 [hbm:s6], $0xF7A  }
0x23: {  	s9 =	sor.u32 $0xD0000000, s2;
	s6 =	simm.s32 $0x108;
	_ =	swait.ge @!p0 [sflag:s8], $0x0  }
0x24: {  	s3 =	sadd.s32 $0x88, s3;
	s6 =	simm.s32 @!p1 $0x1082;
	[sflag:s4] =	ssyncset.s32 $0xFFFFF086  }
0x25: {  	[simem:s6], [sflag:s4] =	dma.local [hbm:s3], $0xF7A  }
0x26: {  	[smem:$0x3F9B] =	sst s1;
	(tag) =	ssettag s2;
	_ =	strace s9  }
0x27: {  	s1 =	sld [smem:$0x3FAB]  }
0x28: {  	s2 =	sld [smem:$0x3FAC]  }
0x29: {  	s4 =	sld [smem:$0x3FAE]  }
0x2a: {  	p0 =	seq.s32 s5, $0x0;
	s5 =	sld [smem:$0x3FAF]  }
0x2b: {  	s6 =	sld [smem:$0x3FB0]  }
0x2c: {  	s7 =	sld [smem:$0x3FB1]  }
0x2d: {  	s3 =	simm.s32 $0x108;
	s8 =	sld [smem:$0x3FB2]  }
0x2e: {  	s3 =	simm.s32 @!p0 $0x1082;
	s9 =	sld [smem:$0x3FB3]  }
0x2f: {  	lr =	sadd.s32 s0, s3;
	s0 =	sld [smem:$0x3FAA]  }
0x30: {  	s3 =	sld [smem:$0x3FAD]  }
0x31: {  	[smem:$0x3FB6] =	sst s10  }
0x32: {  	s10 =	sld [smem:$0x3FB4];
	_ =	sdelay $0x3  }
0x33: {  	p0 =	seq.s32 s10, $0x1;
	s10 =	sld [smem:$0x3FB6];
	_ =	sdelay $0x3  }
0x34: {  	[smem:$0x3FB6] =	sst s10  }
0x35: {  	s10 =	sld [smem:$0x3FB5];
	_ =	sdelay $0x3  }
0x36: {  	p1 =	seq.s32 s10, $0x1;
	s10 =	sld [smem:$0x3FB6];
	_ =	sdelay $0x3  }
0x37: {  	[smem:$0x3FB6] =	sst s10  }
0x38: {  	s10 =	sld [smem:$0x3FB7]  }
0x39: {  	_ = 	snop;
	(pc) =	sbr.ind lr, $3  }
0x3a: {  	_ = 	snop  }
0x3b: {  	_ = 	snop  }
0x3c: {  	p2 =	seq.s32 s10, $0x1;
	s10 =	sld [smem:$0x3FB6]  }
0x3d: {  	_ =	shalt  }
0x3e: {  	_ =	shalt  }
0x3f: {  	_ =	shalt  }
0x40: {  	_ =	shalt  }
0x41: {  	_ =	shalt  }
0x42: {  	_ =	shalt  }
0x43: {  	_ =	shalt  }
0x44: {  	_ =	shalt  }
0x45: {  	_ =	shalt  }
0x46: {  	_ =	shalt  }
0x47: {  	_ =	shalt  }
0x48: {  	_ =	shalt  }
0x49: {  	_ =	shalt  }
0x4a: {  	_ =	shalt  }
0x4b: {  	_ =	shalt  }
0x4c: {  	_ =	shalt  }
0x4d: {  	_ =	shalt  }
0x4e: {  	_ =	shalt  }
0x4f: {  	_ =	shalt  }
0x50: {  	_ =	shalt  }
0x51: {  	_ =	shalt  }
0x52: {  	_ =	shalt  }
0x53: {  	_ =	shalt  }
0x54: {  	_ =	shalt  }
0x55: {  	_ =	shalt  }
0x56: {  	_ =	shalt  }
0x57: {  	_ =	shalt  }
0x58: {  	_ =	shalt  }
0x59: {  	_ =	shalt  }
0x5a: {  	_ =	shalt  }
0x5b: {  	_ =	shalt  }
0x5c: {  	_ =	shalt  }
0x5d: {  	_ =	shalt  }
0x5e: {  	_ =	shalt  }
0x5f: {  	_ =	shalt  }
0x60: {  	_ =	shalt  }
0x61: {  	_ =	shalt  }
0x62: {  	_ =	shalt  }
0x63: {  	_ =	shalt  }
0x64: {  	_ =	shalt  }
0x65: {  	_ =	shalt  }
0x66: {  	_ =	shalt  }
0x67: {  	_ =	shalt  }
0x68: {  	_ =	shalt  }
0x69: {  	_ =	shalt  }
0x6a: {  	_ =	shalt  }
0x6b: {  	_ =	shalt  }
0x6c: {  	_ =	shalt  }
0x6d: {  	_ =	shalt  }
0x6e: {  	_ =	shalt  }
0x6f: {  	_ =	shalt  }
0x70: {  	_ =	shalt  }
0x71: {  	_ =	shalt  }
0x72: {  	_ =	shalt  }
0x73: {  	_ =	shalt  }
0x74: {  	_ =	shalt  }
0x75: {  	_ =	shalt  }
0x76: {  	_ =	shalt  }
0x77: {  	_ =	shalt  }
0x78: {  	_ =	shalt  }
0x79: {  	_ =	shalt  }
0x7a: {  	_ =	shalt  }
0x7b: {  	_ =	shalt  }
0x7c: {  	_ =	shalt  }
0x7d: {  	_ =	shalt  }
0x7e: {  	_ =	shalt  }
0x7f: {  	_ =	shalt  }
0x80: {  	_ =	shalt  }
0x81: {  	_ =	shalt  }
0x82: {  	_ =	shalt  }
0x83: {  	_ =	shalt  }
0x84: {  	_ =	shalt  }
0x85: {  	_ =	shalt  }
0x86: {  	_ =	shalt  }
0x87: {  	_ =	shalt  }
.Lfunc_end0:
.L_simem_size_0:
called_computation_lowered:
.L_overlay_start_0:
0x88: {  	s2 =	sld [smem:$0x3FD9]  }
0x89: {  	s3 =	sld [smem:$0x3FFE];
	_ =	sdelay $0x1  }
0x8a: {  	s1 =	srdreg.scid  }
0x8b: {  	s0 =	sand.u32 $0x1, s1  }
0x8c: {  	s17 =	sshll.u32 s0, $0xA;
	s2 =	sadd.s32 s3, s2  }
0x8d: {  	s2 =	sadd.s32 s2, s17  }
0x8e: {  	[smem:$0x3FC2] =	sst s2  }
0x8f: {  	_ = 	snop  }
0x90: {  	s2 =	sld [smem:$0x3FD0];
	(tm) =	ssettm $0x1  }
0x91: {  	s18 =	sld [smem:$0x3FFB];
	_ =	sdelay $0x3  }
0x92: {  	_ =	strace s18  }
0x93: {  	s3 =	sld [smem:$0x3FFC];
	_ =	sdelay $0x3  }
0x94: {  	_ =	strace s3  }
0x95: {  	s3 =	sld [smem:$0x3FFD];
	_ =	sdelay $0x3  }
0x96: {  	_ =	strace s3  }
0x97: {  	_ =	strace $0x8FFFFFFF  }
0x98: {  	s19 =	sld [smem:$0x3FDB];
	_ =	sdelay $0x1  }
0x99: {  	s4 =	simm.s32 $_scs_section_size  }
0x9a: {  	s5 =	simm.s32 $_size__tile_overlayer_lowered;
	s6 =	simm.s32 $_tile_overlayer_lowered  }
0x9b: {  	s22 =	simm.s32 $0x1BFF;
	s21 =	sshll.u32 s6, $0x1;
	s3 =	sadd.s32 s4, s19  }
0x9c: {  	s7 =	simm.s32 $0x0;
	s20 =	sshll.u32 s5, $0x1;
	s5 =	sadd.s32 s21, s3  }
0x9d: {  	[timem:s7], [sflag:s22] =	dma.local [hbm:s5], s20  }
0x9e: {  	_ =	swait.ge [sflag:s22], s20  }
0x9f: {  	s4 =	ssub.s32 $0x0, s20;
	[sflag:s22] =	ssyncset.done $0x0  }
0xa0: {  	[sflag:s22] =	ssyncadd.s32 s4;
	_ =	sdelay $0x1  }
0xa1: {  	s23 =	simm.s32 $0x1B8B  }
0xa2: {  	_ =	swait.ge [sflag:s23], $0x1  }
0xa3: {  	[sflag:s23] =	ssyncset.done $0x0  }
0xa4: {  	s25 =	simm.s32 $0x1B8E;
	s24 =	sld [smem:$0x3FFE];
	[sflag:s23] =	ssyncadd.s32 $0xFFFFFFFF  }
0xa5: {  	s26 =	simm.s32 $execute0_lowered;
	[smem:$0x3FD2] =	sst s25  }
0xa6: {  	s5 =	sshll.u32 s26, $0x1;
	_ =	strace $0x80000046;
	[dreg:$0x1] =	wrdreg $0xFFFFFFFF  }
0xa7: {  	s28 =	simm.s32 $_size_execute0_lowered;
	s3 =	sadd.s32 s3, s5;
	[dreg:$0x0] =	wrdreg $0x0  }
0xa8: {  	s5 =	sshll.u32 s28, $0x1;
	[dreg:$0x2] =	wrdreg s3  }
0xa9: {  	[dreg:$0x3] =	wrdreg s5  }
0xaa: {  	[dreg:$0x4] =	wrdreg $0xC0  }
0xab: {  	_ =	task [dreg:s7], $0x5FFFF  }
0xac: {  	[dreg:$0x1] =	wrdreg $0xFFFFFFFF  }
0xad: {  	[dreg:$0x0] =	wrdreg $0x60  }
0xae: {  	[dreg:$0x2] =	wrdreg s24  }
0xaf: {  	[dreg:$0x3] =	wrdreg s2  }
0xb0: {  	[dreg:$0x4] =	wrdreg $0x9  }
0xb1: {  	_ =	task.clear_ibuf [dreg:s7], $0x5FFFF;
	_ =	strace $0x90000046  }
0xb2: {  	s29 =	simm.s32 $0x9;
	_ =	strace $0x80000048  }
0xb3: {  	_ =	swait.ge [sflag:s29], $0x1  }
0xb4: {  	[sflag:s29] =	ssyncadd.s32 $0xFFFFFFFF  }
0xb5: {  	_ =	strace $0x90000048  }
0xb6: {  	_ =	sfence  }
0xb7: {  	s30 =	sld [smem:$0x0];
	_ =	sdelay $0x2  }
0xb8: {  	s31 =	sshll.u32 s1, $0xD;
	s1 =	sshrl.u32 s1, $0x2  }
0xb9: {  	s3 =	sand.u32 $0x4000, s31;
	s1 =	sadd.s32 s1, s30  }
0xba: {  	s0 =	sor.u32 s3, s0;
	s1 =	sshll.u32 s1, $0x11  }
0xbb: {  	s0 =	sor.u32 s1, s0  }
0xbc: {  	s0 =	sadd.s32 $0x8F2B, s0  }
0xbd: {  	[sflag:s0] =	ssyncadd.remote.s32 $0x1  }
0xbe: {  	_ =	sfence.sel $0xFFFF  }
0xbf: {  	[dreg:$0x0] =	wrdreg $0xFFFFFFFF;
	(pc) =	sbr.abs _section_cstart, $3  }
0xc0: {  	[dreg:$0x1] =	wrdreg $0xFFFFFFFF  }
0xc1: {  	_ =	task.clear_ibuf [dreg:s7], $0x2FFFF;
	_ =	strace $0x9FFFFFFF  }
0xc2: {  	(tm) =	ssettm $0x7FFFFFFF  }
0xc3: {  	_ =	shalt  }
tec
execute0_lowered:
.L_overlay_start_1:
0x0: {  	(tag) =	ssettag $0x1  }
0x1: {  	s0 =	srdreg.scid;
	s8 =	rddreg [dreg:$0x0]  }
0x2: {  	s9 =	rddreg [dreg:$0x1];
	s2 =	simm.s32 $0x0;
	s3 =	sand.u32 $0x1, s0  }
0x3: {  	s0 =	stileid.u32;
	[smem:$0x7FF] =	sst s2;
	s1 =	sshll.u32 s3, $0x4  }
0x4: {  	s7 =	sadd.s32 $0xB7A0, s8;
	s5 =	ssub.s32 $0x2, s3;
	s11 =	sor.u32 s0, s1  }
0x5: {  	s3 =	sadd.s32 $0x1800, s8;
	s31 =	sshrl.u32 s5, $0x1;
	s4 =	smul.u32 $0x1400, s11  }
0x6: {  	s1 =	rddreg [dreg:$0x2];
	_ =	strace $0x80000047;
	s10 =	ssub.s32 s5, s31  }
0x7: {  	s12 =	smul.u32 $0x4F0, s11;
	p0 =	seq.s32 s11, $0x1F;
	s4 =	sshrl.u32 s4, $0x3  }
0x8: {  	s11 =	simm.s32 $0x2;
	s10 =	smax.u32 s10, $0x1;
	s6 =	sadd.s32 s4, s8  }
0x9: {  	s9 =	sadd.s32 s9, s12;
	s12 =	simm.s32 $0x0;
	s4 =	sadd.s32 $0x1C00, s6  }
0xa: {  	v0 =	vimm.f32 $0.0e+00;
	v1 =	vimm.f32 $1.000000000e+00;
	s5 =	sadd.s32 $0x6A20, s6;
	s6 =	sadd.s32 $0x6980, s8;
	s8 =	sadd.s32 $0x19E0, s8  }
.LBB2_1:
0xb: {  	s13 =	simm.s32 @p0 $0x0;
	s14 =	simm.s32 @p0 $0x2780  }
0xc: {  	[tilespmem:s14], [sflag:$0x1] =	stream.linear.gather @p0 [hbm4b:s6+s13], $0x500, $0x38;
	[tilespmem:$0x4F80] =	vst v63  }
0xd: {  	s14 =	simm.s32 @p0 $0x3B80  }
0xe: {  	[tilespmem:s14], [sflag:$0x1] =	stream.linear.gather @p0 [hbm4b:s7+s13], $0x500, $0x38;
	[tilespmem:$0x4F80] =	vst v63  }
0xf: {  	s14 =	simm.s32 @p0 $0x2C80  }
0x10: {  	[tilespmem:s14], [sflag:$0x1] =	stream.linear.gather @p0 [hbm4b:s3+s13], $0xF00, $0x38;
	[tilespmem:$0x4F80] =	vst v63  }
0x11: {  	s14 =	simm.s32 @p0 $0x4080  }
0x12: {  	[tilespmem:s14], [sflag:$0x1] =	stream.linear.gather @p0 [hbm4b:s8+s13], $0xF00, $0x38;
	[tilespmem:$0x4F80] =	vst v63  }
0x13: {  	s13 =	simm.s32 @!p0 $0x0;
	s14 =	simm.s32 @!p0 $0x2780  }
0x14: {  	[tilespmem:s14], [sflag:$0x1] =	stream.linear.gather @!p0 [hbm4b:s4+s13], $0x1400, $0x38;
	[tilespmem:$0x4F80] =	vst v63  }
0x15: {  	s14 =	simm.s32 @!p0 $0x3B80  }
0x16: {  	[tilespmem:s14], [sflag:$0x1] =	stream.linear.gather @!p0 [hbm4b:s5+s13], $0x1400, $0x38;
	[tilespmem:$0x4F80] =	vst v63  }
0x17: {  	s13 =	simm.s32 $0x40;
	s14 =	simm.s32 $0x0  }
.LBB2_2:
0x18: {  	p1 =	sne.s32 s13, $0x9DC0;
	[tilespmem:s14+$0x0] =	vst v0;
	s14 =	smov.u32 s13;
	s13 =	sadd.s32 $0x40, s13  }
.Ltmp0:
0x19: {  	(pc) =	sbr.rel @p1 .LBB2_2-.Ltmp0, $2  }
0x1a: {  	_ =	sdelay $0x2  }
0x1b: {  	s14 =	sshra.s32 s14, $0x2  }
0x1c: {  	[tilespmem:s14+$0x0] =	vst v0;
	s13 =	simm.s32 @p0 $0x1  }
0x1d: {  	_ =	swait.ge @p0 [sflag:s13], $0x500  }
0x1e: {  	[sflag:s13] =	ssyncset.done @p0 $0x0  }
0x1f: {  	[sflag:s13] =	ssyncadd.s32 @p0 $0xFFFFFB00  }
0x20: {  	_ =	swait.ge @p0 [sflag:s13], $0x500  }
0x21: {  	[sflag:s13] =	ssyncset.done @p0 $0x0  }
0x22: {  	[sflag:s13] =	ssyncadd.s32 @p0 $0xFFFFFB00  }
0x23: {  	_ =	swait.ge @p0 [sflag:s13], $0xF00  }
0x24: {  	[sflag:s13] =	ssyncset.done @p0 $0x0  }
0x25: {  	[sflag:s13] =	ssyncadd.s32 @p0 $0xFFFFF100  }
0x26: {  	_ =	swait.ge @p0 [sflag:s13], $0xF00  }
0x27: {  	[sflag:s13] =	ssyncset.done @p0 $0x0  }
0x28: {  	[sflag:s13] =	ssyncadd.s32 @p0 $0xFFFFF100;
	s13 =	simm.s32 @!p0 $0x1  }
0x29: {  	_ =	swait.ge @!p0 [sflag:s13], $0x1400  }
0x2a: {  	[sflag:s13] =	ssyncset.done @!p0 $0x0  }
0x2b: {  	[sflag:s13] =	ssyncadd.s32 @!p0 $0xFFFFEC00  }
0x2c: {  	_ =	swait.ge @!p0 [sflag:s13], $0x1400  }
0x2d: {  	[sflag:s13] =	ssyncset.done @!p0 $0x0  }
0x2e: {  	[sflag:s13] =	ssyncadd.s32 @!p0 $0xFFFFEC00;
	s13 =	simm.s32 $0x0  }
.LBB2_4:
0x2f: {  	s14 =	sshra.s32 s13, $0x2  }
0x30: {  	v2 =	vld [tilespmem:s14+$0x2780];
	_ =	sdelay $0x7  }
0x31: {  	[tilespmem:v2+s2+$0x0] =	vst.idx.add.f32.msk $0xffff, v1  }
0x32: {  	v2 =	vld [tilespmem:s14+$0x2790];
	_ =	sdelay $0x7  }
0x33: {  	[tilespmem:v2+s2+$0x0] =	vst.idx.add.f32.msk $0xffff, v1  }
0x34: {  	v2 =	vld [tilespmem:s14+$0x27A0];
	_ =	sdelay $0x7  }
0x35: {  	[tilespmem:v2+s2+$0x0] =	vst.idx.add.f32.msk $0xffff, v1  }
0x36: {  	v2 =	vld [tilespmem:s14+$0x27B0];
	_ =	sdelay $0x7  }
0x37: {  	[tilespmem:v2+s2+$0x0] =	vst.idx.add.f32.msk $0xffff, v1  }
0x38: {  	v2 =	vld [tilespmem:s14+$0x27C0];
	_ =	sdelay $0x7  }
0x39: {  	[tilespmem:v2+s2+$0x0] =	vst.idx.add.f32.msk $0xffff, v1  }
0x3a: {  	v2 =	vld [tilespmem:s14+$0x27D0];
	_ =	sdelay $0x7  }
0x3b: {  	[tilespmem:v2+s2+$0x0] =	vst.idx.add.f32.msk $0xffff, v1  }
0x3c: {  	v2 =	vld [tilespmem:s14+$0x27E0];
	_ =	sdelay $0x7  }
0x3d: {  	[tilespmem:v2+s2+$0x0] =	vst.idx.add.f32.msk $0xffff, v1  }
0x3e: {  	v2 =	vld [tilespmem:s14+$0x27F0];
	_ =	sdelay $0x7  }
0x3f: {  	[tilespmem:v2+s2+$0x0] =	vst.idx.add.f32.msk $0xffff, v1  }
0x40: {  	v2 =	vld [tilespmem:s14+$0x3B80];
	_ =	sdelay $0x7  }
0x41: {  	[tilespmem:v2+s2+$0x0] =	vst.idx.add.f32.msk $0xffff, v1  }
0x42: {  	v2 =	vld [tilespmem:s14+$0x3B90];
	_ =	sdelay $0x7  }
0x43: {  	[tilespmem:v2+s2+$0x0] =	vst.idx.add.f32.msk $0xffff, v1  }
0x44: {  	v2 =	vld [tilespmem:s14+$0x3BA0];
	_ =	sdelay $0x7  }
0x45: {  	[tilespmem:v2+s2+$0x0] =	vst.idx.add.f32.msk $0xffff, v1  }
0x46: {  	v2 =	vld [tilespmem:s14+$0x3BB0];
	_ =	sdelay $0x7  }
0x47: {  	[tilespmem:v2+s2+$0x0] =	vst.idx.add.f32.msk $0xffff, v1  }
0x48: {  	v2 =	vld [tilespmem:s14+$0x3BC0];
	_ =	sdelay $0x7  }
0x49: {  	[tilespmem:v2+s2+$0x0] =	vst.idx.add.f32.msk $0xffff, v1  }
0x4a: {  	v2 =	vld [tilespmem:s14+$0x3BD0];
	_ =	sdelay $0x7  }
0x4b: {  	[tilespmem:v2+s2+$0x0] =	vst.idx.add.f32.msk $0xffff, v1  }
0x4c: {  	v2 =	vld [tilespmem:s14+$0x3BE0];
	_ =	sdelay $0x7  }
0x4d: {  	[tilespmem:v2+s2+$0x0] =	vst.idx.add.f32.msk $0xffff, v1  }
0x4e: {  	v2 =	vld [tilespmem:s14+$0x3BF0];
	_ =	sdelay $0x2  }
0x4f: {  	p1 =	sne.s32 s13, $0x4E00  }
.Ltmp1:
0x50: {  	_ = 	snop;
	(pc) =	sbr.rel @p1 .LBB2_4-.Ltmp1, $2  }
0x51: {  	_ =	sdelay $0x2  }
0x52: {  	s13 =	sadd.s32 $0x200, s13;
	[tilespmem:v2+s2+$0x0] =	vst.idx.add.f32.msk $0xffff, v1  }
0x53: {  	s12 =	sadd.s32 $0x1, s12  }
0x54: {  	p1 =	sne.s32 s12, s10  }
.Ltmp2:
0x55: {  	_ = 	snop;
	(pc) =	sbr.rel @p1 .LBB2_1-.Ltmp2, $4  }
0x56: {  	[hbm4b:s9+s2] =	stream.linear.scatter [tilespmem:s2], [sflag:$0x2], $0x2780, $0x38;
	[tilespmem:$0x4F80] =	vst v63  }
0x57: {  	_ =	swait.ge [sflag:s11], $0x2780  }
0x58: {  	[sflag:s11] =	ssyncset.done $0x0  }
0x59: {  	[sflag:s11] =	ssyncadd.s32 $0xFFFFD880  }
0x5a: {  	_ =	sfence.sel $0x180000  }
0x5b: {  	[bflag:$0x0] =	sbarrier.arrive $0xFFFF  }
0x5c: {  	p0 =	sne.s32 s0, $0x0;
	_ =	strace $0x90000047  }
0x5d: {  	s0 =	sadd.s32 @!p0 $0x100000, s1;
	[bflag:$0x2] =	sbarrier.arrive $0xFFFF  }
0x5e: {  	[sflag:s0] =	ssyncadd.tile.s32 @!p0 $0x1;
	_ =	shalt  }
.Lfunc_end2:
_tile_overlayer_lowered:
.L_overlay_start_2:
0x5f: {  	(tag) =	ssettag $0x2  }
0x60: {  	s0 =	rddreg [dreg:$0x0];
	s2 =	stileid.u32  }
0x61: {  	s1 =	rddreg [dreg:$0x1];
	p0 =	sne.s32 s2, $0x0  }
0x62: {  	s3 =	rddreg [dreg:$0x2];
	[bflag:$0x3] =	sbarrier.arrive $0xFFFF;
	s2 =	simm.s32 @!p0 $0x1C02  }
0x63: {  	[timem:s3], [sflag:s2] =	dma.local @!p0 [hbm:s0], s1  }
0x64: {  	s0 =	simm.s32 @!p0 $0x2  }
0x65: {  	_ =	swait.ge @!p0 [sflag:s0], s1  }
0x66: {  	s1 =	ssub.s32 @!p0 $0x0, s1;
	[sflag:s0] =	ssyncset.done @!p0 $0x0  }
0x67: {  	[sflag:s0] =	ssyncadd.s32 @!p0 s1  }
0x68: {  	[bflag:$0x3] =	sbarrier.arrive $0xFFFF  }
0x69: {  	_ =	shalt  }

</sc_bundles>
